<compile_context>
chip_gen: v7x
topology: tpu7x:2x2x1
jax: 0.10.2.dev20260603
libtpu: 0.0.44.dev20260713+nightly
codegen_flags: <defaults>
</compile_context>

<pallas_src>
import functools

import jax
import jax.numpy as jnp
from jax import lax
from jax.experimental import pallas as pl
from jax.experimental.pallas import tpu as pltpu
from jax.experimental.pallas import tpu_sc as plsc

N = 10000
NPAD = 10112
GARBAGE_ROW = 10016
E = 320000
NW = 32
SUB = 512
KSUB = 20
SUBC = 256
KSUB2 = 80
EPAD = NW * KSUB * SUB
RPT = NPAD // 16
NG = 256
BN = 2528
GRID = NPAD // BN

_mesh = plsc.VectorSubcoreMesh(
    core_axis_name="c", subcore_axis_name="s", num_cores=2, num_subcores=16)
_sc_params = pltpu.CompilerParams(use_tc_tiling_on_sc=False)


NBUF = 2


def _ring_loop(g_ref, src_v, dst_v, rows, agg_sh, gsems, ssems, ksub):
  rows_a, rows_b = rows
  sem_a, sem_b = gsems
  del ssems
  pltpu.async_copy(g_ref.at[src_v.at[0]], rows_a, sem_a)
  pltpu.async_copy(g_ref.at[src_v.at[1]], rows_b, sem_b)

  def body(i, carry):
    j0 = 2 * i
    pltpu.make_async_copy(g_ref.at[src_v.at[j0]], rows_a, sem_a).wait()
    pltpu.sync_copy(rows_a, agg_sh.at[dst_v.at[j0]], add=True)

    @pl.when(j0 + 2 < ksub)
    def _():
      pltpu.async_copy(g_ref.at[src_v.at[j0 + 2]], rows_a, sem_a)

    pltpu.make_async_copy(g_ref.at[src_v.at[j0 + 1]], rows_b, sem_b).wait()
    pltpu.sync_copy(rows_b, agg_sh.at[dst_v.at[j0 + 1]], add=True)

    @pl.when(j0 + 3 < ksub)
    def _():
      pltpu.async_copy(g_ref.at[src_v.at[j0 + 3]], rows_b, sem_b)

    return carry

  lax.fori_loop(0, ksub // 2, body, 0)


def _make_edge_agg(D):

  @functools.partial(
      pl.kernel,
      out_type=jax.ShapeDtypeStruct((2, NPAD, D), jnp.float32),
      mesh=_mesh,
      scratch_types=[
          pltpu.VMEM((KSUB, SUB), jnp.int32),
          pltpu.VMEM((KSUB, SUB), jnp.int32),
          [pltpu.VMEM((SUB, D), jnp.float32)] * NBUF,
          pltpu.VMEM_SHARED((NPAD, D), jnp.float32),
          [pltpu.SemaphoreType.DMA] * NBUF,
          [pltpu.SemaphoreType.DMA] * NBUF,
      ],
      compiler_params=_sc_params,
  )
  def k(g_hbm, srcw, dstw, zeros_hbm, out_hbm, src_v, dst_v, rows, agg_sh,
        gsem, ssem):
    c = lax.axis_index("c")
    s = lax.axis_index("s")
    w = c * 16 + s
    base = s * RPT
    pltpu.sync_copy(zeros_hbm.at[pl.ds(base, RPT)], agg_sh.at[pl.ds(base, RPT)])
    pltpu.sync_copy(srcw.at[w], src_v)
    pltpu.sync_copy(dstw.at[w], dst_v)
    plsc.subcore_barrier()
    _ring_loop(g_hbm, src_v, dst_v, rows, agg_sh, gsem, ssem, KSUB)
    plsc.subcore_barrier()
    pltpu.sync_copy(agg_sh.at[pl.ds(base, RPT)],
                    out_hbm.at[c, pl.ds(base, RPT)])

  return k


@functools.partial(
    pl.kernel,
    out_type=jax.ShapeDtypeStruct((2, NPAD, 64), jnp.float32),
    mesh=_mesh,
    scratch_types=[
        pltpu.VMEM((KSUB2, SUBC), jnp.int32),
        pltpu.VMEM((KSUB2, SUBC), jnp.int32),
        [pltpu.VMEM((SUBC, 64), jnp.float32)] * NBUF,
        pltpu.VMEM_SHARED((NPAD, 64), jnp.float32),
        [pltpu.SemaphoreType.DMA] * NBUF,
        [pltpu.SemaphoreType.DMA] * NBUF,
    ],
    compiler_params=_sc_params,
)
def _agg_colsplit(g_hbm, srcw, dstw, zeros_hbm, out_hbm, src_v, dst_v, rows,
                  agg_sh, gsem, ssem):
  c = lax.axis_index("c")
  s = lax.axis_index("s")
  base = s * RPT
  g_my = g_hbm.at[c]
  pltpu.sync_copy(zeros_hbm.at[pl.ds(base, RPT)], agg_sh.at[pl.ds(base, RPT)])
  pltpu.sync_copy(srcw.at[s], src_v)
  pltpu.sync_copy(dstw.at[s], dst_v)
  plsc.subcore_barrier()
  _ring_loop(g_my, src_v, dst_v, rows, agg_sh, gsem, ssem, KSUB2)
  plsc.subcore_barrier()
  pltpu.sync_copy(agg_sh.at[pl.ds(base, RPT)], out_hbm.at[c, pl.ds(base, RPT)])


@functools.partial(
    pl.kernel,
    out_type=jax.ShapeDtypeStruct((2, NPAD, 16), jnp.float32),
    mesh=_mesh,
    scratch_types=[
        pltpu.VMEM((KSUB, SUB), jnp.int32),
        pltpu.VMEM((SUB, 16), jnp.float32),
        pltpu.VMEM_SHARED((NPAD, 16), jnp.float32),
        pltpu.SemaphoreType.DMA,
    ],
    compiler_params=_sc_params,
)
def _deg_kernel(dstw, zeros_hbm, ones_hbm, out_hbm, dst_v, ones_v, agg_sh,
                ssem):
  c = lax.axis_index("c")
  s = lax.axis_index("s")
  w = c * 16 + s
  base = s * RPT
  pltpu.sync_copy(zeros_hbm.at[pl.ds(base, RPT)], agg_sh.at[pl.ds(base, RPT)])
  pltpu.sync_copy(dstw.at[w], dst_v)
  pltpu.sync_copy(ones_hbm, ones_v)
  plsc.subcore_barrier()

  def body(i, carry):
    for b in range(4):
      pltpu.async_copy(ones_v, agg_sh.at[dst_v.at[4 * i + b]], ssem, add=True)
    for b in range(4):
      pltpu.make_async_copy(ones_v, agg_sh.at[dst_v.at[0]], ssem).wait()
    return carry

  lax.fori_loop(0, KSUB // 4, body, 0)
  plsc.subcore_barrier()
  pltpu.sync_copy(agg_sh.at[pl.ds(base, RPT)], out_hbm.at[c, pl.ds(base, RPT)])


_agg16 = _make_edge_agg(16)


def _row_spec(width):
  return pl.BlockSpec((BN, width), lambda i: (i, 0))


def _full_spec(shape):
  return pl.BlockSpec(shape, lambda i: tuple(0 for _ in shape))


def _t1_body(d0, d1, xp, dinv_out, xs_out):
  deg = d0[...][:, 0:1] + d1[...][:, 0:1] + 1.0
  dinv = 1.0 / jnp.sqrt(deg)
  dinv_out[...] = jnp.broadcast_to(dinv, (BN, 16))
  xs_out[...] = xp[...] * dinv


def _t3_body(a0, a1, xs, dinv, w1, b1, w2, g2_out):
  y = dinv[...] * (a0[...] + a1[...] + xs[...])
  h1 = jnp.maximum(
      jnp.dot(y, w1[...], preferred_element_type=jnp.float32) + b1[...], 0.0)
  g2 = jnp.dot(h1, w2[...], preferred_element_type=jnp.float32)
  g2 = dinv[...][:, 0:1] * g2
  g2_out[0, :, :] = g2[:, :64]
  g2_out[1, :, :] = g2[:, 64:]


def _t5_body(ga, g2, dinv, b2, w3, wl, z16_out):
  dv = dinv[...][:, 0:1]
  agg = jnp.concatenate([ga[0], ga[1]], axis=1)
  g2full = jnp.concatenate([g2[0], g2[1]], axis=1)
  h2 = jnp.maximum(dv * (agg + g2full) + b2[...], 0.0)
  w3l = jnp.dot(w3[...], wl[...], preferred_element_type=jnp.float32)
  z = dv * jnp.dot(h2, w3l, preferred_element_type=jnp.float32)
  z16_out[...] = jnp.broadcast_to(z, (BN, 16))


def _t7_body(za, zb, z16, dinv, bt, b3, wl, bl, out, pooled_acc, counts_acc):
  i = pl.program_id(0)
  s = dinv[...][:, 0:1] * (
      za[...][:, 0:1] + zb[...][:, 0:1] + z16[...][:, 0:1])
  oh = (bt[...] == lax.broadcasted_iota(jnp.int32, (BN, NG), 1)
        ).astype(jnp.float32)
  dims = (((0,), (0,)), ((), ()))
  pb = lax.dot_general(oh, s, dims, preferred_element_type=jnp.float32)
  cb = lax.dot_general(oh, jnp.ones((BN, 1), jnp.float32), dims,
                       preferred_element_type=jnp.float32)

  @pl.when(i == 0)
  def _():
    pooled_acc[...] = pb
    counts_acc[...] = cb

  @pl.when(i > 0)
  def _():
    pooled_acc[...] = pooled_acc[...] + pb
    counts_acc[...] = counts_acc[...] + cb

  @pl.when(i == GRID - 1)
  def _():
    const = jnp.dot(b3[...], wl[...],
                    preferred_element_type=jnp.float32) + bl[...]
    out[...] = pooled_acc[...] / jnp.clip(counts_acc[...], 1.0, None) + const


def kernel(x, edge_index, batch, W1, b1, W2, b2, W3, b3, Wl, bl):
  f32 = jnp.float32
  src = edge_index[0]
  dst = edge_index[1]
  npad_e = EPAD - E
  srcp = jnp.concatenate([src, jnp.zeros((npad_e,), jnp.int32)])
  dstp = jnp.concatenate([dst, jnp.full((npad_e,), GARBAGE_ROW, jnp.int32)])
  srcw = srcp.reshape(NW, KSUB, SUB)
  dstw = dstp.reshape(NW, KSUB, SUB)
  srcw2 = srcp.reshape(16, KSUB2, SUBC)
  dstw2 = dstp.reshape(16, KSUB2, SUBC)

  xpad = jnp.zeros((NPAD, 16), f32).at[:N, :9].set(x)
  zeros16 = jnp.zeros((NPAD, 16), f32)
  zeros64 = jnp.zeros((NPAD, 64), f32)
  ones16 = jnp.ones((SUB, 16), f32)
  batchpad = jnp.full((NPAD, 1), NG, jnp.int32).at[:N, 0].set(batch)
  w1p = jnp.zeros((16, 128), f32).at[:9, :].set(W1)

  degp = _deg_kernel(dstw, zeros16, ones16)

  dinv16, xs16 = pl.pallas_call(
      _t1_body,
      grid=(GRID,),
      in_specs=[_row_spec(16), _row_spec(16), _row_spec(16)],
      out_specs=[_row_spec(16), _row_spec(16)],
      out_shape=[
          jax.ShapeDtypeStruct((NPAD, 16), f32),
          jax.ShapeDtypeStruct((NPAD, 16), f32),
      ],
  )(degp[0], degp[1], xpad)

  xa = _agg16(xs16, srcw, dstw, zeros16)

  g2 = pl.pallas_call(
      _t3_body,
      grid=(GRID,),
      in_specs=[
          _row_spec(16), _row_spec(16), _row_spec(16), _row_spec(16),
          _full_spec((16, 128)), _full_spec((1, 128)), _full_spec((128, 128)),
      ],
      out_specs=pl.BlockSpec((2, BN, 64), lambda i: (0, i, 0)),
      out_shape=jax.ShapeDtypeStruct((2, NPAD, 64), f32),
  )(xa[0], xa[1], xs16, dinv16, w1p, b1.reshape(1, 128), W2)

  ga = _agg_colsplit(g2, srcw2, dstw2, zeros64)

  z16 = pl.pallas_call(
      _t5_body,
      grid=(GRID,),
      in_specs=[
          pl.BlockSpec((2, BN, 64), lambda i: (0, i, 0)),
          pl.BlockSpec((2, BN, 64), lambda i: (0, i, 0)),
          _row_spec(16),
          _full_spec((1, 128)), _full_spec((128, 128)), _full_spec((128, 1)),
      ],
      out_specs=_row_spec(16),
      out_shape=jax.ShapeDtypeStruct((NPAD, 16), f32),
  )(ga, g2, dinv16, b2.reshape(1, 128), W3, Wl)

  za = _agg16(z16, srcw, dstw, zeros16)

  out = pl.pallas_call(
      _t7_body,
      grid=(GRID,),
      in_specs=[
          _row_spec(16), _row_spec(16), _row_spec(16), _row_spec(16),
          pl.BlockSpec((BN, 1), lambda i: (i, 0)),
          _full_spec((1, 128)), _full_spec((128, 1)), _full_spec((1, 1)),
      ],
      out_specs=pl.BlockSpec((NG, 1), lambda i: (0, 0)),
      out_shape=jax.ShapeDtypeStruct((NG, 1), f32),
      scratch_shapes=[
          pltpu.VMEM((NG, 1), f32),
          pltpu.VMEM((NG, 1), f32),
      ],
  )(za[0], za[1], z16, dinv16, batchpad, b3.reshape(1, 128), Wl,
    bl.reshape(1, 1))
  return out

# --- scband reference (transcript-rebuilt; emitter-appended) ---
"""Pipeline reference for scband-turbo-gnn-77506979824039 (READ-ONLY COPY).

The authoritative reference and input builder live on the scoring server;
editing this copy changes nothing except your own understanding.
"""

import jax, jax.numpy as jnp
import numpy as np

N_NODES = 10000
N_EDGES = 320000
HIDDEN = 128
IN_FEAT = 9
NUM_GRAPHS = 256


def setup_inputs(seed: int = 0) -> dict:
    key = jax.random.key(seed)
    ks = jax.random.split(key, 12)
    x = jax.random.normal(ks[0], (N_NODES, IN_FEAT), dtype=jnp.float32)
    edge_index = jax.random.randint(ks[1], (2, N_EDGES), 0, N_NODES, dtype=jnp.int32)
    batch = jnp.sort(jax.random.randint(ks[2], (N_NODES,), 0, NUM_GRAPHS, dtype=jnp.int32))
    W1 = jax.random.normal(ks[3], (IN_FEAT, HIDDEN), dtype=jnp.float32) * (1.0 / np.sqrt(IN_FEAT))
    b1 = jnp.zeros((HIDDEN,), dtype=jnp.float32)
    W2 = jax.random.normal(ks[4], (HIDDEN, HIDDEN), dtype=jnp.float32) * (1.0 / np.sqrt(HIDDEN))
    b2 = jnp.zeros((HIDDEN,), dtype=jnp.float32)
    W3 = jax.random.normal(ks[5], (HIDDEN, HIDDEN), dtype=jnp.float32) * (1.0 / np.sqrt(HIDDEN))
    b3 = jnp.zeros((HIDDEN,), dtype=jnp.float32)
    Wl = jax.random.normal(ks[6], (HIDDEN, 1), dtype=jnp.float32) * (1.0 / np.sqrt(HIDDEN))
    bl = jnp.zeros((1,), dtype=jnp.float32)
    return {"x": x, "edge_index": edge_index, "batch": batch,
            "W1": W1, "b1": b1, "W2": W2, "b2": b2, "W3": W3, "b3": b3,
            "Wl": Wl, "bl": bl}


def reference(x, edge_index, batch, W1, b1, W2, b2, W3, b3, Wl, bl):
    n = x.shape[0]
    loop = jnp.arange(n, dtype=edge_index.dtype)
    src = jnp.concatenate([edge_index[0], loop])
    dst = jnp.concatenate([edge_index[1], loop])
    deg = jnp.zeros((n,), dtype=jnp.float32).at[dst].add(1.0)
    dinv = jnp.where(deg > 0, 1.0 / jnp.sqrt(deg), 0.0)
    norm = dinv[src] * dinv[dst]

    def gcn(h, W, b):
        hw = h @ W
        msg = hw[src] * norm[:, None]
        agg = jnp.zeros((n, W.shape[1]), dtype=jnp.float32).at[dst].add(msg)
        return agg + b

    h = jax.nn.relu(gcn(x, W1, b1))
    h = jax.nn.relu(gcn(h, W2, b2))
    h = gcn(h, W3, b3)
    sums = jax.ops.segment_sum(h, batch, num_segments=NUM_GRAPHS)
    counts = jax.ops.segment_sum(jnp.ones((n,), dtype=jnp.float32), batch, num_segments=NUM_GRAPHS)
    pooled = sums / jnp.clip(counts, 1.0, None)[:, None]
    return pooled @ Wl + bl

if __name__ == "__main__":
    import jax
    _d = setup_inputs()
    print(jax.jit(kernel)(*tuple(_d.values())))

</pallas_src>

<mosaic_0001>
#map = affine_map<(d0, d1) -> (0, 0, 0)>
#map1 = affine_map<(d0, d1) -> (0, 0)>
module attributes {stable_mosaic.version = 14 : i64} {
  func.func @_deg_kernel(%arg0: i32, %arg1: i32, %arg2: memref<32x20x512xi32, #tpu.memory_space<hbm>>, %arg3: memref<10112x16xf32, #tpu.memory_space<hbm>>, %arg4: memref<512x16xf32, #tpu.memory_space<hbm>>, %arg5: memref<2x10112x16xf32, #tpu.memory_space<hbm>>, %arg6: memref<20x512xi32, #tpu.memory_space<vmem>>, %arg7: memref<512x16xf32, #tpu.memory_space<vmem>>, %arg8: memref<10112x16xf32, #tpu.memory_space<vmem_shared>>, %arg9: memref<!tpu.dma_semaphore, #tpu.memory_space<semaphore_mem>>) attributes {dimension_semantics = [#tpu.dimension_semantics<core_parallel>, #tpu.dimension_semantics<subcore_parallel>], iteration_bounds = array<i64: 2, 16>, scalar_prefetch = 0 : i64, scratch_operands = 4 : i64, tpu.core_type = #tpu.core_type<sc_vector_subcore>, window_params = [{transform_indices = #map}, {transform_indices = #map1}, {transform_indices = #map1}, {transform_indices = #map}]} {
    %mul3A = arith.constant 16 : i32
    %mul3A_0 = arith.muli %arg0, %mul3A : i32
    %add3A = arith.addi %mul3A_0, %arg1 : i32
    %mul3A_1 = arith.constant 632 : i32
    %mul3A_2 = arith.muli %arg1, %mul3A_1 : i32
    "tpu.region"() ({
      %run_scoped3A = tpu.sem_alloc : memref<!tpu.dma_semaphore, #tpu.memory_space<semaphore_mem>>
      %dma_start3A = arith.constant 0 : i32
      %dma_start3A_9 = tpu.memref_slice %arg8[%mul3A_2, %dma_start3A] : memref<10112x16xf32, #tpu.memory_space<vmem_shared>> -> memref<632x16xf32, #tpu.memory_space<vmem_shared>>
      %dma_start3A_10 = arith.constant 0 : i32
      %dma_start3A_11 = tpu.memref_slice %arg3[%mul3A_2, %dma_start3A_10] : memref<10112x16xf32, #tpu.memory_space<hbm>> -> memref<632x16xf32, #tpu.memory_space<hbm>>
      tpu.enqueue_dma source(%dma_start3A_11 : memref<632x16xf32, #tpu.memory_space<hbm>>) target(%dma_start3A_9 : memref<632x16xf32, #tpu.memory_space<vmem_shared>>) target_semaphore(%run_scoped3A : memref<!tpu.dma_semaphore, #tpu.memory_space<semaphore_mem>>)
      %dma_wait3A = arith.constant 0 : i32
      %dma_wait3A_12 = tpu.memref_slice %arg8[%mul3A_2, %dma_wait3A] : memref<10112x16xf32, #tpu.memory_space<vmem_shared>> -> memref<632x16xf32, #tpu.memory_space<vmem_shared>>
      %dma_wait3A_13 = arith.constant 0 : i32
      %dma_wait3A_14 = tpu.memref_slice %arg3[%mul3A_2, %dma_wait3A_13] : memref<10112x16xf32, #tpu.memory_space<hbm>> -> memref<632x16xf32, #tpu.memory_space<hbm>>
      tpu.wait_dma2 semaphore(%run_scoped3A : memref<!tpu.dma_semaphore, #tpu.memory_space<semaphore_mem>>) src(%dma_wait3A_14 : memref<632x16xf32, #tpu.memory_space<hbm>>) dst(%dma_wait3A_12 : memref<632x16xf32, #tpu.memory_space<vmem_shared>>)
      tpu.yield
    }) : () -> ()
    "tpu.region"() ({
      %run_scoped3A = tpu.sem_alloc : memref<!tpu.dma_semaphore, #tpu.memory_space<semaphore_mem>>
      %dma_start3A = arith.constant 0 : i32
      %dma_start3A_9 = arith.constant 0 : i32
      %dma_start3A_10 = tpu.memref_slice %arg2[%add3A, %dma_start3A, %dma_start3A_9] : memref<32x20x512xi32, #tpu.memory_space<hbm>> -> memref<1x20x512xi32, #tpu.memory_space<hbm>>
      %dma_start3A_11 = tpu.memref_squeeze %dma_start3A_10 : memref<1x20x512xi32, #tpu.memory_space<hbm>> -> memref<20x512xi32, #tpu.memory_space<hbm>>
      %dma_start3A_12 = arith.constant 0 : i32
      %dma_start3A_13 = arith.constant 0 : i32
      %dma_start3A_14 = tpu.memref_slice %arg2[%add3A, %dma_start3A_12, %dma_start3A_13] : memref<32x20x512xi32, #tpu.memory_space<hbm>> -> memref<1x20x512xi32, #tpu.memory_space<hbm>>
      %dma_start3A_15 = tpu.memref_squeeze %dma_start3A_14 : memref<1x20x512xi32, #tpu.memory_space<hbm>> -> memref<20x512xi32, #tpu.memory_space<hbm>>
      tpu.enqueue_dma source(%dma_start3A_15 : memref<20x512xi32, #tpu.memory_space<hbm>>) target(%arg6 : memref<20x512xi32, #tpu.memory_space<vmem>>) target_semaphore(%run_scoped3A : memref<!tpu.dma_semaphore, #tpu.memory_space<semaphore_mem>>)
      %dma_wait3A = arith.constant 0 : i32
      %dma_wait3A_16 = arith.constant 0 : i32
      %dma_wait3A_17 = tpu.memref_slice %arg2[%add3A, %dma_wait3A, %dma_wait3A_16] : memref<32x20x512xi32, #tpu.memory_space<hbm>> -> memref<1x20x512xi32, #tpu.memory_space<hbm>>
      %dma_wait3A_18 = tpu.memref_squeeze %dma_wait3A_17 : memref<1x20x512xi32, #tpu.memory_space<hbm>> -> memref<20x512xi32, #tpu.memory_space<hbm>>
      %dma_wait3A_19 = arith.constant 0 : i32
      %dma_wait3A_20 = arith.constant 0 : i32
      %dma_wait3A_21 = tpu.memref_slice %arg2[%add3A, %dma_wait3A_19, %dma_wait3A_20] : memref<32x20x512xi32, #tpu.memory_space<hbm>> -> memref<1x20x512xi32, #tpu.memory_space<hbm>>
      %dma_wait3A_22 = tpu.memref_squeeze %dma_wait3A_21 : memref<1x20x512xi32, #tpu.memory_space<hbm>> -> memref<20x512xi32, #tpu.memory_space<hbm>>
      tpu.wait_dma2 semaphore(%run_scoped3A : memref<!tpu.dma_semaphore, #tpu.memory_space<semaphore_mem>>) src(%dma_wait3A_22 : memref<20x512xi32, #tpu.memory_space<hbm>>) dst(%arg6 : memref<20x512xi32, #tpu.memory_space<vmem>>)
      tpu.yield
    }) : () -> ()
    "tpu.region"() ({
      %run_scoped3A = tpu.sem_alloc : memref<!tpu.dma_semaphore, #tpu.memory_space<semaphore_mem>>
      tpu.enqueue_dma source(%arg4 : memref<512x16xf32, #tpu.memory_space<hbm>>) target(%arg7 : memref<512x16xf32, #tpu.memory_space<vmem>>) target_semaphore(%run_scoped3A : memref<!tpu.dma_semaphore, #tpu.memory_space<semaphore_mem>>)
      tpu.wait_dma2 semaphore(%run_scoped3A : memref<!tpu.dma_semaphore, #tpu.memory_space<semaphore_mem>>) src(%arg4 : memref<512x16xf32, #tpu.memory_space<hbm>>) dst(%arg7 : memref<512x16xf32, #tpu.memory_space<vmem>>)
      tpu.yield
    }) : () -> ()
    %barrier3A = arith.constant 0 : index
    tpu.barrier barrier_id(%barrier3A)
    %scan3A = arith.constant 0 : i32
    %scan3A_3 = arith.constant 0 : i32
    %scan3A_4 = arith.constant 5 : i32
    %scan3A_5 = arith.addi %scan3A_3, %scan3A_4 : i32
    %scan3A_6 = arith.constant 1 : i32
    scf.for %scan3A_9 = %scan3A_3 to %scan3A_5 step %scan3A_6  : i32 {
      %mul3A_10 = arith.constant 4 : i32
      %mul3A_11 = arith.muli %mul3A_10, %scan3A_9 : i32
      %add3A_12 = arith.constant 0 : i32
      %add3A_13 = arith.addi %mul3A_11, %add3A_12 : i32
      %dma_start3A = arith.constant 0 : i32
      %dma_start3A_14 = tpu.memref_slice %arg6[%add3A_13, %dma_start3A] : memref<20x512xi32, #tpu.memory_space<vmem>> -> memref<1x512xi32, #tpu.memory_space<vmem>>
      %dma_start3A_15 = tpu.memref_squeeze %dma_start3A_14 : memref<1x512xi32, #tpu.memory_space<vmem>> -> memref<512xi32, #tpu.memory_space<vmem>>
      %dma_start3A_16 = arith.constant 0 : i32
      %dma_start3A_17 = arith.constant 0 : i32
      %dma_start3A_18 = tpu.memref_slice %arg8[%dma_start3A_16, %dma_start3A_17] : memref<10112x16xf32, #tpu.memory_space<vmem_shared>> -> memref<10112x16xf32, #tpu.memory_space<vmem_shared>>
      tpu.enqueue_indirect_dma source(%arg7 : memref<512x16xf32, #tpu.memory_space<vmem>>) target(%dma_start3A_18 : memref<10112x16xf32, #tpu.memory_space<vmem_shared>>) offsets(%dma_start3A_15 : memref<512xi32, #tpu.memory_space<vmem>>) semaphore(%arg9 : memref<!tpu.dma_semaphore, #tpu.memory_space<semaphore_mem>>) {add = true}
      %mul3A_19 = arith.constant 4 : i32
      %mul3A_20 = arith.muli %mul3A_19, %scan3A_9 : i32
      %add3A_21 = arith.constant 1 : i32
      %add3A_22 = arith.addi %mul3A_20, %add3A_21 : i32
      %dma_start3A_23 = arith.constant 0 : i32
      %dma_start3A_24 = tpu.memref_slice %arg6[%add3A_22, %dma_start3A_23] : memref<20x512xi32, #tpu.memory_space<vmem>> -> memref<1x512xi32, #tpu.memory_space<vmem>>
      %dma_start3A_25 = tpu.memref_squeeze %dma_start3A_24 : memref<1x512xi32, #tpu.memory_space<vmem>> -> memref<512xi32, #tpu.memory_space<vmem>>
      %dma_start3A_26 = arith.constant 0 : i32
      %dma_start3A_27 = arith.constant 0 : i32
      %dma_start3A_28 = tpu.memref_slice %arg8[%dma_start3A_26, %dma_start3A_27] : memref<10112x16xf32, #tpu.memory_space<vmem_shared>> -> memref<10112x16xf32, #tpu.memory_space<vmem_shared>>
      tpu.enqueue_indirect_dma source(%arg7 : memref<512x16xf32, #tpu.memory_space<vmem>>) target(%dma_start3A_28 : memref<10112x16xf32, #tpu.memory_space<vmem_shared>>) offsets(%dma_start3A_25 : memref<512xi32, #tpu.memory_space<vmem>>) semaphore(%arg9 : memref<!tpu.dma_semaphore, #tpu.memory_space<semaphore_mem>>) {add = true}
      %mul3A_29 = arith.constant 4 : i32
      %mul3A_30 = arith.muli %mul3A_29, %scan3A_9 : i32
      %add3A_31 = arith.constant 2 : i32
      %add3A_32 = arith.addi %mul3A_30, %add3A_31 : i32
      %dma_start3A_33 = arith.constant 0 : i32
      %dma_start3A_34 = tpu.memref_slice %arg6[%add3A_32, %dma_start3A_33] : memref<20x512xi32, #tpu.memory_space<vmem>> -> memref<1x512xi32, #tpu.memory_space<vmem>>
      %dma_start3A_35 = tpu.memref_squeeze %dma_start3A_34 : memref<1x512xi32, #tpu.memory_space<vmem>> -> memref<512xi32, #tpu.memory_space<vmem>>
      %dma_start3A_36 = arith.constant 0 : i32
      %dma_start3A_37 = arith.constant 0 : i32
      %dma_start3A_38 = tpu.memref_slice %arg8[%dma_start3A_36, %dma_start3A_37] : memref<10112x16xf32, #tpu.memory_space<vmem_shared>> -> memref<10112x16xf32, #tpu.memory_space<vmem_shared>>
      tpu.enqueue_indirect_dma source(%arg7 : memref<512x16xf32, #tpu.memory_space<vmem>>) target(%dma_start3A_38 : memref<10112x16xf32, #tpu.memory_space<vmem_shared>>) offsets(%dma_start3A_35 : memref<512xi32, #tpu.memory_space<vmem>>) semaphore(%arg9 : memref<!tpu.dma_semaphore, #tpu.memory_space<semaphore_mem>>) {add = true}
      %mul3A_39 = arith.constant 4 : i32
      %mul3A_40 = arith.muli %mul3A_39, %scan3A_9 : i32
      %add3A_41 = arith.constant 3 : i32
      %add3A_42 = arith.addi %mul3A_40, %add3A_41 : i32
      %dma_start3A_43 = arith.constant 0 : i32
      %dma_start3A_44 = tpu.memref_slice %arg6[%add3A_42, %dma_start3A_43] : memref<20x512xi32, #tpu.memory_space<vmem>> -> memref<1x512xi32, #tpu.memory_space<vmem>>
      %dma_start3A_45 = tpu.memref_squeeze %dma_start3A_44 : memref<1x512xi32, #tpu.memory_space<vmem>> -> memref<512xi32, #tpu.memory_space<vmem>>
      %dma_start3A_46 = arith.constant 0 : i32
      %dma_start3A_47 = arith.constant 0 : i32
      %dma_start3A_48 = tpu.memref_slice %arg8[%dma_start3A_46, %dma_start3A_47] : memref<10112x16xf32, #tpu.memory_space<vmem_shared>> -> memref<10112x16xf32, #tpu.memory_space<vmem_shared>>
      tpu.enqueue_indirect_dma source(%arg7 : memref<512x16xf32, #tpu.memory_space<vmem>>) target(%dma_start3A_48 : memref<10112x16xf32, #tpu.memory_space<vmem_shared>>) offsets(%dma_start3A_45 : memref<512xi32, #tpu.memory_space<vmem>>) semaphore(%arg9 : memref<!tpu.dma_semaphore, #tpu.memory_space<semaphore_mem>>) {add = true}
      %dma_wait3A = arith.constant 0 : i32
      %dma_wait3A_49 = arith.constant 0 : i32
      %dma_wait3A_50 = tpu.memref_slice %arg6[%dma_wait3A, %dma_wait3A_49] : memref<20x512xi32, #tpu.memory_space<vmem>> -> memref<1x512xi32, #tpu.memory_space<vmem>>
      %dma_wait3A_51 = tpu.memref_squeeze %dma_wait3A_50 : memref<1x512xi32, #tpu.memory_space<vmem>> -> memref<512xi32, #tpu.memory_space<vmem>>
      %dma_wait3A_52 = arith.constant 0 : i32
      %dma_wait3A_53 = arith.constant 0 : i32
      %dma_wait3A_54 = tpu.memref_slice %arg8[%dma_wait3A_52, %dma_wait3A_53] : memref<10112x16xf32, #tpu.memory_space<vmem_shared>> -> memref<10112x16xf32, #tpu.memory_space<vmem_shared>>
      tpu.wait_indirect_dma semaphore(%arg9 : memref<!tpu.dma_semaphore, #tpu.memory_space<semaphore_mem>>) src(%arg7 : memref<512x16xf32, #tpu.memory_space<vmem>>) dst(%dma_wait3A_54 : memref<10112x16xf32, #tpu.memory_space<vmem_shared>>)
      %dma_wait3A_55 = arith.constant 0 : i32
      %dma_wait3A_56 = arith.constant 0 : i32
      %dma_wait3A_57 = tpu.memref_slice %arg6[%dma_wait3A_55, %dma_wait3A_56] : memref<20x512xi32, #tpu.memory_space<vmem>> -> memref<1x512xi32, #tpu.memory_space<vmem>>
      %dma_wait3A_58 = tpu.memref_squeeze %dma_wait3A_57 : memref<1x512xi32, #tpu.memory_space<vmem>> -> memref<512xi32, #tpu.memory_space<vmem>>
      %dma_wait3A_59 = arith.constant 0 : i32
      %dma_wait3A_60 = arith.constant 0 : i32
      %dma_wait3A_61 = tpu.memref_slice %arg8[%dma_wait3A_59, %dma_wait3A_60] : memref<10112x16xf32, #tpu.memory_space<vmem_shared>> -> memref<10112x16xf32, #tpu.memory_space<vmem_shared>>
      tpu.wait_indirect_dma semaphore(%arg9 : memref<!tpu.dma_semaphore, #tpu.memory_space<semaphore_mem>>) src(%arg7 : memref<512x16xf32, #tpu.memory_space<vmem>>) dst(%dma_wait3A_61 : memref<10112x16xf32, #tpu.memory_space<vmem_shared>>)
      %dma_wait3A_62 = arith.constant 0 : i32
      %dma_wait3A_63 = arith.constant 0 : i32
      %dma_wait3A_64 = tpu.memref_slice %arg6[%dma_wait3A_62, %dma_wait3A_63] : memref<20x512xi32, #tpu.memory_space<vmem>> -> memref<1x512xi32, #tpu.memory_space<vmem>>
      %dma_wait3A_65 = tpu.memref_squeeze %dma_wait3A_64 : memref<1x512xi32, #tpu.memory_space<vmem>> -> memref<512xi32, #tpu.memory_space<vmem>>
      %dma_wait3A_66 = arith.constant 0 : i32
      %dma_wait3A_67 = arith.constant 0 : i32
      %dma_wait3A_68 = tpu.memref_slice %arg8[%dma_wait3A_66, %dma_wait3A_67] : memref<10112x16xf32, #tpu.memory_space<vmem_shared>> -> memref<10112x16xf32, #tpu.memory_space<vmem_shared>>
      tpu.wait_indirect_dma semaphore(%arg9 : memref<!tpu.dma_semaphore, #tpu.memory_space<semaphore_mem>>) src(%arg7 : memref<512x16xf32, #tpu.memory_space<vmem>>) dst(%dma_wait3A_68 : memref<10112x16xf32, #tpu.memory_space<vmem_shared>>)
      %dma_wait3A_69 = arith.constant 0 : i32
      %dma_wait3A_70 = arith.constant 0 : i32
      %dma_wait3A_71 = tpu.memref_slice %arg6[%dma_wait3A_69, %dma_wait3A_70] : memref<20x512xi32, #tpu.memory_space<vmem>> -> memref<1x512xi32, #tpu.memory_space<vmem>>
      %dma_wait3A_72 = tpu.memref_squeeze %dma_wait3A_71 : memref<1x512xi32, #tpu.memory_space<vmem>> -> memref<512xi32, #tpu.memory_space<vmem>>
      %dma_wait3A_73 = arith.constant 0 : i32
      %dma_wait3A_74 = arith.constant 0 : i32
      %dma_wait3A_75 = tpu.memref_slice %arg8[%dma_wait3A_73, %dma_wait3A_74] : memref<10112x16xf32, #tpu.memory_space<vmem_shared>> -> memref<10112x16xf32, #tpu.memory_space<vmem_shared>>
      tpu.wait_indirect_dma semaphore(%arg9 : memref<!tpu.dma_semaphore, #tpu.memory_space<semaphore_mem>>) src(%arg7 : memref<512x16xf32, #tpu.memory_space<vmem>>) dst(%dma_wait3A_75 : memref<10112x16xf32, #tpu.memory_space<vmem_shared>>)
    }
    %scan3A_7 = arith.constant 5 : i32
    %barrier3A_8 = arith.constant 0 : index
    tpu.barrier barrier_id(%barrier3A_8)
    "tpu.region"() ({
      %run_scoped3A = tpu.sem_alloc : memref<!tpu.dma_semaphore, #tpu.memory_space<semaphore_mem>>
      %dma_start3A = arith.constant 0 : i32
      %dma_start3A_9 = tpu.memref_slice %arg5[%arg0, %mul3A_2, %dma_start3A] : memref<2x10112x16xf32, #tpu.memory_space<hbm>> -> memref<1x632x16xf32, #tpu.memory_space<hbm>>
      %dma_start3A_10 = tpu.memref_squeeze %dma_start3A_9 : memref<1x632x16xf32, #tpu.memory_space<hbm>> -> memref<632x16xf32, #tpu.memory_space<hbm>>
      %dma_start3A_11 = arith.constant 0 : i32
      %dma_start3A_12 = tpu.memref_slice %arg8[%mul3A_2, %dma_start3A_11] : memref<10112x16xf32, #tpu.memory_space<vmem_shared>> -> memref<632x16xf32, #tpu.memory_space<vmem_shared>>
      tpu.enqueue_dma source(%dma_start3A_12 : memref<632x16xf32, #tpu.memory_space<vmem_shared>>) target(%dma_start3A_10 : memref<632x16xf32, #tpu.memory_space<hbm>>) target_semaphore(%run_scoped3A : memref<!tpu.dma_semaphore, #tpu.memory_space<semaphore_mem>>)
      %dma_wait3A = arith.constant 0 : i32
      %dma_wait3A_13 = tpu.memref_slice %arg5[%arg0, %mul3A_2, %dma_wait3A] : memref<2x10112x16xf32, #tpu.memory_space<hbm>> -> memref<1x632x16xf32, #tpu.memory_space<hbm>>
      %dma_wait3A_14 = tpu.memref_squeeze %dma_wait3A_13 : memref<1x632x16xf32, #tpu.memory_space<hbm>> -> memref<632x16xf32, #tpu.memory_space<hbm>>
      %dma_wait3A_15 = arith.constant 0 : i32
      %dma_wait3A_16 = tpu.memref_slice %arg8[%mul3A_2, %dma_wait3A_15] : memref<10112x16xf32, #tpu.memory_space<vmem_shared>> -> memref<632x16xf32, #tpu.memory_space<vmem_shared>>
      tpu.wait_dma2 semaphore(%run_scoped3A : memref<!tpu.dma_semaphore, #tpu.memory_space<semaphore_mem>>) src(%dma_wait3A_16 : memref<632x16xf32, #tpu.memory_space<vmem_shared>>) dst(%dma_wait3A_14 : memref<632x16xf32, #tpu.memory_space<hbm>>)
      tpu.yield
    }) : () -> ()
    return
  }
}

#map = affine_map<(d0, d1) -> (0, 0, 0)>
#map1 = affine_map<(d0, d1) -> (0, 0)>
module attributes {stable_mosaic.version = 14 : i64} {
  func.func @_agg_colsplit(%arg0: i32, %arg1: i32, %arg2: memref<2x10112x64xf32, #tpu.memory_space<hbm>>, %arg3: memref<16x80x256xi32, #tpu.memory_space<hbm>>, %arg4: memref<16x80x256xi32, #tpu.memory_space<hbm>>, %arg5: memref<10112x64xf32, #tpu.memory_space<hbm>>, %arg6: memref<2x10112x64xf32, #tpu.memory_space<hbm>>, %arg7: memref<80x256xi32, #tpu.memory_space<vmem>>, %arg8: memref<80x256xi32, #tpu.memory_space<vmem>>, %arg9: memref<256x64xf32, #tpu.memory_space<vmem>>, %arg10: memref<256x64xf32, #tpu.memory_space<vmem>>, %arg11: memref<10112x64xf32, #tpu.memory_space<vmem_shared>>, %arg12: memref<!tpu.dma_semaphore, #tpu.memory_space<semaphore_mem>>, %arg13: memref<!tpu.dma_semaphore, #tpu.memory_space<semaphore_mem>>, %arg14: memref<!tpu.dma_semaphore, #tpu.memory_space<semaphore_mem>>, %arg15: memref<!tpu.dma_semaphore, #tpu.memory_space<semaphore_mem>>) attributes {dimension_semantics = [#tpu.dimension_semantics<core_parallel>, #tpu.dimension_semantics<subcore_parallel>], iteration_bounds = array<i64: 2, 16>, scalar_prefetch = 0 : i64, scratch_operands = 9 : i64, tpu.core_type = #tpu.core_type<sc_vector_subcore>, window_params = [{transform_indices = #map}, {transform_indices = #map}, {transform_indices = #map}, {transform_indices = #map1}, {transform_indices = #map}]} {
    %mul3A = arith.constant 632 : i32
    %mul3A_0 = arith.muli %arg1, %mul3A : i32
    "tpu.region"() ({
      %run_scoped3A = tpu.sem_alloc : memref<!tpu.dma_semaphore, #tpu.memory_space<semaphore_mem>>
      %dma_start3A_28 = arith.constant 0 : i32
      %dma_start3A_29 = tpu.memref_slice %arg11[%mul3A_0, %dma_start3A_28] : memref<10112x64xf32, #tpu.memory_space<vmem_shared>> -> memref<632x64xf32, #tpu.memory_space<vmem_shared>>
      %dma_start3A_30 = arith.constant 0 : i32
      %dma_start3A_31 = tpu.memref_slice %arg5[%mul3A_0, %dma_start3A_30] : memref<10112x64xf32, #tpu.memory_space<hbm>> -> memref<632x64xf32, #tpu.memory_space<hbm>>
      tpu.enqueue_dma source(%dma_start3A_31 : memref<632x64xf32, #tpu.memory_space<hbm>>) target(%dma_start3A_29 : memref<632x64xf32, #tpu.memory_space<vmem_shared>>) target_semaphore(%run_scoped3A : memref<!tpu.dma_semaphore, #tpu.memory_space<semaphore_mem>>)
      %dma_wait3A = arith.constant 0 : i32
      %dma_wait3A_32 = tpu.memref_slice %arg11[%mul3A_0, %dma_wait3A] : memref<10112x64xf32, #tpu.memory_space<vmem_shared>> -> memref<632x64xf32, #tpu.memory_space<vmem_shared>>
      %dma_wait3A_33 = arith.constant 0 : i32
      %dma_wait3A_34 = tpu.memref_slice %arg5[%mul3A_0, %dma_wait3A_33] : memref<10112x64xf32, #tpu.memory_space<hbm>> -> memref<632x64xf32, #tpu.memory_space<hbm>>
      tpu.wait_dma2 semaphore(%run_scoped3A : memref<!tpu.dma_semaphore, #tpu.memory_space<semaphore_mem>>) src(%dma_wait3A_34 : memref<632x64xf32, #tpu.memory_space<hbm>>) dst(%dma_wait3A_32 : memref<632x64xf32, #tpu.memory_space<vmem_shared>>)
      tpu.yield
    }) : () -> ()
    "tpu.region"() ({
      %run_scoped3A = tpu.sem_alloc : memref<!tpu.dma_semaphore, #tpu.memory_space<semaphore_mem>>
      %dma_start3A_28 = arith.constant 0 : i32
      %dma_start3A_29 = arith.constant 0 : i32
      %dma_start3A_30 = tpu.memref_slice %arg3[%arg1, %dma_start3A_28, %dma_start3A_29] : memref<16x80x256xi32, #tpu.memory_space<hbm>> -> memref<1x80x256xi32, #tpu.memory_space<hbm>>
      %dma_start3A_31 = tpu.memref_squeeze %dma_start3A_30 : memref<1x80x256xi32, #tpu.memory_space<hbm>> -> memref<80x256xi32, #tpu.memory_space<hbm>>
      %dma_start3A_32 = arith.constant 0 : i32
      %dma_start3A_33 = arith.constant 0 : i32
      %dma_start3A_34 = tpu.memref_slice %arg3[%arg1, %dma_start3A_32, %dma_start3A_33] : memref<16x80x256xi32, #tpu.memory_space<hbm>> -> memref<1x80x256xi32, #tpu.memory_space<hbm>>
      %dma_start3A_35 = tpu.memref_squeeze %dma_start3A_34 : memref<1x80x256xi32, #tpu.memory_space<hbm>> -> memref<80x256xi32, #tpu.memory_space<hbm>>
      tpu.enqueue_dma source(%dma_start3A_35 : memref<80x256xi32, #tpu.memory_space<hbm>>) target(%arg7 : memref<80x256xi32, #tpu.memory_space<vmem>>) target_semaphore(%run_scoped3A : memref<!tpu.dma_semaphore, #tpu.memory_space<semaphore_mem>>)
      %dma_wait3A = arith.constant 0 : i32
      %dma_wait3A_36 = arith.constant 0 : i32
      %dma_wait3A_37 = tpu.memref_slice %arg3[%arg1, %dma_wait3A, %dma_wait3A_36] : memref<16x80x256xi32, #tpu.memory_space<hbm>> -> memref<1x80x256xi32, #tpu.memory_space<hbm>>
      %dma_wait3A_38 = tpu.memref_squeeze %dma_wait3A_37 : memref<1x80x256xi32, #tpu.memory_space<hbm>> -> memref<80x256xi32, #tpu.memory_space<hbm>>
      %dma_wait3A_39 = arith.constant 0 : i32
      %dma_wait3A_40 = arith.constant 0 : i32
      %dma_wait3A_41 = tpu.memref_slice %arg3[%arg1, %dma_wait3A_39, %dma_wait3A_40] : memref<16x80x256xi32, #tpu.memory_space<hbm>> -> memref<1x80x256xi32, #tpu.memory_space<hbm>>
      %dma_wait3A_42 = tpu.memref_squeeze %dma_wait3A_41 : memref<1x80x256xi32, #tpu.memory_space<hbm>> -> memref<80x256xi32, #tpu.memory_space<hbm>>
      tpu.wait_dma2 semaphore(%run_scoped3A : memref<!tpu.dma_semaphore, #tpu.memory_space<semaphore_mem>>) src(%dma_wait3A_42 : memref<80x256xi32, #tpu.memory_space<hbm>>) dst(%arg7 : memref<80x256xi32, #tpu.memory_space<vmem>>)
      tpu.yield
    }) : () -> ()
    "tpu.region"() ({
      %run_scoped3A = tpu.sem_alloc : memref<!tpu.dma_semaphore, #tpu.memory_space<semaphore_mem>>
      %dma_start3A_28 = arith.constant 0 : i32
      %dma_start3A_29 = arith.constant 0 : i32
      %dma_start3A_30 = tpu.memref_slice %arg4[%arg1, %dma_start3A_28, %dma_start3A_29] : memref<16x80x256xi32, #tpu.memory_space<hbm>> -> memref<1x80x256xi32, #tpu.memory_space<hbm>>
      %dma_start3A_31 = tpu.memref_squeeze %dma_start3A_30 : memref<1x80x256xi32, #tpu.memory_space<hbm>> -> memref<80x256xi32, #tpu.memory_space<hbm>>
      %dma_start3A_32 = arith.constant 0 : i32
      %dma_start3A_33 = arith.constant 0 : i32
      %dma_start3A_34 = tpu.memref_slice %arg4[%arg1, %dma_start3A_32, %dma_start3A_33] : memref<16x80x256xi32, #tpu.memory_space<hbm>> -> memref<1x80x256xi32, #tpu.memory_space<hbm>>
      %dma_start3A_35 = tpu.memref_squeeze %dma_start3A_34 : memref<1x80x256xi32, #tpu.memory_space<hbm>> -> memref<80x256xi32, #tpu.memory_space<hbm>>
      tpu.enqueue_dma source(%dma_start3A_35 : memref<80x256xi32, #tpu.memory_space<hbm>>) target(%arg8 : memref<80x256xi32, #tpu.memory_space<vmem>>) target_semaphore(%run_scoped3A : memref<!tpu.dma_semaphore, #tpu.memory_space<semaphore_mem>>)
      %dma_wait3A = arith.constant 0 : i32
      %dma_wait3A_36 = arith.constant 0 : i32
      %dma_wait3A_37 = tpu.memref_slice %arg4[%arg1, %dma_wait3A, %dma_wait3A_36] : memref<16x80x256xi32, #tpu.memory_space<hbm>> -> memref<1x80x256xi32, #tpu.memory_space<hbm>>
      %dma_wait3A_38 = tpu.memref_squeeze %dma_wait3A_37 : memref<1x80x256xi32, #tpu.memory_space<hbm>> -> memref<80x256xi32, #tpu.memory_space<hbm>>
      %dma_wait3A_39 = arith.constant 0 : i32
      %dma_wait3A_40 = arith.constant 0 : i32
      %dma_wait3A_41 = tpu.memref_slice %arg4[%arg1, %dma_wait3A_39, %dma_wait3A_40] : memref<16x80x256xi32, #tpu.memory_space<hbm>> -> memref<1x80x256xi32, #tpu.memory_space<hbm>>
      %dma_wait3A_42 = tpu.memref_squeeze %dma_wait3A_41 : memref<1x80x256xi32, #tpu.memory_space<hbm>> -> memref<80x256xi32, #tpu.memory_space<hbm>>
      tpu.wait_dma2 semaphore(%run_scoped3A : memref<!tpu.dma_semaphore, #tpu.memory_space<semaphore_mem>>) src(%dma_wait3A_42 : memref<80x256xi32, #tpu.memory_space<hbm>>) dst(%arg8 : memref<80x256xi32, #tpu.memory_space<vmem>>)
      tpu.yield
    }) : () -> ()
    %barrier3A = arith.constant 0 : index
    tpu.barrier barrier_id(%barrier3A)
    %dma_start3A = arith.constant 0 : i32
    %dma_start3A_1 = arith.constant 0 : i32
    %dma_start3A_2 = tpu.memref_slice %arg7[%dma_start3A, %dma_start3A_1] : memref<80x256xi32, #tpu.memory_space<vmem>> -> memref<1x256xi32, #tpu.memory_space<vmem>>
    %dma_start3A_3 = tpu.memref_squeeze %dma_start3A_2 : memref<1x256xi32, #tpu.memory_space<vmem>> -> memref<256xi32, #tpu.memory_space<vmem>>
    %dma_start3A_4 = arith.constant 0 : i32
    %dma_start3A_5 = arith.constant 0 : i32
    %dma_start3A_6 = tpu.memref_slice %arg2[%arg0, %dma_start3A_4, %dma_start3A_5] : memref<2x10112x64xf32, #tpu.memory_space<hbm>> -> memref<1x10112x64xf32, #tpu.memory_space<hbm>>
    %dma_start3A_7 = tpu.memref_squeeze %dma_start3A_6 : memref<1x10112x64xf32, #tpu.memory_space<hbm>> -> memref<10112x64xf32, #tpu.memory_space<hbm>>
    %dma_start3A_8 = arith.constant 0 : i32
    %dma_start3A_9 = arith.constant 0 : i32
    %dma_start3A_10 = tpu.memref_slice %dma_start3A_7[%dma_start3A_8, %dma_start3A_9] : memref<10112x64xf32, #tpu.memory_space<hbm>> -> memref<10112x64xf32, #tpu.memory_space<hbm>>
    tpu.enqueue_indirect_dma source(%dma_start3A_10 : memref<10112x64xf32, #tpu.memory_space<hbm>>) target(%arg9 : memref<256x64xf32, #tpu.memory_space<vmem>>) offsets(%dma_start3A_3 : memref<256xi32, #tpu.memory_space<vmem>>) semaphore(%arg12 : memref<!tpu.dma_semaphore, #tpu.memory_space<semaphore_mem>>)
    %dma_start3A_11 = arith.constant 1 : i32
    %dma_start3A_12 = arith.constant 0 : i32
    %dma_start3A_13 = tpu.memref_slice %arg7[%dma_start3A_11, %dma_start3A_12] : memref<80x256xi32, #tpu.memory_space<vmem>> -> memref<1x256xi32, #tpu.memory_space<vmem>>
    %dma_start3A_14 = tpu.memref_squeeze %dma_start3A_13 : memref<1x256xi32, #tpu.memory_space<vmem>> -> memref<256xi32, #tpu.memory_space<vmem>>
    %dma_start3A_15 = arith.constant 0 : i32
    %dma_start3A_16 = arith.constant 0 : i32
    %dma_start3A_17 = tpu.memref_slice %arg2[%arg0, %dma_start3A_15, %dma_start3A_16] : memref<2x10112x64xf32, #tpu.memory_space<hbm>> -> memref<1x10112x64xf32, #tpu.memory_space<hbm>>
    %dma_start3A_18 = tpu.memref_squeeze %dma_start3A_17 : memref<1x10112x64xf32, #tpu.memory_space<hbm>> -> memref<10112x64xf32, #tpu.memory_space<hbm>>
    %dma_start3A_19 = arith.constant 0 : i32
    %dma_start3A_20 = arith.constant 0 : i32
    %dma_start3A_21 = tpu.memref_slice %dma_start3A_18[%dma_start3A_19, %dma_start3A_20] : memref<10112x64xf32, #tpu.memory_space<hbm>> -> memref<10112x64xf32, #tpu.memory_space<hbm>>
    tpu.enqueue_indirect_dma source(%dma_start3A_21 : memref<10112x64xf32, #tpu.memory_space<hbm>>) target(%arg10 : memref<256x64xf32, #tpu.memory_space<vmem>>) offsets(%dma_start3A_14 : memref<256xi32, #tpu.memory_space<vmem>>) semaphore(%arg13 : memref<!tpu.dma_semaphore, #tpu.memory_space<semaphore_mem>>)
    %scan3A = arith.constant 0 : i32
    %scan3A_22 = arith.constant 0 : i32
    %scan3A_23 = arith.constant 40 : i32
    %scan3A_24 = arith.addi %scan3A_22, %scan3A_23 : i32
    %scan3A_25 = arith.constant 1 : i32
    scf.for %scan3A_28 = %scan3A_22 to %scan3A_24 step %scan3A_25  : i32 {
      %mul3A_29 = arith.constant 2 : i32
      %mul3A_30 = arith.muli %mul3A_29, %scan3A_28 : i32
      %dma_wait3A = arith.constant 0 : i32
      %dma_wait3A_31 = tpu.memref_slice %arg7[%mul3A_30, %dma_wait3A] : memref<80x256xi32, #tpu.memory_space<vmem>> -> memref<1x256xi32, #tpu.memory_space<vmem>>
      %dma_wait3A_32 = tpu.memref_squeeze %dma_wait3A_31 : memref<1x256xi32, #tpu.memory_space<vmem>> -> memref<256xi32, #tpu.memory_space<vmem>>
      %dma_wait3A_33 = arith.constant 0 : i32
      %dma_wait3A_34 = arith.constant 0 : i32
      %dma_wait3A_35 = tpu.memref_slice %arg2[%arg0, %dma_wait3A_33, %dma_wait3A_34] : memref<2x10112x64xf32, #tpu.memory_space<hbm>> -> memref<1x10112x64xf32, #tpu.memory_space<hbm>>
      %dma_wait3A_36 = tpu.memref_squeeze %dma_wait3A_35 : memref<1x10112x64xf32, #tpu.memory_space<hbm>> -> memref<10112x64xf32, #tpu.memory_space<hbm>>
      %dma_wait3A_37 = arith.constant 0 : i32
      %dma_wait3A_38 = arith.constant 0 : i32
      %dma_wait3A_39 = tpu.memref_slice %dma_wait3A_36[%dma_wait3A_37, %dma_wait3A_38] : memref<10112x64xf32, #tpu.memory_space<hbm>> -> memref<10112x64xf32, #tpu.memory_space<hbm>>
      tpu.wait_indirect_dma semaphore(%arg12 : memref<!tpu.dma_semaphore, #tpu.memory_space<semaphore_mem>>) src(%dma_wait3A_39 : memref<10112x64xf32, #tpu.memory_space<hbm>>) dst(%arg9 : memref<256x64xf32, #tpu.memory_space<vmem>>)
      "tpu.region"() ({
        %run_scoped3A = tpu.sem_alloc : memref<!tpu.dma_semaphore, #tpu.memory_space<semaphore_mem>>
        %dma_start3A_64 = arith.constant 0 : i32
        %dma_start3A_65 = tpu.memref_slice %arg8[%mul3A_30, %dma_start3A_64] : memref<80x256xi32, #tpu.memory_space<vmem>> -> memref<1x256xi32, #tpu.memory_space<vmem>>
        %dma_start3A_66 = tpu.memref_squeeze %dma_start3A_65 : memref<1x256xi32, #tpu.memory_space<vmem>> -> memref<256xi32, #tpu.memory_space<vmem>>
        %dma_start3A_67 = arith.constant 0 : i32
        %dma_start3A_68 = arith.constant 0 : i32
        %dma_start3A_69 = tpu.memref_slice %arg11[%dma_start3A_67, %dma_start3A_68] : memref<10112x64xf32, #tpu.memory_space<vmem_shared>> -> memref<10112x64xf32, #tpu.memory_space<vmem_shared>>
        tpu.enqueue_indirect_dma source(%arg9 : memref<256x64xf32, #tpu.memory_space<vmem>>) target(%dma_start3A_69 : memref<10112x64xf32, #tpu.memory_space<vmem_shared>>) offsets(%dma_start3A_66 : memref<256xi32, #tpu.memory_space<vmem>>) semaphore(%run_scoped3A : memref<!tpu.dma_semaphore, #tpu.memory_space<semaphore_mem>>) {add = true}
        %dma_wait3A_70 = arith.constant 0 : i32
        %dma_wait3A_71 = tpu.memref_slice %arg8[%mul3A_30, %dma_wait3A_70] : memref<80x256xi32, #tpu.memory_space<vmem>> -> memref<1x256xi32, #tpu.memory_space<vmem>>
        %dma_wait3A_72 = tpu.memref_squeeze %dma_wait3A_71 : memref<1x256xi32, #tpu.memory_space<vmem>> -> memref<256xi32, #tpu.memory_space<vmem>>
        %dma_wait3A_73 = arith.constant 0 : i32
        %dma_wait3A_74 = arith.constant 0 : i32
        %dma_wait3A_75 = tpu.memref_slice %arg11[%dma_wait3A_73, %dma_wait3A_74] : memref<10112x64xf32, #tpu.memory_space<vmem_shared>> -> memref<10112x64xf32, #tpu.memory_space<vmem_shared>>
        tpu.wait_indirect_dma semaphore(%run_scoped3A : memref<!tpu.dma_semaphore, #tpu.memory_space<semaphore_mem>>) src(%arg9 : memref<256x64xf32, #tpu.memory_space<vmem>>) dst(%dma_wait3A_75 : memref<10112x64xf32, #tpu.memory_space<vmem_shared>>)
        tpu.yield
      }) : () -> ()
      %add3A = arith.constant 2 : i32
      %add3A_40 = arith.addi %mul3A_30, %add3A : i32
      %lt3A = arith.constant 80 : i32
      %lt3A_41 = arith.cmpi slt, %add3A_40, %lt3A : i32
      %convert_element_type3A = arith.extui %lt3A_41 : i1 to i32
      %cond3A = arith.constant 0 : i32
      %cond3A_42 = arith.cmpi ne, %convert_element_type3A, %cond3A : i32
      scf.if %cond3A_42 {
        %add3A_64 = arith.constant 2 : i32
        %add3A_65 = arith.addi %mul3A_30, %add3A_64 : i32
        %dma_start3A_66 = arith.constant 0 : i32
        %dma_start3A_67 = tpu.memref_slice %arg7[%add3A_65, %dma_start3A_66] : memref<80x256xi32, #tpu.memory_space<vmem>> -> memref<1x256xi32, #tpu.memory_space<vmem>>
        %dma_start3A_68 = tpu.memref_squeeze %dma_start3A_67 : memref<1x256xi32, #tpu.memory_space<vmem>> -> memref<256xi32, #tpu.memory_space<vmem>>
        %dma_start3A_69 = arith.constant 0 : i32
        %dma_start3A_70 = arith.constant 0 : i32
        %dma_start3A_71 = tpu.memref_slice %arg2[%arg0, %dma_start3A_69, %dma_start3A_70] : memref<2x10112x64xf32, #tpu.memory_space<hbm>> -> memref<1x10112x64xf32, #tpu.memory_space<hbm>>
        %dma_start3A_72 = tpu.memref_squeeze %dma_start3A_71 : memref<1x10112x64xf32, #tpu.memory_space<hbm>> -> memref<10112x64xf32, #tpu.memory_space<hbm>>
        %dma_start3A_73 = arith.constant 0 : i32
        %dma_start3A_74 = arith.constant 0 : i32
        %dma_start3A_75 = tpu.memref_slice %dma_start3A_72[%dma_start3A_73, %dma_start3A_74] : memref<10112x64xf32, #tpu.memory_space<hbm>> -> memref<10112x64xf32, #tpu.memory_space<hbm>>
        tpu.enqueue_indirect_dma source(%dma_start3A_75 : memref<10112x64xf32, #tpu.memory_space<hbm>>) target(%arg9 : memref<256x64xf32, #tpu.memory_space<vmem>>) offsets(%dma_start3A_68 : memref<256xi32, #tpu.memory_space<vmem>>) semaphore(%arg12 : memref<!tpu.dma_semaphore, #tpu.memory_space<semaphore_mem>>)
      } else {
      }
      %add3A_43 = arith.constant 1 : i32
      %add3A_44 = arith.addi %mul3A_30, %add3A_43 : i32
      %dma_wait3A_45 = arith.constant 0 : i32
      %dma_wait3A_46 = tpu.memref_slice %arg7[%add3A_44, %dma_wait3A_45] : memref<80x256xi32, #tpu.memory_space<vmem>> -> memref<1x256xi32, #tpu.memory_space<vmem>>
      %dma_wait3A_47 = tpu.memref_squeeze %dma_wait3A_46 : memref<1x256xi32, #tpu.memory_space<vmem>> -> memref<256xi32, #tpu.memory_space<vmem>>
      %dma_wait3A_48 = arith.constant 0 : i32
      %dma_wait3A_49 = arith.constant 0 : i32
      %dma_wait3A_50 = tpu.memref_slice %arg2[%arg0, %dma_wait3A_48, %dma_wait3A_49] : memref<2x10112x64xf32, #tpu.memory_space<hbm>> -> memref<1x10112x64xf32, #tpu.memory_space<hbm>>
      %dma_wait3A_51 = tpu.memref_squeeze %dma_wait3A_50 : memref<1x10112x64xf32, #tpu.memory_space<hbm>> -> memref<10112x64xf32, #tpu.memory_space<hbm>>
      %dma_wait3A_52 = arith.constant 0 : i32
      %dma_wait3A_53 = arith.constant 0 : i32
      %dma_wait3A_54 = tpu.memref_slice %dma_wait3A_51[%dma_wait3A_52, %dma_wait3A_53] : memref<10112x64xf32, #tpu.memory_space<hbm>> -> memref<10112x64xf32, #tpu.memory_space<hbm>>
      tpu.wait_indirect_dma semaphore(%arg13 : memref<!tpu.dma_semaphore, #tpu.memory_space<semaphore_mem>>) src(%dma_wait3A_54 : memref<10112x64xf32, #tpu.memory_space<hbm>>) dst(%arg10 : memref<256x64xf32, #tpu.memory_space<vmem>>)
      %add3A_55 = arith.constant 1 : i32
      %add3A_56 = arith.addi %mul3A_30, %add3A_55 : i32
      "tpu.region"() ({
        %run_scoped3A = tpu.sem_alloc : memref<!tpu.dma_semaphore, #tpu.memory_space<semaphore_mem>>
        %dma_start3A_64 = arith.constant 0 : i32
        %dma_start3A_65 = tpu.memref_slice %arg8[%add3A_56, %dma_start3A_64] : memref<80x256xi32, #tpu.memory_space<vmem>> -> memref<1x256xi32, #tpu.memory_space<vmem>>
        %dma_start3A_66 = tpu.memref_squeeze %dma_start3A_65 : memref<1x256xi32, #tpu.memory_space<vmem>> -> memref<256xi32, #tpu.memory_space<vmem>>
        %dma_start3A_67 = arith.constant 0 : i32
        %dma_start3A_68 = arith.constant 0 : i32
        %dma_start3A_69 = tpu.memref_slice %arg11[%dma_start3A_67, %dma_start3A_68] : memref<10112x64xf32, #tpu.memory_space<vmem_shared>> -> memref<10112x64xf32, #tpu.memory_space<vmem_shared>>
        tpu.enqueue_indirect_dma source(%arg10 : memref<256x64xf32, #tpu.memory_space<vmem>>) target(%dma_start3A_69 : memref<10112x64xf32, #tpu.memory_space<vmem_shared>>) offsets(%dma_start3A_66 : memref<256xi32, #tpu.memory_space<vmem>>) semaphore(%run_scoped3A : memref<!tpu.dma_semaphore, #tpu.memory_space<semaphore_mem>>) {add = true}
        %dma_wait3A_70 = arith.constant 0 : i32
        %dma_wait3A_71 = tpu.memref_slice %arg8[%add3A_56, %dma_wait3A_70] : memref<80x256xi32, #tpu.memory_space<vmem>> -> memref<1x256xi32, #tpu.memory_space<vmem>>
        %dma_wait3A_72 = tpu.memref_squeeze %dma_wait3A_71 : memref<1x256xi32, #tpu.memory_space<vmem>> -> memref<256xi32, #tpu.memory_space<vmem>>
        %dma_wait3A_73 = arith.constant 0 : i32
        %dma_wait3A_74 = arith.constant 0 : i32
        %dma_wait3A_75 = tpu.memref_slice %arg11[%dma_wait3A_73, %dma_wait3A_74] : memref<10112x64xf32, #tpu.memory_space<vmem_shared>> -> memref<10112x64xf32, #tpu.memory_space<vmem_shared>>
        tpu.wait_indirect_dma semaphore(%run_scoped3A : memref<!tpu.dma_semaphore, #tpu.memory_space<semaphore_mem>>) src(%arg10 : memref<256x64xf32, #tpu.memory_space<vmem>>) dst(%dma_wait3A_75 : memref<10112x64xf32, #tpu.memory_space<vmem_shared>>)
        tpu.yield
      }) : () -> ()
      %add3A_57 = arith.constant 3 : i32
      %add3A_58 = arith.addi %mul3A_30, %add3A_57 : i32
      %lt3A_59 = arith.constant 80 : i32
      %lt3A_60 = arith.cmpi slt, %add3A_58, %lt3A_59 : i32
      %convert_element_type3A_61 = arith.extui %lt3A_60 : i1 to i32
      %cond3A_62 = arith.constant 0 : i32
      %cond3A_63 = arith.cmpi ne, %convert_element_type3A_61, %cond3A_62 : i32
      scf.if %cond3A_63 {
        %add3A_64 = arith.constant 3 : i32
        %add3A_65 = arith.addi %mul3A_30, %add3A_64 : i32
        %dma_start3A_66 = arith.constant 0 : i32
        %dma_start3A_67 = tpu.memref_slice %arg7[%add3A_65, %dma_start3A_66] : memref<80x256xi32, #tpu.memory_space<vmem>> -> memref<1x256xi32, #tpu.memory_space<vmem>>
        %dma_start3A_68 = tpu.memref_squeeze %dma_start3A_67 : memref<1x256xi32, #tpu.memory_space<vmem>> -> memref<256xi32, #tpu.memory_space<vmem>>
        %dma_start3A_69 = arith.constant 0 : i32
        %dma_start3A_70 = arith.constant 0 : i32
        %dma_start3A_71 = tpu.memref_slice %arg2[%arg0, %dma_start3A_69, %dma_start3A_70] : memref<2x10112x64xf32, #tpu.memory_space<hbm>> -> memref<1x10112x64xf32, #tpu.memory_space<hbm>>
        %dma_start3A_72 = tpu.memref_squeeze %dma_start3A_71 : memref<1x10112x64xf32, #tpu.memory_space<hbm>> -> memref<10112x64xf32, #tpu.memory_space<hbm>>
        %dma_start3A_73 = arith.constant 0 : i32
        %dma_start3A_74 = arith.constant 0 : i32
        %dma_start3A_75 = tpu.memref_slice %dma_start3A_72[%dma_start3A_73, %dma_start3A_74] : memref<10112x64xf32, #tpu.memory_space<hbm>> -> memref<10112x64xf32, #tpu.memory_space<hbm>>
        tpu.enqueue_indirect_dma source(%dma_start3A_75 : memref<10112x64xf32, #tpu.memory_space<hbm>>) target(%arg10 : memref<256x64xf32, #tpu.memory_space<vmem>>) offsets(%dma_start3A_68 : memref<256xi32, #tpu.memory_space<vmem>>) semaphore(%arg13 : memref<!tpu.dma_semaphore, #tpu.memory_space<semaphore_mem>>)
      } else {
      }
    }
    %scan3A_26 = arith.constant 40 : i32
    %barrier3A_27 = arith.constant 0 : index
    tpu.barrier barrier_id(%barrier3A_27)
    "tpu.region"() ({
      %run_scoped3A = tpu.sem_alloc : memref<!tpu.dma_semaphore, #tpu.memory_space<semaphore_mem>>
      %dma_start3A_28 = arith.constant 0 : i32
      %dma_start3A_29 = tpu.memref_slice %arg6[%arg0, %mul3A_0, %dma_start3A_28] : memref<2x10112x64xf32, #tpu.memory_space<hbm>> -> memref<1x632x64xf32, #tpu.memory_space<hbm>>
      %dma_start3A_30 = tpu.memref_squeeze %dma_start3A_29 : memref<1x632x64xf32, #tpu.memory_space<hbm>> -> memref<632x64xf32, #tpu.memory_space<hbm>>
      %dma_start3A_31 = arith.constant 0 : i32
      %dma_start3A_32 = tpu.memref_slice %arg11[%mul3A_0, %dma_start3A_31] : memref<10112x64xf32, #tpu.memory_space<vmem_shared>> -> memref<632x64xf32, #tpu.memory_space<vmem_shared>>
      tpu.enqueue_dma source(%dma_start3A_32 : memref<632x64xf32, #tpu.memory_space<vmem_shared>>) target(%dma_start3A_30 : memref<632x64xf32, #tpu.memory_space<hbm>>) target_semaphore(%run_scoped3A : memref<!tpu.dma_semaphore, #tpu.memory_space<semaphore_mem>>)
      %dma_wait3A = arith.constant 0 : i32
      %dma_wait3A_33 = tpu.memref_slice %arg6[%arg0, %mul3A_0, %dma_wait3A] : memref<2x10112x64xf32, #tpu.memory_space<hbm>> -> memref<1x632x64xf32, #tpu.memory_space<hbm>>
      %dma_wait3A_34 = tpu.memref_squeeze %dma_wait3A_33 : memref<1x632x64xf32, #tpu.memory_space<hbm>> -> memref<632x64xf32, #tpu.memory_space<hbm>>
      %dma_wait3A_35 = arith.constant 0 : i32
      %dma_wait3A_36 = tpu.memref_slice %arg11[%mul3A_0, %dma_wait3A_35] : memref<10112x64xf32, #tpu.memory_space<vmem_shared>> -> memref<632x64xf32, #tpu.memory_space<vmem_shared>>
      tpu.wait_dma2 semaphore(%run_scoped3A : memref<!tpu.dma_semaphore, #tpu.memory_space<semaphore_mem>>) src(%dma_wait3A_36 : memref<632x64xf32, #tpu.memory_space<vmem_shared>>) dst(%dma_wait3A_34 : memref<632x64xf32, #tpu.memory_space<hbm>>)
      tpu.yield
    }) : () -> ()
    return
  }
}

#map = affine_map<(d0, d1) -> (0, 0)>
#map1 = affine_map<(d0, d1) -> (0, 0, 0)>
module attributes {stable_mosaic.version = 14 : i64} {
  func.func @k(%arg0: i32, %arg1: i32, %arg2: memref<10112x16xf32, #tpu.memory_space<hbm>>, %arg3: memref<32x20x512xi32, #tpu.memory_space<hbm>>, %arg4: memref<32x20x512xi32, #tpu.memory_space<hbm>>, %arg5: memref<10112x16xf32, #tpu.memory_space<hbm>>, %arg6: memref<2x10112x16xf32, #tpu.memory_space<hbm>>, %arg7: memref<20x512xi32, #tpu.memory_space<vmem>>, %arg8: memref<20x512xi32, #tpu.memory_space<vmem>>, %arg9: memref<512x16xf32, #tpu.memory_space<vmem>>, %arg10: memref<512x16xf32, #tpu.memory_space<vmem>>, %arg11: memref<10112x16xf32, #tpu.memory_space<vmem_shared>>, %arg12: memref<!tpu.dma_semaphore, #tpu.memory_space<semaphore_mem>>, %arg13: memref<!tpu.dma_semaphore, #tpu.memory_space<semaphore_mem>>, %arg14: memref<!tpu.dma_semaphore, #tpu.memory_space<semaphore_mem>>, %arg15: memref<!tpu.dma_semaphore, #tpu.memory_space<semaphore_mem>>) attributes {dimension_semantics = [#tpu.dimension_semantics<core_parallel>, #tpu.dimension_semantics<subcore_parallel>], iteration_bounds = array<i64: 2, 16>, scalar_prefetch = 0 : i64, scratch_operands = 9 : i64, tpu.core_type = #tpu.core_type<sc_vector_subcore>, window_params = [{transform_indices = #map}, {transform_indices = #map1}, {transform_indices = #map1}, {transform_indices = #map}, {transform_indices = #map1}]} {
    %mul3A = arith.constant 16 : i32
    %mul3A_0 = arith.muli %arg0, %mul3A : i32
    %add3A = arith.addi %mul3A_0, %arg1 : i32
    %mul3A_1 = arith.constant 632 : i32
    %mul3A_2 = arith.muli %arg1, %mul3A_1 : i32
    "tpu.region"() ({
      %run_scoped3A = tpu.sem_alloc : memref<!tpu.dma_semaphore, #tpu.memory_space<semaphore_mem>>
      %dma_start3A_22 = arith.constant 0 : i32
      %dma_start3A_23 = tpu.memref_slice %arg11[%mul3A_2, %dma_start3A_22] : memref<10112x16xf32, #tpu.memory_space<vmem_shared>> -> memref<632x16xf32, #tpu.memory_space<vmem_shared>>
      %dma_start3A_24 = arith.constant 0 : i32
      %dma_start3A_25 = tpu.memref_slice %arg5[%mul3A_2, %dma_start3A_24] : memref<10112x16xf32, #tpu.memory_space<hbm>> -> memref<632x16xf32, #tpu.memory_space<hbm>>
      tpu.enqueue_dma source(%dma_start3A_25 : memref<632x16xf32, #tpu.memory_space<hbm>>) target(%dma_start3A_23 : memref<632x16xf32, #tpu.memory_space<vmem_shared>>) target_semaphore(%run_scoped3A : memref<!tpu.dma_semaphore, #tpu.memory_space<semaphore_mem>>)
      %dma_wait3A = arith.constant 0 : i32
      %dma_wait3A_26 = tpu.memref_slice %arg11[%mul3A_2, %dma_wait3A] : memref<10112x16xf32, #tpu.memory_space<vmem_shared>> -> memref<632x16xf32, #tpu.memory_space<vmem_shared>>
      %dma_wait3A_27 = arith.constant 0 : i32
      %dma_wait3A_28 = tpu.memref_slice %arg5[%mul3A_2, %dma_wait3A_27] : memref<10112x16xf32, #tpu.memory_space<hbm>> -> memref<632x16xf32, #tpu.memory_space<hbm>>
      tpu.wait_dma2 semaphore(%run_scoped3A : memref<!tpu.dma_semaphore, #tpu.memory_space<semaphore_mem>>) src(%dma_wait3A_28 : memref<632x16xf32, #tpu.memory_space<hbm>>) dst(%dma_wait3A_26 : memref<632x16xf32, #tpu.memory_space<vmem_shared>>)
      tpu.yield
    }) : () -> ()
    "tpu.region"() ({
      %run_scoped3A = tpu.sem_alloc : memref<!tpu.dma_semaphore, #tpu.memory_space<semaphore_mem>>
      %dma_start3A_22 = arith.constant 0 : i32
      %dma_start3A_23 = arith.constant 0 : i32
      %dma_start3A_24 = tpu.memref_slice %arg3[%add3A, %dma_start3A_22, %dma_start3A_23] : memref<32x20x512xi32, #tpu.memory_space<hbm>> -> memref<1x20x512xi32, #tpu.memory_space<hbm>>
      %dma_start3A_25 = tpu.memref_squeeze %dma_start3A_24 : memref<1x20x512xi32, #tpu.memory_space<hbm>> -> memref<20x512xi32, #tpu.memory_space<hbm>>
      %dma_start3A_26 = arith.constant 0 : i32
      %dma_start3A_27 = arith.constant 0 : i32
      %dma_start3A_28 = tpu.memref_slice %arg3[%add3A, %dma_start3A_26, %dma_start3A_27] : memref<32x20x512xi32, #tpu.memory_space<hbm>> -> memref<1x20x512xi32, #tpu.memory_space<hbm>>
      %dma_start3A_29 = tpu.memref_squeeze %dma_start3A_28 : memref<1x20x512xi32, #tpu.memory_space<hbm>> -> memref<20x512xi32, #tpu.memory_space<hbm>>
      tpu.enqueue_dma source(%dma_start3A_29 : memref<20x512xi32, #tpu.memory_space<hbm>>) target(%arg7 : memref<20x512xi32, #tpu.memory_space<vmem>>) target_semaphore(%run_scoped3A : memref<!tpu.dma_semaphore, #tpu.memory_space<semaphore_mem>>)
      %dma_wait3A = arith.constant 0 : i32
      %dma_wait3A_30 = arith.constant 0 : i32
      %dma_wait3A_31 = tpu.memref_slice %arg3[%add3A, %dma_wait3A, %dma_wait3A_30] : memref<32x20x512xi32, #tpu.memory_space<hbm>> -> memref<1x20x512xi32, #tpu.memory_space<hbm>>
      %dma_wait3A_32 = tpu.memref_squeeze %dma_wait3A_31 : memref<1x20x512xi32, #tpu.memory_space<hbm>> -> memref<20x512xi32, #tpu.memory_space<hbm>>
      %dma_wait3A_33 = arith.constant 0 : i32
      %dma_wait3A_34 = arith.constant 0 : i32
      %dma_wait3A_35 = tpu.memref_slice %arg3[%add3A, %dma_wait3A_33, %dma_wait3A_34] : memref<32x20x512xi32, #tpu.memory_space<hbm>> -> memref<1x20x512xi32, #tpu.memory_space<hbm>>
      %dma_wait3A_36 = tpu.memref_squeeze %dma_wait3A_35 : memref<1x20x512xi32, #tpu.memory_space<hbm>> -> memref<20x512xi32, #tpu.memory_space<hbm>>
      tpu.wait_dma2 semaphore(%run_scoped3A : memref<!tpu.dma_semaphore, #tpu.memory_space<semaphore_mem>>) src(%dma_wait3A_36 : memref<20x512xi32, #tpu.memory_space<hbm>>) dst(%arg7 : memref<20x512xi32, #tpu.memory_space<vmem>>)
      tpu.yield
    }) : () -> ()
    "tpu.region"() ({
      %run_scoped3A = tpu.sem_alloc : memref<!tpu.dma_semaphore, #tpu.memory_space<semaphore_mem>>
      %dma_start3A_22 = arith.constant 0 : i32
      %dma_start3A_23 = arith.constant 0 : i32
      %dma_start3A_24 = tpu.memref_slice %arg4[%add3A, %dma_start3A_22, %dma_start3A_23] : memref<32x20x512xi32, #tpu.memory_space<hbm>> -> memref<1x20x512xi32, #tpu.memory_space<hbm>>
      %dma_start3A_25 = tpu.memref_squeeze %dma_start3A_24 : memref<1x20x512xi32, #tpu.memory_space<hbm>> -> memref<20x512xi32, #tpu.memory_space<hbm>>
      %dma_start3A_26 = arith.constant 0 : i32
      %dma_start3A_27 = arith.constant 0 : i32
      %dma_start3A_28 = tpu.memref_slice %arg4[%add3A, %dma_start3A_26, %dma_start3A_27] : memref<32x20x512xi32, #tpu.memory_space<hbm>> -> memref<1x20x512xi32, #tpu.memory_space<hbm>>
      %dma_start3A_29 = tpu.memref_squeeze %dma_start3A_28 : memref<1x20x512xi32, #tpu.memory_space<hbm>> -> memref<20x512xi32, #tpu.memory_space<hbm>>
      tpu.enqueue_dma source(%dma_start3A_29 : memref<20x512xi32, #tpu.memory_space<hbm>>) target(%arg8 : memref<20x512xi32, #tpu.memory_space<vmem>>) target_semaphore(%run_scoped3A : memref<!tpu.dma_semaphore, #tpu.memory_space<semaphore_mem>>)
      %dma_wait3A = arith.constant 0 : i32
      %dma_wait3A_30 = arith.constant 0 : i32
      %dma_wait3A_31 = tpu.memref_slice %arg4[%add3A, %dma_wait3A, %dma_wait3A_30] : memref<32x20x512xi32, #tpu.memory_space<hbm>> -> memref<1x20x512xi32, #tpu.memory_space<hbm>>
      %dma_wait3A_32 = tpu.memref_squeeze %dma_wait3A_31 : memref<1x20x512xi32, #tpu.memory_space<hbm>> -> memref<20x512xi32, #tpu.memory_space<hbm>>
      %dma_wait3A_33 = arith.constant 0 : i32
      %dma_wait3A_34 = arith.constant 0 : i32
      %dma_wait3A_35 = tpu.memref_slice %arg4[%add3A, %dma_wait3A_33, %dma_wait3A_34] : memref<32x20x512xi32, #tpu.memory_space<hbm>> -> memref<1x20x512xi32, #tpu.memory_space<hbm>>
      %dma_wait3A_36 = tpu.memref_squeeze %dma_wait3A_35 : memref<1x20x512xi32, #tpu.memory_space<hbm>> -> memref<20x512xi32, #tpu.memory_space<hbm>>
      tpu.wait_dma2 semaphore(%run_scoped3A : memref<!tpu.dma_semaphore, #tpu.memory_space<semaphore_mem>>) src(%dma_wait3A_36 : memref<20x512xi32, #tpu.memory_space<hbm>>) dst(%arg8 : memref<20x512xi32, #tpu.memory_space<vmem>>)
      tpu.yield
    }) : () -> ()
    %barrier3A = arith.constant 0 : index
    tpu.barrier barrier_id(%barrier3A)
    %dma_start3A = arith.constant 0 : i32
    %dma_start3A_3 = arith.constant 0 : i32
    %dma_start3A_4 = tpu.memref_slice %arg7[%dma_start3A, %dma_start3A_3] : memref<20x512xi32, #tpu.memory_space<vmem>> -> memref<1x512xi32, #tpu.memory_space<vmem>>
    %dma_start3A_5 = tpu.memref_squeeze %dma_start3A_4 : memref<1x512xi32, #tpu.memory_space<vmem>> -> memref<512xi32, #tpu.memory_space<vmem>>
    %dma_start3A_6 = arith.constant 0 : i32
    %dma_start3A_7 = arith.constant 0 : i32
    %dma_start3A_8 = tpu.memref_slice %arg2[%dma_start3A_6, %dma_start3A_7] : memref<10112x16xf32, #tpu.memory_space<hbm>> -> memref<10112x16xf32, #tpu.memory_space<hbm>>
    tpu.enqueue_indirect_dma source(%dma_start3A_8 : memref<10112x16xf32, #tpu.memory_space<hbm>>) target(%arg9 : memref<512x16xf32, #tpu.memory_space<vmem>>) offsets(%dma_start3A_5 : memref<512xi32, #tpu.memory_space<vmem>>) semaphore(%arg12 : memref<!tpu.dma_semaphore, #tpu.memory_space<semaphore_mem>>)
    %dma_start3A_9 = arith.constant 1 : i32
    %dma_start3A_10 = arith.constant 0 : i32
    %dma_start3A_11 = tpu.memref_slice %arg7[%dma_start3A_9, %dma_start3A_10] : memref<20x512xi32, #tpu.memory_space<vmem>> -> memref<1x512xi32, #tpu.memory_space<vmem>>
    %dma_start3A_12 = tpu.memref_squeeze %dma_start3A_11 : memref<1x512xi32, #tpu.memory_space<vmem>> -> memref<512xi32, #tpu.memory_space<vmem>>
    %dma_start3A_13 = arith.constant 0 : i32
    %dma_start3A_14 = arith.constant 0 : i32
    %dma_start3A_15 = tpu.memref_slice %arg2[%dma_start3A_13, %dma_start3A_14] : memref<10112x16xf32, #tpu.memory_space<hbm>> -> memref<10112x16xf32, #tpu.memory_space<hbm>>
    tpu.enqueue_indirect_dma source(%dma_start3A_15 : memref<10112x16xf32, #tpu.memory_space<hbm>>) target(%arg10 : memref<512x16xf32, #tpu.memory_space<vmem>>) offsets(%dma_start3A_12 : memref<512xi32, #tpu.memory_space<vmem>>) semaphore(%arg13 : memref<!tpu.dma_semaphore, #tpu.memory_space<semaphore_mem>>)
    %scan3A = arith.constant 0 : i32
    %scan3A_16 = arith.constant 0 : i32
    %scan3A_17 = arith.constant 10 : i32
    %scan3A_18 = arith.addi %scan3A_16, %scan3A_17 : i32
    %scan3A_19 = arith.constant 1 : i32
    scf.for %scan3A_22 = %scan3A_16 to %scan3A_18 step %scan3A_19  : i32 {
      %mul3A_23 = arith.constant 2 : i32
      %mul3A_24 = arith.muli %mul3A_23, %scan3A_22 : i32
      %dma_wait3A = arith.constant 0 : i32
      %dma_wait3A_25 = tpu.memref_slice %arg7[%mul3A_24, %dma_wait3A] : memref<20x512xi32, #tpu.memory_space<vmem>> -> memref<1x512xi32, #tpu.memory_space<vmem>>
      %dma_wait3A_26 = tpu.memref_squeeze %dma_wait3A_25 : memref<1x512xi32, #tpu.memory_space<vmem>> -> memref<512xi32, #tpu.memory_space<vmem>>
      %dma_wait3A_27 = arith.constant 0 : i32
      %dma_wait3A_28 = arith.constant 0 : i32
      %dma_wait3A_29 = tpu.memref_slice %arg2[%dma_wait3A_27, %dma_wait3A_28] : memref<10112x16xf32, #tpu.memory_space<hbm>> -> memref<10112x16xf32, #tpu.memory_space<hbm>>
      tpu.wait_indirect_dma semaphore(%arg12 : memref<!tpu.dma_semaphore, #tpu.memory_space<semaphore_mem>>) src(%dma_wait3A_29 : memref<10112x16xf32, #tpu.memory_space<hbm>>) dst(%arg9 : memref<512x16xf32, #tpu.memory_space<vmem>>)
      "tpu.region"() ({
        %run_scoped3A = tpu.sem_alloc : memref<!tpu.dma_semaphore, #tpu.memory_space<semaphore_mem>>
        %dma_start3A_51 = arith.constant 0 : i32
        %dma_start3A_52 = tpu.memref_slice %arg8[%mul3A_24, %dma_start3A_51] : memref<20x512xi32, #tpu.memory_space<vmem>> -> memref<1x512xi32, #tpu.memory_space<vmem>>
        %dma_start3A_53 = tpu.memref_squeeze %dma_start3A_52 : memref<1x512xi32, #tpu.memory_space<vmem>> -> memref<512xi32, #tpu.memory_space<vmem>>
        %dma_start3A_54 = arith.constant 0 : i32
        %dma_start3A_55 = arith.constant 0 : i32
        %dma_start3A_56 = tpu.memref_slice %arg11[%dma_start3A_54, %dma_start3A_55] : memref<10112x16xf32, #tpu.memory_space<vmem_shared>> -> memref<10112x16xf32, #tpu.memory_space<vmem_shared>>
        tpu.enqueue_indirect_dma source(%arg9 : memref<512x16xf32, #tpu.memory_space<vmem>>) target(%dma_start3A_56 : memref<10112x16xf32, #tpu.memory_space<vmem_shared>>) offsets(%dma_start3A_53 : memref<512xi32, #tpu.memory_space<vmem>>) semaphore(%run_scoped3A : memref<!tpu.dma_semaphore, #tpu.memory_space<semaphore_mem>>) {add = true}
        %dma_wait3A_57 = arith.constant 0 : i32
        %dma_wait3A_58 = tpu.memref_slice %arg8[%mul3A_24, %dma_wait3A_57] : memref<20x512xi32, #tpu.memory_space<vmem>> -> memref<1x512xi32, #tpu.memory_space<vmem>>
        %dma_wait3A_59 = tpu.memref_squeeze %dma_wait3A_58 : memref<1x512xi32, #tpu.memory_space<vmem>> -> memref<512xi32, #tpu.memory_space<vmem>>
        %dma_wait3A_60 = arith.constant 0 : i32
        %dma_wait3A_61 = arith.constant 0 : i32
        %dma_wait3A_62 = tpu.memref_slice %arg11[%dma_wait3A_60, %dma_wait3A_61] : memref<10112x16xf32, #tpu.memory_space<vmem_shared>> -> memref<10112x16xf32, #tpu.memory_space<vmem_shared>>
        tpu.wait_indirect_dma semaphore(%run_scoped3A : memref<!tpu.dma_semaphore, #tpu.memory_space<semaphore_mem>>) src(%arg9 : memref<512x16xf32, #tpu.memory_space<vmem>>) dst(%dma_wait3A_62 : memref<10112x16xf32, #tpu.memory_space<vmem_shared>>)
        tpu.yield
      }) : () -> ()
      %add3A_30 = arith.constant 2 : i32
      %add3A_31 = arith.addi %mul3A_24, %add3A_30 : i32
      %lt3A = arith.constant 20 : i32
      %lt3A_32 = arith.cmpi slt, %add3A_31, %lt3A : i32
      %convert_element_type3A = arith.extui %lt3A_32 : i1 to i32
      %cond3A = arith.constant 0 : i32
      %cond3A_33 = arith.cmpi ne, %convert_element_type3A, %cond3A : i32
      scf.if %cond3A_33 {
        %add3A_51 = arith.constant 2 : i32
        %add3A_52 = arith.addi %mul3A_24, %add3A_51 : i32
        %dma_start3A_53 = arith.constant 0 : i32
        %dma_start3A_54 = tpu.memref_slice %arg7[%add3A_52, %dma_start3A_53] : memref<20x512xi32, #tpu.memory_space<vmem>> -> memref<1x512xi32, #tpu.memory_space<vmem>>
        %dma_start3A_55 = tpu.memref_squeeze %dma_start3A_54 : memref<1x512xi32, #tpu.memory_space<vmem>> -> memref<512xi32, #tpu.memory_space<vmem>>
        %dma_start3A_56 = arith.constant 0 : i32
        %dma_start3A_57 = arith.constant 0 : i32
        %dma_start3A_58 = tpu.memref_slice %arg2[%dma_start3A_56, %dma_start3A_57] : memref<10112x16xf32, #tpu.memory_space<hbm>> -> memref<10112x16xf32, #tpu.memory_space<hbm>>
        tpu.enqueue_indirect_dma source(%dma_start3A_58 : memref<10112x16xf32, #tpu.memory_space<hbm>>) target(%arg9 : memref<512x16xf32, #tpu.memory_space<vmem>>) offsets(%dma_start3A_55 : memref<512xi32, #tpu.memory_space<vmem>>) semaphore(%arg12 : memref<!tpu.dma_semaphore, #tpu.memory_space<semaphore_mem>>)
      } else {
      }
      %add3A_34 = arith.constant 1 : i32
      %add3A_35 = arith.addi %mul3A_24, %add3A_34 : i32
      %dma_wait3A_36 = arith.constant 0 : i32
      %dma_wait3A_37 = tpu.memref_slice %arg7[%add3A_35, %dma_wait3A_36] : memref<20x512xi32, #tpu.memory_space<vmem>> -> memref<1x512xi32, #tpu.memory_space<vmem>>
      %dma_wait3A_38 = tpu.memref_squeeze %dma_wait3A_37 : memref<1x512xi32, #tpu.memory_space<vmem>> -> memref<512xi32, #tpu.memory_space<vmem>>
      %dma_wait3A_39 = arith.constant 0 : i32
      %dma_wait3A_40 = arith.constant 0 : i32
      %dma_wait3A_41 = tpu.memref_slice %arg2[%dma_wait3A_39, %dma_wait3A_40] : memref<10112x16xf32, #tpu.memory_space<hbm>> -> memref<10112x16xf32, #tpu.memory_space<hbm>>
      tpu.wait_indirect_dma semaphore(%arg13 : memref<!tpu.dma_semaphore, #tpu.memory_space<semaphore_mem>>) src(%dma_wait3A_41 : memref<10112x16xf32, #tpu.memory_space<hbm>>) dst(%arg10 : memref<512x16xf32, #tpu.memory_space<vmem>>)
      %add3A_42 = arith.constant 1 : i32
      %add3A_43 = arith.addi %mul3A_24, %add3A_42 : i32
      "tpu.region"() ({
        %run_scoped3A = tpu.sem_alloc : memref<!tpu.dma_semaphore, #tpu.memory_space<semaphore_mem>>
        %dma_start3A_51 = arith.constant 0 : i32
        %dma_start3A_52 = tpu.memref_slice %arg8[%add3A_43, %dma_start3A_51] : memref<20x512xi32, #tpu.memory_space<vmem>> -> memref<1x512xi32, #tpu.memory_space<vmem>>
        %dma_start3A_53 = tpu.memref_squeeze %dma_start3A_52 : memref<1x512xi32, #tpu.memory_space<vmem>> -> memref<512xi32, #tpu.memory_space<vmem>>
        %dma_start3A_54 = arith.constant 0 : i32
        %dma_start3A_55 = arith.constant 0 : i32
        %dma_start3A_56 = tpu.memref_slice %arg11[%dma_start3A_54, %dma_start3A_55] : memref<10112x16xf32, #tpu.memory_space<vmem_shared>> -> memref<10112x16xf32, #tpu.memory_space<vmem_shared>>
        tpu.enqueue_indirect_dma source(%arg10 : memref<512x16xf32, #tpu.memory_space<vmem>>) target(%dma_start3A_56 : memref<10112x16xf32, #tpu.memory_space<vmem_shared>>) offsets(%dma_start3A_53 : memref<512xi32, #tpu.memory_space<vmem>>) semaphore(%run_scoped3A : memref<!tpu.dma_semaphore, #tpu.memory_space<semaphore_mem>>) {add = true}
        %dma_wait3A_57 = arith.constant 0 : i32
        %dma_wait3A_58 = tpu.memref_slice %arg8[%add3A_43, %dma_wait3A_57] : memref<20x512xi32, #tpu.memory_space<vmem>> -> memref<1x512xi32, #tpu.memory_space<vmem>>
        %dma_wait3A_59 = tpu.memref_squeeze %dma_wait3A_58 : memref<1x512xi32, #tpu.memory_space<vmem>> -> memref<512xi32, #tpu.memory_space<vmem>>
        %dma_wait3A_60 = arith.constant 0 : i32
        %dma_wait3A_61 = arith.constant 0 : i32
        %dma_wait3A_62 = tpu.memref_slice %arg11[%dma_wait3A_60, %dma_wait3A_61] : memref<10112x16xf32, #tpu.memory_space<vmem_shared>> -> memref<10112x16xf32, #tpu.memory_space<vmem_shared>>
        tpu.wait_indirect_dma semaphore(%run_scoped3A : memref<!tpu.dma_semaphore, #tpu.memory_space<semaphore_mem>>) src(%arg10 : memref<512x16xf32, #tpu.memory_space<vmem>>) dst(%dma_wait3A_62 : memref<10112x16xf32, #tpu.memory_space<vmem_shared>>)
        tpu.yield
      }) : () -> ()
      %add3A_44 = arith.constant 3 : i32
      %add3A_45 = arith.addi %mul3A_24, %add3A_44 : i32
      %lt3A_46 = arith.constant 20 : i32
      %lt3A_47 = arith.cmpi slt, %add3A_45, %lt3A_46 : i32
      %convert_element_type3A_48 = arith.extui %lt3A_47 : i1 to i32
      %cond3A_49 = arith.constant 0 : i32
      %cond3A_50 = arith.cmpi ne, %convert_element_type3A_48, %cond3A_49 : i32
      scf.if %cond3A_50 {
        %add3A_51 = arith.constant 3 : i32
        %add3A_52 = arith.addi %mul3A_24, %add3A_51 : i32
        %dma_start3A_53 = arith.constant 0 : i32
        %dma_start3A_54 = tpu.memref_slice %arg7[%add3A_52, %dma_start3A_53] : memref<20x512xi32, #tpu.memory_space<vmem>> -> memref<1x512xi32, #tpu.memory_space<vmem>>
        %dma_start3A_55 = tpu.memref_squeeze %dma_start3A_54 : memref<1x512xi32, #tpu.memory_space<vmem>> -> memref<512xi32, #tpu.memory_space<vmem>>
        %dma_start3A_56 = arith.constant 0 : i32
        %dma_start3A_57 = arith.constant 0 : i32
        %dma_start3A_58 = tpu.memref_slice %arg2[%dma_start3A_56, %dma_start3A_57] : memref<10112x16xf32, #tpu.memory_space<hbm>> -> memref<10112x16xf32, #tpu.memory_space<hbm>>
        tpu.enqueue_indirect_dma source(%dma_start3A_58 : memref<10112x16xf32, #tpu.memory_space<hbm>>) target(%arg10 : memref<512x16xf32, #tpu.memory_space<vmem>>) offsets(%dma_start3A_55 : memref<512xi32, #tpu.memory_space<vmem>>) semaphore(%arg13 : memref<!tpu.dma_semaphore, #tpu.memory_space<semaphore_mem>>)
      } else {
      }
    }
    %scan3A_20 = arith.constant 10 : i32
    %barrier3A_21 = arith.constant 0 : index
    tpu.barrier barrier_id(%barrier3A_21)
    "tpu.region"() ({
      %run_scoped3A = tpu.sem_alloc : memref<!tpu.dma_semaphore, #tpu.memory_space<semaphore_mem>>
      %dma_start3A_22 = arith.constant 0 : i32
      %dma_start3A_23 = tpu.memref_slice %arg6[%arg0, %mul3A_2, %dma_start3A_22] : memref<2x10112x16xf32, #tpu.memory_space<hbm>> -> memref<1x632x16xf32, #tpu.memory_space<hbm>>
      %dma_start3A_24 = tpu.memref_squeeze %dma_start3A_23 : memref<1x632x16xf32, #tpu.memory_space<hbm>> -> memref<632x16xf32, #tpu.memory_space<hbm>>
      %dma_start3A_25 = arith.constant 0 : i32
      %dma_start3A_26 = tpu.memref_slice %arg11[%mul3A_2, %dma_start3A_25] : memref<10112x16xf32, #tpu.memory_space<vmem_shared>> -> memref<632x16xf32, #tpu.memory_space<vmem_shared>>
      tpu.enqueue_dma source(%dma_start3A_26 : memref<632x16xf32, #tpu.memory_space<vmem_shared>>) target(%dma_start3A_24 : memref<632x16xf32, #tpu.memory_space<hbm>>) target_semaphore(%run_scoped3A : memref<!tpu.dma_semaphore, #tpu.memory_space<semaphore_mem>>)
      %dma_wait3A = arith.constant 0 : i32
      %dma_wait3A_27 = tpu.memref_slice %arg6[%arg0, %mul3A_2, %dma_wait3A] : memref<2x10112x16xf32, #tpu.memory_space<hbm>> -> memref<1x632x16xf32, #tpu.memory_space<hbm>>
      %dma_wait3A_28 = tpu.memref_squeeze %dma_wait3A_27 : memref<1x632x16xf32, #tpu.memory_space<hbm>> -> memref<632x16xf32, #tpu.memory_space<hbm>>
      %dma_wait3A_29 = arith.constant 0 : i32
      %dma_wait3A_30 = tpu.memref_slice %arg11[%mul3A_2, %dma_wait3A_29] : memref<10112x16xf32, #tpu.memory_space<vmem_shared>> -> memref<632x16xf32, #tpu.memory_space<vmem_shared>>
      tpu.wait_dma2 semaphore(%run_scoped3A : memref<!tpu.dma_semaphore, #tpu.memory_space<semaphore_mem>>) src(%dma_wait3A_30 : memref<632x16xf32, #tpu.memory_space<vmem_shared>>) dst(%dma_wait3A_28 : memref<632x16xf32, #tpu.memory_space<hbm>>)
      tpu.yield
    }) : () -> ()
    return
  }
}

#map = affine_map<(d0, d1) -> (0, 0)>
#map1 = affine_map<(d0, d1) -> (0, 0, 0)>
module attributes {stable_mosaic.version = 14 : i64} {
  func.func @k(%arg0: i32, %arg1: i32, %arg2: memref<10112x16xf32, #tpu.memory_space<hbm>>, %arg3: memref<32x20x512xi32, #tpu.memory_space<hbm>>, %arg4: memref<32x20x512xi32, #tpu.memory_space<hbm>>, %arg5: memref<10112x16xf32, #tpu.memory_space<hbm>>, %arg6: memref<2x10112x16xf32, #tpu.memory_space<hbm>>, %arg7: memref<20x512xi32, #tpu.memory_space<vmem>>, %arg8: memref<20x512xi32, #tpu.memory_space<vmem>>, %arg9: memref<512x16xf32, #tpu.memory_space<vmem>>, %arg10: memref<512x16xf32, #tpu.memory_space<vmem>>, %arg11: memref<10112x16xf32, #tpu.memory_space<vmem_shared>>, %arg12: memref<!tpu.dma_semaphore, #tpu.memory_space<semaphore_mem>>, %arg13: memref<!tpu.dma_semaphore, #tpu.memory_space<semaphore_mem>>, %arg14: memref<!tpu.dma_semaphore, #tpu.memory_space<semaphore_mem>>, %arg15: memref<!tpu.dma_semaphore, #tpu.memory_space<semaphore_mem>>) attributes {dimension_semantics = [#tpu.dimension_semantics<core_parallel>, #tpu.dimension_semantics<subcore_parallel>], iteration_bounds = array<i64: 2, 16>, scalar_prefetch = 0 : i64, scratch_operands = 9 : i64, tpu.core_type = #tpu.core_type<sc_vector_subcore>, window_params = [{transform_indices = #map}, {transform_indices = #map1}, {transform_indices = #map1}, {transform_indices = #map}, {transform_indices = #map1}]} {
    %mul3A = arith.constant 16 : i32
    %mul3A_0 = arith.muli %arg0, %mul3A : i32
    %add3A = arith.addi %mul3A_0, %arg1 : i32
    %mul3A_1 = arith.constant 632 : i32
    %mul3A_2 = arith.muli %arg1, %mul3A_1 : i32
    "tpu.region"() ({
      %run_scoped3A = tpu.sem_alloc : memref<!tpu.dma_semaphore, #tpu.memory_space<semaphore_mem>>
      %dma_start3A_22 = arith.constant 0 : i32
      %dma_start3A_23 = tpu.memref_slice %arg11[%mul3A_2, %dma_start3A_22] : memref<10112x16xf32, #tpu.memory_space<vmem_shared>> -> memref<632x16xf32, #tpu.memory_space<vmem_shared>>
      %dma_start3A_24 = arith.constant 0 : i32
      %dma_start3A_25 = tpu.memref_slice %arg5[%mul3A_2, %dma_start3A_24] : memref<10112x16xf32, #tpu.memory_space<hbm>> -> memref<632x16xf32, #tpu.memory_space<hbm>>
      tpu.enqueue_dma source(%dma_start3A_25 : memref<632x16xf32, #tpu.memory_space<hbm>>) target(%dma_start3A_23 : memref<632x16xf32, #tpu.memory_space<vmem_shared>>) target_semaphore(%run_scoped3A : memref<!tpu.dma_semaphore, #tpu.memory_space<semaphore_mem>>)
      %dma_wait3A = arith.constant 0 : i32
      %dma_wait3A_26 = tpu.memref_slice %arg11[%mul3A_2, %dma_wait3A] : memref<10112x16xf32, #tpu.memory_space<vmem_shared>> -> memref<632x16xf32, #tpu.memory_space<vmem_shared>>
      %dma_wait3A_27 = arith.constant 0 : i32
      %dma_wait3A_28 = tpu.memref_slice %arg5[%mul3A_2, %dma_wait3A_27] : memref<10112x16xf32, #tpu.memory_space<hbm>> -> memref<632x16xf32, #tpu.memory_space<hbm>>
      tpu.wait_dma2 semaphore(%run_scoped3A : memref<!tpu.dma_semaphore, #tpu.memory_space<semaphore_mem>>) src(%dma_wait3A_28 : memref<632x16xf32, #tpu.memory_space<hbm>>) dst(%dma_wait3A_26 : memref<632x16xf32, #tpu.memory_space<vmem_shared>>)
      tpu.yield
    }) : () -> ()
    "tpu.region"() ({
      %run_scoped3A = tpu.sem_alloc : memref<!tpu.dma_semaphore, #tpu.memory_space<semaphore_mem>>
      %dma_start3A_22 = arith.constant 0 : i32
      %dma_start3A_23 = arith.constant 0 : i32
      %dma_start3A_24 = tpu.memref_slice %arg3[%add3A, %dma_start3A_22, %dma_start3A_23] : memref<32x20x512xi32, #tpu.memory_space<hbm>> -> memref<1x20x512xi32, #tpu.memory_space<hbm>>
      %dma_start3A_25 = tpu.memref_squeeze %dma_start3A_24 : memref<1x20x512xi32, #tpu.memory_space<hbm>> -> memref<20x512xi32, #tpu.memory_space<hbm>>
      %dma_start3A_26 = arith.constant 0 : i32
      %dma_start3A_27 = arith.constant 0 : i32
      %dma_start3A_28 = tpu.memref_slice %arg3[%add3A, %dma_start3A_26, %dma_start3A_27] : memref<32x20x512xi32, #tpu.memory_space<hbm>> -> memref<1x20x512xi32, #tpu.memory_space<hbm>>
      %dma_start3A_29 = tpu.memref_squeeze %dma_start3A_28 : memref<1x20x512xi32, #tpu.memory_space<hbm>> -> memref<20x512xi32, #tpu.memory_space<hbm>>
      tpu.enqueue_dma source(%dma_start3A_29 : memref<20x512xi32, #tpu.memory_space<hbm>>) target(%arg7 : memref<20x512xi32, #tpu.memory_space<vmem>>) target_semaphore(%run_scoped3A : memref<!tpu.dma_semaphore, #tpu.memory_space<semaphore_mem>>)
      %dma_wait3A = arith.constant 0 : i32
      %dma_wait3A_30 = arith.constant 0 : i32
      %dma_wait3A_31 = tpu.memref_slice %arg3[%add3A, %dma_wait3A, %dma_wait3A_30] : memref<32x20x512xi32, #tpu.memory_space<hbm>> -> memref<1x20x512xi32, #tpu.memory_space<hbm>>
      %dma_wait3A_32 = tpu.memref_squeeze %dma_wait3A_31 : memref<1x20x512xi32, #tpu.memory_space<hbm>> -> memref<20x512xi32, #tpu.memory_space<hbm>>
      %dma_wait3A_33 = arith.constant 0 : i32
      %dma_wait3A_34 = arith.constant 0 : i32
      %dma_wait3A_35 = tpu.memref_slice %arg3[%add3A, %dma_wait3A_33, %dma_wait3A_34] : memref<32x20x512xi32, #tpu.memory_space<hbm>> -> memref<1x20x512xi32, #tpu.memory_space<hbm>>
      %dma_wait3A_36 = tpu.memref_squeeze %dma_wait3A_35 : memref<1x20x512xi32, #tpu.memory_space<hbm>> -> memref<20x512xi32, #tpu.memory_space<hbm>>
      tpu.wait_dma2 semaphore(%run_scoped3A : memref<!tpu.dma_semaphore, #tpu.memory_space<semaphore_mem>>) src(%dma_wait3A_36 : memref<20x512xi32, #tpu.memory_space<hbm>>) dst(%arg7 : memref<20x512xi32, #tpu.memory_space<vmem>>)
      tpu.yield
    }) : () -> ()
    "tpu.region"() ({
      %run_scoped3A = tpu.sem_alloc : memref<!tpu.dma_semaphore, #tpu.memory_space<semaphore_mem>>
      %dma_start3A_22 = arith.constant 0 : i32
      %dma_start3A_23 = arith.constant 0 : i32
      %dma_start3A_24 = tpu.memref_slice %arg4[%add3A, %dma_start3A_22, %dma_start3A_23] : memref<32x20x512xi32, #tpu.memory_space<hbm>> -> memref<1x20x512xi32, #tpu.memory_space<hbm>>
      %dma_start3A_25 = tpu.memref_squeeze %dma_start3A_24 : memref<1x20x512xi32, #tpu.memory_space<hbm>> -> memref<20x512xi32, #tpu.memory_space<hbm>>
      %dma_start3A_26 = arith.constant 0 : i32
      %dma_start3A_27 = arith.constant 0 : i32
      %dma_start3A_28 = tpu.memref_slice %arg4[%add3A, %dma_start3A_26, %dma_start3A_27] : memref<32x20x512xi32, #tpu.memory_space<hbm>> -> memref<1x20x512xi32, #tpu.memory_space<hbm>>
      %dma_start3A_29 = tpu.memref_squeeze %dma_start3A_28 : memref<1x20x512xi32, #tpu.memory_space<hbm>> -> memref<20x512xi32, #tpu.memory_space<hbm>>
      tpu.enqueue_dma source(%dma_start3A_29 : memref<20x512xi32, #tpu.memory_space<hbm>>) target(%arg8 : memref<20x512xi32, #tpu.memory_space<vmem>>) target_semaphore(%run_scoped3A : memref<!tpu.dma_semaphore, #tpu.memory_space<semaphore_mem>>)
      %dma_wait3A = arith.constant 0 : i32
      %dma_wait3A_30 = arith.constant 0 : i32
      %dma_wait3A_31 = tpu.memref_slice %arg4[%add3A, %dma_wait3A, %dma_wait3A_30] : memref<32x20x512xi32, #tpu.memory_space<hbm>> -> memref<1x20x512xi32, #tpu.memory_space<hbm>>
      %dma_wait3A_32 = tpu.memref_squeeze %dma_wait3A_31 : memref<1x20x512xi32, #tpu.memory_space<hbm>> -> memref<20x512xi32, #tpu.memory_space<hbm>>
      %dma_wait3A_33 = arith.constant 0 : i32
      %dma_wait3A_34 = arith.constant 0 : i32
      %dma_wait3A_35 = tpu.memref_slice %arg4[%add3A, %dma_wait3A_33, %dma_wait3A_34] : memref<32x20x512xi32, #tpu.memory_space<hbm>> -> memref<1x20x512xi32, #tpu.memory_space<hbm>>
      %dma_wait3A_36 = tpu.memref_squeeze %dma_wait3A_35 : memref<1x20x512xi32, #tpu.memory_space<hbm>> -> memref<20x512xi32, #tpu.memory_space<hbm>>
      tpu.wait_dma2 semaphore(%run_scoped3A : memref<!tpu.dma_semaphore, #tpu.memory_space<semaphore_mem>>) src(%dma_wait3A_36 : memref<20x512xi32, #tpu.memory_space<hbm>>) dst(%arg8 : memref<20x512xi32, #tpu.memory_space<vmem>>)
      tpu.yield
    }) : () -> ()
    %barrier3A = arith.constant 0 : index
    tpu.barrier barrier_id(%barrier3A)
    %dma_start3A = arith.constant 0 : i32
    %dma_start3A_3 = arith.constant 0 : i32
    %dma_start3A_4 = tpu.memref_slice %arg7[%dma_start3A, %dma_start3A_3] : memref<20x512xi32, #tpu.memory_space<vmem>> -> memref<1x512xi32, #tpu.memory_space<vmem>>
    %dma_start3A_5 = tpu.memref_squeeze %dma_start3A_4 : memref<1x512xi32, #tpu.memory_space<vmem>> -> memref<512xi32, #tpu.memory_space<vmem>>
    %dma_start3A_6 = arith.constant 0 : i32
    %dma_start3A_7 = arith.constant 0 : i32
    %dma_start3A_8 = tpu.memref_slice %arg2[%dma_start3A_6, %dma_start3A_7] : memref<10112x16xf32, #tpu.memory_space<hbm>> -> memref<10112x16xf32, #tpu.memory_space<hbm>>
    tpu.enqueue_indirect_dma source(%dma_start3A_8 : memref<10112x16xf32, #tpu.memory_space<hbm>>) target(%arg9 : memref<512x16xf32, #tpu.memory_space<vmem>>) offsets(%dma_start3A_5 : memref<512xi32, #tpu.memory_space<vmem>>) semaphore(%arg12 : memref<!tpu.dma_semaphore, #tpu.memory_space<semaphore_mem>>)
    %dma_start3A_9 = arith.constant 1 : i32
    %dma_start3A_10 = arith.constant 0 : i32
    %dma_start3A_11 = tpu.memref_slice %arg7[%dma_start3A_9, %dma_start3A_10] : memref<20x512xi32, #tpu.memory_space<vmem>> -> memref<1x512xi32, #tpu.memory_space<vmem>>
    %dma_start3A_12 = tpu.memref_squeeze %dma_start3A_11 : memref<1x512xi32, #tpu.memory_space<vmem>> -> memref<512xi32, #tpu.memory_space<vmem>>
    %dma_start3A_13 = arith.constant 0 : i32
    %dma_start3A_14 = arith.constant 0 : i32
    %dma_start3A_15 = tpu.memref_slice %arg2[%dma_start3A_13, %dma_start3A_14] : memref<10112x16xf32, #tpu.memory_space<hbm>> -> memref<10112x16xf32, #tpu.memory_space<hbm>>
    tpu.enqueue_indirect_dma source(%dma_start3A_15 : memref<10112x16xf32, #tpu.memory_space<hbm>>) target(%arg10 : memref<512x16xf32, #tpu.memory_space<vmem>>) offsets(%dma_start3A_12 : memref<512xi32, #tpu.memory_space<vmem>>) semaphore(%arg13 : memref<!tpu.dma_semaphore, #tpu.memory_space<semaphore_mem>>)
    %scan3A = arith.constant 0 : i32
    %scan3A_16 = arith.constant 0 : i32
    %scan3A_17 = arith.constant 10 : i32
    %scan3A_18 = arith.addi %scan3A_16, %scan3A_17 : i32
    %scan3A_19 = arith.constant 1 : i32
    scf.for %scan3A_22 = %scan3A_16 to %scan3A_18 step %scan3A_19  : i32 {
      %mul3A_23 = arith.constant 2 : i32
      %mul3A_24 = arith.muli %mul3A_23, %scan3A_22 : i32
      %dma_wait3A = arith.constant 0 : i32
      %dma_wait3A_25 = tpu.memref_slice %arg7[%mul3A_24, %dma_wait3A] : memref<20x512xi32, #tpu.memory_space<vmem>> -> memref<1x512xi32, #tpu.memory_space<vmem>>
      %dma_wait3A_26 = tpu.memref_squeeze %dma_wait3A_25 : memref<1x512xi32, #tpu.memory_space<vmem>> -> memref<512xi32, #tpu.memory_space<vmem>>
      %dma_wait3A_27 = arith.constant 0 : i32
      %dma_wait3A_28 = arith.constant 0 : i32
      %dma_wait3A_29 = tpu.memref_slice %arg2[%dma_wait3A_27, %dma_wait3A_28] : memref<10112x16xf32, #tpu.memory_space<hbm>> -> memref<10112x16xf32, #tpu.memory_space<hbm>>
      tpu.wait_indirect_dma semaphore(%arg12 : memref<!tpu.dma_semaphore, #tpu.memory_space<semaphore_mem>>) src(%dma_wait3A_29 : memref<10112x16xf32, #tpu.memory_space<hbm>>) dst(%arg9 : memref<512x16xf32, #tpu.memory_space<vmem>>)
      "tpu.region"() ({
        %run_scoped3A = tpu.sem_alloc : memref<!tpu.dma_semaphore, #tpu.memory_space<semaphore_mem>>
        %dma_start3A_51 = arith.constant 0 : i32
        %dma_start3A_52 = tpu.memref_slice %arg8[%mul3A_24, %dma_start3A_51] : memref<20x512xi32, #tpu.memory_space<vmem>> -> memref<1x512xi32, #tpu.memory_space<vmem>>
        %dma_start3A_53 = tpu.memref_squeeze %dma_start3A_52 : memref<1x512xi32, #tpu.memory_space<vmem>> -> memref<512xi32, #tpu.memory_space<vmem>>
        %dma_start3A_54 = arith.constant 0 : i32
        %dma_start3A_55 = arith.constant 0 : i32
        %dma_start3A_56 = tpu.memref_slice %arg11[%dma_start3A_54, %dma_start3A_55] : memref<10112x16xf32, #tpu.memory_space<vmem_shared>> -> memref<10112x16xf32, #tpu.memory_space<vmem_shared>>
        tpu.enqueue_indirect_dma source(%arg9 : memref<512x16xf32, #tpu.memory_space<vmem>>) target(%dma_start3A_56 : memref<10112x16xf32, #tpu.memory_space<vmem_shared>>) offsets(%dma_start3A_53 : memref<512xi32, #tpu.memory_space<vmem>>) semaphore(%run_scoped3A : memref<!tpu.dma_semaphore, #tpu.memory_space<semaphore_mem>>) {add = true}
        %dma_wait3A_57 = arith.constant 0 : i32
        %dma_wait3A_58 = tpu.memref_slice %arg8[%mul3A_24, %dma_wait3A_57] : memref<20x512xi32, #tpu.memory_space<vmem>> -> memref<1x512xi32, #tpu.memory_space<vmem>>
        %dma_wait3A_59 = tpu.memref_squeeze %dma_wait3A_58 : memref<1x512xi32, #tpu.memory_space<vmem>> -> memref<512xi32, #tpu.memory_space<vmem>>
        %dma_wait3A_60 = arith.constant 0 : i32
        %dma_wait3A_61 = arith.constant 0 : i32
        %dma_wait3A_62 = tpu.memref_slice %arg11[%dma_wait3A_60, %dma_wait3A_61] : memref<10112x16xf32, #tpu.memory_space<vmem_shared>> -> memref<10112x16xf32, #tpu.memory_space<vmem_shared>>
        tpu.wait_indirect_dma semaphore(%run_scoped3A : memref<!tpu.dma_semaphore, #tpu.memory_space<semaphore_mem>>) src(%arg9 : memref<512x16xf32, #tpu.memory_space<vmem>>) dst(%dma_wait3A_62 : memref<10112x16xf32, #tpu.memory_space<vmem_shared>>)
        tpu.yield
      }) : () -> ()
      %add3A_30 = arith.constant 2 : i32
      %add3A_31 = arith.addi %mul3A_24, %add3A_30 : i32
      %lt3A = arith.constant 20 : i32
      %lt3A_32 = arith.cmpi slt, %add3A_31, %lt3A : i32
      %convert_element_type3A = arith.extui %lt3A_32 : i1 to i32
      %cond3A = arith.constant 0 : i32
      %cond3A_33 = arith.cmpi ne, %convert_element_type3A, %cond3A : i32
      scf.if %cond3A_33 {
        %add3A_51 = arith.constant 2 : i32
        %add3A_52 = arith.addi %mul3A_24, %add3A_51 : i32
        %dma_start3A_53 = arith.constant 0 : i32
        %dma_start3A_54 = tpu.memref_slice %arg7[%add3A_52, %dma_start3A_53] : memref<20x512xi32, #tpu.memory_space<vmem>> -> memref<1x512xi32, #tpu.memory_space<vmem>>
        %dma_start3A_55 = tpu.memref_squeeze %dma_start3A_54 : memref<1x512xi32, #tpu.memory_space<vmem>> -> memref<512xi32, #tpu.memory_space<vmem>>
        %dma_start3A_56 = arith.constant 0 : i32
        %dma_start3A_57 = arith.constant 0 : i32
        %dma_start3A_58 = tpu.memref_slice %arg2[%dma_start3A_56, %dma_start3A_57] : memref<10112x16xf32, #tpu.memory_space<hbm>> -> memref<10112x16xf32, #tpu.memory_space<hbm>>
        tpu.enqueue_indirect_dma source(%dma_start3A_58 : memref<10112x16xf32, #tpu.memory_space<hbm>>) target(%arg9 : memref<512x16xf32, #tpu.memory_space<vmem>>) offsets(%dma_start3A_55 : memref<512xi32, #tpu.memory_space<vmem>>) semaphore(%arg12 : memref<!tpu.dma_semaphore, #tpu.memory_space<semaphore_mem>>)
      } else {
      }
      %add3A_34 = arith.constant 1 : i32
      %add3A_35 = arith.addi %mul3A_24, %add3A_34 : i32
      %dma_wait3A_36 = arith.constant 0 : i32
      %dma_wait3A_37 = tpu.memref_slice %arg7[%add3A_35, %dma_wait3A_36] : memref<20x512xi32, #tpu.memory_space<vmem>> -> memref<1x512xi32, #tpu.memory_space<vmem>>
      %dma_wait3A_38 = tpu.memref_squeeze %dma_wait3A_37 : memref<1x512xi32, #tpu.memory_space<vmem>> -> memref<512xi32, #tpu.memory_space<vmem>>
      %dma_wait3A_39 = arith.constant 0 : i32
      %dma_wait3A_40 = arith.constant 0 : i32
      %dma_wait3A_41 = tpu.memref_slice %arg2[%dma_wait3A_39, %dma_wait3A_40] : memref<10112x16xf32, #tpu.memory_space<hbm>> -> memref<10112x16xf32, #tpu.memory_space<hbm>>
      tpu.wait_indirect_dma semaphore(%arg13 : memref<!tpu.dma_semaphore, #tpu.memory_space<semaphore_mem>>) src(%dma_wait3A_41 : memref<10112x16xf32, #tpu.memory_space<hbm>>) dst(%arg10 : memref<512x16xf32, #tpu.memory_space<vmem>>)
      %add3A_42 = arith.constant 1 : i32
      %add3A_43 = arith.addi %mul3A_24, %add3A_42 : i32
      "tpu.region"() ({
        %run_scoped3A = tpu.sem_alloc : memref<!tpu.dma_semaphore, #tpu.memory_space<semaphore_mem>>
        %dma_start3A_51 = arith.constant 0 : i32
        %dma_start3A_52 = tpu.memref_slice %arg8[%add3A_43, %dma_start3A_51] : memref<20x512xi32, #tpu.memory_space<vmem>> -> memref<1x512xi32, #tpu.memory_space<vmem>>
        %dma_start3A_53 = tpu.memref_squeeze %dma_start3A_52 : memref<1x512xi32, #tpu.memory_space<vmem>> -> memref<512xi32, #tpu.memory_space<vmem>>
        %dma_start3A_54 = arith.constant 0 : i32
        %dma_start3A_55 = arith.constant 0 : i32
        %dma_start3A_56 = tpu.memref_slice %arg11[%dma_start3A_54, %dma_start3A_55] : memref<10112x16xf32, #tpu.memory_space<vmem_shared>> -> memref<10112x16xf32, #tpu.memory_space<vmem_shared>>
        tpu.enqueue_indirect_dma source(%arg10 : memref<512x16xf32, #tpu.memory_space<vmem>>) target(%dma_start3A_56 : memref<10112x16xf32, #tpu.memory_space<vmem_shared>>) offsets(%dma_start3A_53 : memref<512xi32, #tpu.memory_space<vmem>>) semaphore(%run_scoped3A : memref<!tpu.dma_semaphore, #tpu.memory_space<semaphore_mem>>) {add = true}
        %dma_wait3A_57 = arith.constant 0 : i32
        %dma_wait3A_58 = tpu.memref_slice %arg8[%add3A_43, %dma_wait3A_57] : memref<20x512xi32, #tpu.memory_space<vmem>> -> memref<1x512xi32, #tpu.memory_space<vmem>>
        %dma_wait3A_59 = tpu.memref_squeeze %dma_wait3A_58 : memref<1x512xi32, #tpu.memory_space<vmem>> -> memref<512xi32, #tpu.memory_space<vmem>>
        %dma_wait3A_60 = arith.constant 0 : i32
        %dma_wait3A_61 = arith.constant 0 : i32
        %dma_wait3A_62 = tpu.memref_slice %arg11[%dma_wait3A_60, %dma_wait3A_61] : memref<10112x16xf32, #tpu.memory_space<vmem_shared>> -> memref<10112x16xf32, #tpu.memory_space<vmem_shared>>
        tpu.wait_indirect_dma semaphore(%run_scoped3A : memref<!tpu.dma_semaphore, #tpu.memory_space<semaphore_mem>>) src(%arg10 : memref<512x16xf32, #tpu.memory_space<vmem>>) dst(%dma_wait3A_62 : memref<10112x16xf32, #tpu.memory_space<vmem_shared>>)
        tpu.yield
      }) : () -> ()
      %add3A_44 = arith.constant 3 : i32
      %add3A_45 = arith.addi %mul3A_24, %add3A_44 : i32
      %lt3A_46 = arith.constant 20 : i32
      %lt3A_47 = arith.cmpi slt, %add3A_45, %lt3A_46 : i32
      %convert_element_type3A_48 = arith.extui %lt3A_47 : i1 to i32
      %cond3A_49 = arith.constant 0 : i32
      %cond3A_50 = arith.cmpi ne, %convert_element_type3A_48, %cond3A_49 : i32
      scf.if %cond3A_50 {
        %add3A_51 = arith.constant 3 : i32
        %add3A_52 = arith.addi %mul3A_24, %add3A_51 : i32
        %dma_start3A_53 = arith.constant 0 : i32
        %dma_start3A_54 = tpu.memref_slice %arg7[%add3A_52, %dma_start3A_53] : memref<20x512xi32, #tpu.memory_space<vmem>> -> memref<1x512xi32, #tpu.memory_space<vmem>>
        %dma_start3A_55 = tpu.memref_squeeze %dma_start3A_54 : memref<1x512xi32, #tpu.memory_space<vmem>> -> memref<512xi32, #tpu.memory_space<vmem>>
        %dma_start3A_56 = arith.constant 0 : i32
        %dma_start3A_57 = arith.constant 0 : i32
        %dma_start3A_58 = tpu.memref_slice %arg2[%dma_start3A_56, %dma_start3A_57] : memref<10112x16xf32, #tpu.memory_space<hbm>> -> memref<10112x16xf32, #tpu.memory_space<hbm>>
        tpu.enqueue_indirect_dma source(%dma_start3A_58 : memref<10112x16xf32, #tpu.memory_space<hbm>>) target(%arg10 : memref<512x16xf32, #tpu.memory_space<vmem>>) offsets(%dma_start3A_55 : memref<512xi32, #tpu.memory_space<vmem>>) semaphore(%arg13 : memref<!tpu.dma_semaphore, #tpu.memory_space<semaphore_mem>>)
      } else {
      }
    }
    %scan3A_20 = arith.constant 10 : i32
    %barrier3A_21 = arith.constant 0 : index
    tpu.barrier barrier_id(%barrier3A_21)
    "tpu.region"() ({
      %run_scoped3A = tpu.sem_alloc : memref<!tpu.dma_semaphore, #tpu.memory_space<semaphore_mem>>
      %dma_start3A_22 = arith.constant 0 : i32
      %dma_start3A_23 = tpu.memref_slice %arg6[%arg0, %mul3A_2, %dma_start3A_22] : memref<2x10112x16xf32, #tpu.memory_space<hbm>> -> memref<1x632x16xf32, #tpu.memory_space<hbm>>
      %dma_start3A_24 = tpu.memref_squeeze %dma_start3A_23 : memref<1x632x16xf32, #tpu.memory_space<hbm>> -> memref<632x16xf32, #tpu.memory_space<hbm>>
      %dma_start3A_25 = arith.constant 0 : i32
      %dma_start3A_26 = tpu.memref_slice %arg11[%mul3A_2, %dma_start3A_25] : memref<10112x16xf32, #tpu.memory_space<vmem_shared>> -> memref<632x16xf32, #tpu.memory_space<vmem_shared>>
      tpu.enqueue_dma source(%dma_start3A_26 : memref<632x16xf32, #tpu.memory_space<vmem_shared>>) target(%dma_start3A_24 : memref<632x16xf32, #tpu.memory_space<hbm>>) target_semaphore(%run_scoped3A : memref<!tpu.dma_semaphore, #tpu.memory_space<semaphore_mem>>)
      %dma_wait3A = arith.constant 0 : i32
      %dma_wait3A_27 = tpu.memref_slice %arg6[%arg0, %mul3A_2, %dma_wait3A] : memref<2x10112x16xf32, #tpu.memory_space<hbm>> -> memref<1x632x16xf32, #tpu.memory_space<hbm>>
      %dma_wait3A_28 = tpu.memref_squeeze %dma_wait3A_27 : memref<1x632x16xf32, #tpu.memory_space<hbm>> -> memref<632x16xf32, #tpu.memory_space<hbm>>
      %dma_wait3A_29 = arith.constant 0 : i32
      %dma_wait3A_30 = tpu.memref_slice %arg11[%mul3A_2, %dma_wait3A_29] : memref<10112x16xf32, #tpu.memory_space<vmem_shared>> -> memref<632x16xf32, #tpu.memory_space<vmem_shared>>
      tpu.wait_dma2 semaphore(%run_scoped3A : memref<!tpu.dma_semaphore, #tpu.memory_space<semaphore_mem>>) src(%dma_wait3A_30 : memref<632x16xf32, #tpu.memory_space<vmem_shared>>) dst(%dma_wait3A_28 : memref<632x16xf32, #tpu.memory_space<hbm>>)
      tpu.yield
    }) : () -> ()
    return
  }
}

module attributes {stable_mosaic.version = 14 : i64} {
  func.func @_t1_body(%arg0: i32, %arg1: memref<2528x16xf32, #tpu.memory_space<vmem>>, %arg2: memref<2528x16xf32, #tpu.memory_space<vmem>>, %arg3: memref<2528x16xf32, #tpu.memory_space<vmem>>, %arg4: memref<2528x16xf32, #tpu.memory_space<vmem>>, %arg5: memref<2528x16xf32, #tpu.memory_space<vmem>>) attributes {dimension_semantics = [#tpu.dimension_semantics<arbitrary>], iteration_bounds = array<i64: 4>, scalar_prefetch = 0 : i64, scratch_operands = 0 : i64, tpu.core_type = #tpu.core_type<tc>, window_params = [{transform_indices = @transform_0, window_bounds = array<i64: 2528, 16>}, {transform_indices = @transform_1, window_bounds = array<i64: 2528, 16>}, {transform_indices = @transform_2, window_bounds = array<i64: 2528, 16>}, {transform_indices = @transform_3, window_bounds = array<i64: 2528, 16>}, {transform_indices = @transform_4, window_bounds = array<i64: 2528, 16>}]} {
    %get3A = arith.constant 0 : index
    %get3A_0 = arith.constant 0 : index
    %get3A_1 = vector.load %arg1[%get3A, %get3A_0] : memref<2528x16xf32, #tpu.memory_space<vmem>>, vector<2528x16xf32>
    %slice3A = vector.extract_strided_slice %get3A_1 {offsets = [0, 0], sizes = [2528, 1], strides = [1, 1]} : vector<2528x16xf32> to vector<2528x1xf32>
    %get3A_2 = arith.constant 0 : index
    %get3A_3 = arith.constant 0 : index
    %get3A_4 = vector.load %arg2[%get3A_2, %get3A_3] : memref<2528x16xf32, #tpu.memory_space<vmem>>, vector<2528x16xf32>
    %slice3A_5 = vector.extract_strided_slice %get3A_4 {offsets = [0, 0], sizes = [2528, 1], strides = [1, 1]} : vector<2528x16xf32> to vector<2528x1xf32>
    %add3A = arith.addf %slice3A, %slice3A_5 : vector<2528x1xf32>
    %add3A_6 = arith.constant 1.000000e+00 : f32
    %add3A_7 = vector.broadcast %add3A_6 : f32 to vector<2528x1xf32>
    %add3A_8 = arith.addf %add3A, %add3A_7 : vector<2528x1xf32>
    %sqrt3A = math.sqrt %add3A_8 : vector<2528x1xf32>
    %div3A = arith.constant 1.000000e+00 : f32
    %div3A_9 = vector.broadcast %div3A : f32 to vector<2528x1xf32>
    %div3A_10 = arith.divf %div3A_9, %sqrt3A : vector<2528x1xf32>
    %broadcast_in_dim3A = vector.shape_cast %div3A_10 : vector<2528x1xf32> to vector<2528x1xf32>
    %broadcast_in_dim3A_11 = vector.broadcast %broadcast_in_dim3A : vector<2528x1xf32> to vector<2528x16xf32>
    %swap3A = arith.constant 0 : index
    %swap3A_12 = arith.constant 0 : index
    %swap3A_13 = vector.load %arg4[%swap3A, %swap3A_12] : memref<2528x16xf32, #tpu.memory_space<vmem>>, vector<2528x16xf32>
    tpu.vector_store %arg4[%swap3A, %swap3A_12], %broadcast_in_dim3A_11 {strides = array<i32>} : memref<2528x16xf32, #tpu.memory_space<vmem>>, vector<2528x16xf32>,
    %get3A_14 = arith.constant 0 : index
    %get3A_15 = arith.constant 0 : index
    %get3A_16 = vector.load %arg3[%get3A_14, %get3A_15] : memref<2528x16xf32, #tpu.memory_space<vmem>>, vector<2528x16xf32>
    %mul3A = vector.broadcast %div3A_10 : vector<2528x1xf32> to vector<2528x16xf32>
    %mul3A_17 = arith.mulf %get3A_16, %mul3A : vector<2528x16xf32>
    %swap3A_18 = arith.constant 0 : index
    %swap3A_19 = arith.constant 0 : index
    %swap3A_20 = vector.load %arg5[%swap3A_18, %swap3A_19] : memref<2528x16xf32, #tpu.memory_space<vmem>>, vector<2528x16xf32>
    tpu.vector_store %arg5[%swap3A_18, %swap3A_19], %mul3A_17 {strides = array<i32>} : memref<2528x16xf32, #tpu.memory_space<vmem>>, vector<2528x16xf32>,
    return
  }
  func.func @transform_0(%arg0: i32) -> (i32, i32) {
    %c0_i32 = arith.constant 0 : i32
    %c0_i32_0 = arith.constant 0 : i32
    return %arg0, %c0_i32 : i32, i32
  }
  func.func @transform_1(%arg0: i32) -> (i32, i32) {
    %c0_i32 = arith.constant 0 : i32
    %c0_i32_0 = arith.constant 0 : i32
    return %arg0, %c0_i32 : i32, i32
  }
  func.func @transform_2(%arg0: i32) -> (i32, i32) {
    %c0_i32 = arith.constant 0 : i32
    %c0_i32_0 = arith.constant 0 : i32
    return %arg0, %c0_i32 : i32, i32
  }
  func.func @transform_3(%arg0: i32) -> (i32, i32) {
    %c0_i32 = arith.constant 0 : i32
    %c0_i32_0 = arith.constant 0 : i32
    return %arg0, %c0_i32 : i32, i32
  }
  func.func @transform_4(%arg0: i32) -> (i32, i32) {
    %c0_i32 = arith.constant 0 : i32
    %c0_i32_0 = arith.constant 0 : i32
    return %arg0, %c0_i32 : i32, i32
  }
}

module attributes {stable_mosaic.version = 14 : i64} {
  func.func @_t3_body(%arg0: i32, %arg1: memref<2528x16xf32, #tpu.memory_space<vmem>>, %arg2: memref<2528x16xf32, #tpu.memory_space<vmem>>, %arg3: memref<2528x16xf32, #tpu.memory_space<vmem>>, %arg4: memref<2528x16xf32, #tpu.memory_space<vmem>>, %arg5: memref<16x128xf32, #tpu.memory_space<vmem>>, %arg6: memref<1x128xf32, #tpu.memory_space<vmem>>, %arg7: memref<128x128xf32, #tpu.memory_space<vmem>>, %arg8: memref<2x2528x64xf32, #tpu.memory_space<vmem>>) attributes {dimension_semantics = [#tpu.dimension_semantics<arbitrary>], iteration_bounds = array<i64: 4>, scalar_prefetch = 0 : i64, scratch_operands = 0 : i64, tpu.core_type = #tpu.core_type<tc>, window_params = [{transform_indices = @transform_0, window_bounds = array<i64: 2528, 16>}, {transform_indices = @transform_1, window_bounds = array<i64: 2528, 16>}, {transform_indices = @transform_2, window_bounds = array<i64: 2528, 16>}, {transform_indices = @transform_3, window_bounds = array<i64: 2528, 16>}, {pipeline_mode = #tpu.pipeline_mode<synchronous>, transform_indices = @transform_4, window_bounds = array<i64: 16, 128>}, {pipeline_mode = #tpu.pipeline_mode<synchronous>, transform_indices = @transform_5, window_bounds = array<i64: 1, 128>}, {pipeline_mode = #tpu.pipeline_mode<synchronous>, transform_indices = @transform_6, window_bounds = array<i64: 128, 128>}, {transform_indices = @transform_7, window_bounds = array<i64: 2, 2528, 64>}]} {
    %get3A = arith.constant 0 : index
    %get3A_0 = arith.constant 0 : index
    %get3A_1 = vector.load %arg4[%get3A, %get3A_0] : memref<2528x16xf32, #tpu.memory_space<vmem>>, vector<2528x16xf32>
    %get3A_2 = arith.constant 0 : index
    %get3A_3 = arith.constant 0 : index
    %get3A_4 = vector.load %arg1[%get3A_2, %get3A_3] : memref<2528x16xf32, #tpu.memory_space<vmem>>, vector<2528x16xf32>
    %get3A_5 = arith.constant 0 : index
    %get3A_6 = arith.constant 0 : index
    %get3A_7 = vector.load %arg2[%get3A_5, %get3A_6] : memref<2528x16xf32, #tpu.memory_space<vmem>>, vector<2528x16xf32>
    %add3A = arith.addf %get3A_4, %get3A_7 : vector<2528x16xf32>
    %get3A_8 = arith.constant 0 : index
    %get3A_9 = arith.constant 0 : index
    %get3A_10 = vector.load %arg3[%get3A_8, %get3A_9] : memref<2528x16xf32, #tpu.memory_space<vmem>>, vector<2528x16xf32>
    %add3A_11 = arith.addf %add3A, %get3A_10 : vector<2528x16xf32>
    %mul3A = arith.mulf %get3A_1, %add3A_11 : vector<2528x16xf32>
    %get3A_12 = arith.constant 0 : index
    %get3A_13 = arith.constant 0 : index
    %get3A_14 = vector.load %arg5[%get3A_12, %get3A_13] : memref<16x128xf32, #tpu.memory_space<vmem>>, vector<16x128xf32>
    %dot_general3A = arith.constant dense<0.000000e+00> : vector<2528x128xf32>
    %dot_general3A_15 = tpu.matmul %mul3A, %get3A_14, %dot_general3A {dimension_numbers = #tpu.dot_dimension_numbers<[1], [0], [0], [1], [0, 0, 1, 1], [], []>, transpose_lhs_hint = false} : vector<2528x16xf32>, vector<16x128xf32>, vector<2528x128xf32> -> vector<2528x128xf32>
    %get3A_16 = arith.constant 0 : index
    %get3A_17 = arith.constant 0 : index
    %get3A_18 = vector.load %arg6[%get3A_16, %get3A_17] : memref<1x128xf32, #tpu.memory_space<vmem>>, vector<1x128xf32>
    %add3A_19 = vector.broadcast %get3A_18 : vector<1x128xf32> to vector<2528x128xf32>
    %add3A_20 = arith.addf %dot_general3A_15, %add3A_19 : vector<2528x128xf32>
    %max3A = arith.constant 0.000000e+00 : f32
    %max3A_21 = vector.broadcast %max3A : f32 to vector<2528x128xf32>
    %max3A_22 = arith.maximumf %add3A_20, %max3A_21 : vector<2528x128xf32>
    %get3A_23 = arith.constant 0 : index
    %get3A_24 = arith.constant 0 : index
    %get3A_25 = vector.load %arg7[%get3A_23, %get3A_24] : memref<128x128xf32, #tpu.memory_space<vmem>>, vector<128x128xf32>
    %dot_general3A_26 = arith.constant dense<0.000000e+00> : vector<2528x128xf32>
    %dot_general3A_27 = tpu.matmul %max3A_22, %get3A_25, %dot_general3A_26 {dimension_numbers = #tpu.dot_dimension_numbers<[1], [0], [0], [1], [0, 0, 1, 1], [], []>, transpose_lhs_hint = false} : vector<2528x128xf32>, vector<128x128xf32>, vector<2528x128xf32> -> vector<2528x128xf32>
    %get3A_28 = arith.constant 0 : index
    %get3A_29 = arith.constant 0 : index
    %get3A_30 = vector.load %arg4[%get3A_28, %get3A_29] : memref<2528x16xf32, #tpu.memory_space<vmem>>, vector<2528x16xf32>
    %slice3A = vector.extract_strided_slice %get3A_30 {offsets = [0, 0], sizes = [2528, 1], strides = [1, 1]} : vector<2528x16xf32> to vector<2528x1xf32>
    %mul3A_31 = vector.broadcast %slice3A : vector<2528x1xf32> to vector<2528x128xf32>
    %mul3A_32 = arith.mulf %mul3A_31, %dot_general3A_27 : vector<2528x128xf32>
    %slice3A_33 = vector.extract_strided_slice %mul3A_32 {offsets = [0, 0], sizes = [2528, 64], strides = [1, 1]} : vector<2528x128xf32> to vector<2528x64xf32>
    %swap3A = arith.constant 0 : index
    %swap3A_34 = arith.constant 0 : index
    %swap3A_35 = arith.constant 0 : index
    %swap3A_36 = vector.load %arg8[%swap3A, %swap3A_34, %swap3A_35] : memref<2x2528x64xf32, #tpu.memory_space<vmem>>, vector<1x2528x64xf32>
    %swap3A_37 = vector.shape_cast %swap3A_36 : vector<1x2528x64xf32> to vector<2528x64xf32>
    %swap3A_38 = vector.shape_cast %slice3A_33 : vector<2528x64xf32> to vector<1x2528x64xf32>
    tpu.vector_store %arg8[%swap3A, %swap3A_34, %swap3A_35], %swap3A_38 {strides = array<i32>} : memref<2x2528x64xf32, #tpu.memory_space<vmem>>, vector<1x2528x64xf32>,
    %slice3A_39 = vector.extract_strided_slice %mul3A_32 {offsets = [0, 64], sizes = [2528, 64], strides = [1, 1]} : vector<2528x128xf32> to vector<2528x64xf32>
    %swap3A_40 = arith.constant 1 : index
    %swap3A_41 = arith.constant 0 : index
    %swap3A_42 = arith.constant 0 : index
    %swap3A_43 = vector.load %arg8[%swap3A_40, %swap3A_41, %swap3A_42] : memref<2x2528x64xf32, #tpu.memory_space<vmem>>, vector<1x2528x64xf32>
    %swap3A_44 = vector.shape_cast %swap3A_43 : vector<1x2528x64xf32> to vector<2528x64xf32>
    %swap3A_45 = vector.shape_cast %slice3A_39 : vector<2528x64xf32> to vector<1x2528x64xf32>
    tpu.vector_store %arg8[%swap3A_40, %swap3A_41, %swap3A_42], %swap3A_45 {strides = array<i32>} : memref<2x2528x64xf32, #tpu.memory_space<vmem>>, vector<1x2528x64xf32>,
    return
  }
  func.func @transform_0(%arg0: i32) -> (i32, i32) {
    %c0_i32 = arith.constant 0 : i32
    %c0_i32_0 = arith.constant 0 : i32
    return %arg0, %c0_i32 : i32, i32
  }
  func.func @transform_1(%arg0: i32) -> (i32, i32) {
    %c0_i32 = arith.constant 0 : i32
    %c0_i32_0 = arith.constant 0 : i32
    return %arg0, %c0_i32 : i32, i32
  }
  func.func @transform_2(%arg0: i32) -> (i32, i32) {
    %c0_i32 = arith.constant 0 : i32
    %c0_i32_0 = arith.constant 0 : i32
    return %arg0, %c0_i32 : i32, i32
  }
  func.func @transform_3(%arg0: i32) -> (i32, i32) {
    %c0_i32 = arith.constant 0 : i32
    %c0_i32_0 = arith.constant 0 : i32
    return %arg0, %c0_i32 : i32, i32
  }
  func.func @transform_4(%arg0: i32) -> (i32, i32) {
    %c0_i32 = arith.constant 0 : i32
    %c0_i32_0 = arith.constant 0 : i32
    %c0_i32_1 = arith.constant 0 : i32
    return %c0_i32, %c0_i32_0 : i32, i32
  }
  func.func @transform_5(%arg0: i32) -> (i32, i32) {
    %c0_i32 = arith.constant 0 : i32
    %c0_i32_0 = arith.constant 0 : i32
    %c0_i32_1 = arith.constant 0 : i32
    return %c0_i32, %c0_i32_0 : i32, i32
  }
  func.func @transform_6(%arg0: i32) -> (i32, i32) {
    %c0_i32 = arith.constant 0 : i32
    %c0_i32_0 = arith.constant 0 : i32
    %c0_i32_1 = arith.constant 0 : i32
    return %c0_i32, %c0_i32_0 : i32, i32
  }
  func.func @transform_7(%arg0: i32) -> (i32, i32, i32) {
    %c0_i32 = arith.constant 0 : i32
    %c0_i32_0 = arith.constant 0 : i32
    %c0_i32_1 = arith.constant 0 : i32
    return %c0_i32, %arg0, %c0_i32_0 : i32, i32, i32
  }
}

module attributes {stable_mosaic.version = 14 : i64} {
  func.func @_t5_body(%arg0: i32, %arg1: memref<2x2528x64xf32, #tpu.memory_space<vmem>>, %arg2: memref<2x2528x64xf32, #tpu.memory_space<vmem>>, %arg3: memref<2528x16xf32, #tpu.memory_space<vmem>>, %arg4: memref<1x128xf32, #tpu.memory_space<vmem>>, %arg5: memref<128x128xf32, #tpu.memory_space<vmem>>, %arg6: memref<128x1xf32, #tpu.memory_space<vmem>>, %arg7: memref<2528x16xf32, #tpu.memory_space<vmem>>) attributes {dimension_semantics = [#tpu.dimension_semantics<arbitrary>], iteration_bounds = array<i64: 4>, scalar_prefetch = 0 : i64, scratch_operands = 0 : i64, tpu.core_type = #tpu.core_type<tc>, window_params = [{transform_indices = @transform_0, window_bounds = array<i64: 2, 2528, 64>}, {transform_indices = @transform_1, window_bounds = array<i64: 2, 2528, 64>}, {transform_indices = @transform_2, window_bounds = array<i64: 2528, 16>}, {pipeline_mode = #tpu.pipeline_mode<synchronous>, transform_indices = @transform_3, window_bounds = array<i64: 1, 128>}, {pipeline_mode = #tpu.pipeline_mode<synchronous>, transform_indices = @transform_4, window_bounds = array<i64: 128, 128>}, {pipeline_mode = #tpu.pipeline_mode<synchronous>, transform_indices = @transform_5, window_bounds = array<i64: 128, 1>}, {transform_indices = @transform_6, window_bounds = array<i64: 2528, 16>}]} {
    %get3A = arith.constant 0 : index
    %get3A_0 = arith.constant 0 : index
    %get3A_1 = vector.load %arg3[%get3A, %get3A_0] : memref<2528x16xf32, #tpu.memory_space<vmem>>, vector<2528x16xf32>
    %slice3A = vector.extract_strided_slice %get3A_1 {offsets = [0, 0], sizes = [2528, 1], strides = [1, 1]} : vector<2528x16xf32> to vector<2528x1xf32>
    %get3A_2 = arith.constant 0 : index
    %get3A_3 = arith.constant 0 : index
    %get3A_4 = arith.constant 0 : index
    %get3A_5 = vector.load %arg1[%get3A_2, %get3A_3, %get3A_4] : memref<2x2528x64xf32, #tpu.memory_space<vmem>>, vector<1x2528x64xf32>
    %get3A_6 = vector.shape_cast %get3A_5 : vector<1x2528x64xf32> to vector<2528x64xf32>
    %get3A_7 = arith.constant 1 : index
    %get3A_8 = arith.constant 0 : index
    %get3A_9 = arith.constant 0 : index
    %get3A_10 = vector.load %arg1[%get3A_7, %get3A_8, %get3A_9] : memref<2x2528x64xf32, #tpu.memory_space<vmem>>, vector<1x2528x64xf32>
    %get3A_11 = vector.shape_cast %get3A_10 : vector<1x2528x64xf32> to vector<2528x64xf32>
    %concatenate3A = tpu.concatenate %get3A_6, %get3A_11 in 1 : vector<2528x64xf32>, vector<2528x64xf32> -> vector<2528x128xf32>
    %get3A_12 = arith.constant 0 : index
    %get3A_13 = arith.constant 0 : index
    %get3A_14 = arith.constant 0 : index
    %get3A_15 = vector.load %arg2[%get3A_12, %get3A_13, %get3A_14] : memref<2x2528x64xf32, #tpu.memory_space<vmem>>, vector<1x2528x64xf32>
    %get3A_16 = vector.shape_cast %get3A_15 : vector<1x2528x64xf32> to vector<2528x64xf32>
    %get3A_17 = arith.constant 1 : index
    %get3A_18 = arith.constant 0 : index
    %get3A_19 = arith.constant 0 : index
    %get3A_20 = vector.load %arg2[%get3A_17, %get3A_18, %get3A_19] : memref<2x2528x64xf32, #tpu.memory_space<vmem>>, vector<1x2528x64xf32>
    %get3A_21 = vector.shape_cast %get3A_20 : vector<1x2528x64xf32> to vector<2528x64xf32>
    %concatenate3A_22 = tpu.concatenate %get3A_16, %get3A_21 in 1 : vector<2528x64xf32>, vector<2528x64xf32> -> vector<2528x128xf32>
    %add3A = arith.addf %concatenate3A, %concatenate3A_22 : vector<2528x128xf32>
    %mul3A = vector.broadcast %slice3A : vector<2528x1xf32> to vector<2528x128xf32>
    %mul3A_23 = arith.mulf %mul3A, %add3A : vector<2528x128xf32>
    %get3A_24 = arith.constant 0 : index
    %get3A_25 = arith.constant 0 : index
    %get3A_26 = vector.load %arg4[%get3A_24, %get3A_25] : memref<1x128xf32, #tpu.memory_space<vmem>>, vector<1x128xf32>
    %add3A_27 = vector.broadcast %get3A_26 : vector<1x128xf32> to vector<2528x128xf32>
    %add3A_28 = arith.addf %mul3A_23, %add3A_27 : vector<2528x128xf32>
    %max3A = arith.constant 0.000000e+00 : f32
    %max3A_29 = vector.broadcast %max3A : f32 to vector<2528x128xf32>
    %max3A_30 = arith.maximumf %add3A_28, %max3A_29 : vector<2528x128xf32>
    %get3A_31 = arith.constant 0 : index
    %get3A_32 = arith.constant 0 : index
    %get3A_33 = vector.load %arg5[%get3A_31, %get3A_32] : memref<128x128xf32, #tpu.memory_space<vmem>>, vector<128x128xf32>
    %get3A_34 = arith.constant 0 : index
    %get3A_35 = arith.constant 0 : index
    %get3A_36 = vector.load %arg6[%get3A_34, %get3A_35] : memref<128x1xf32, #tpu.memory_space<vmem>>, vector<128x1xf32>
    %dot_general3A = arith.constant dense<0.000000e+00> : vector<128x1xf32>
    %dot_general3A_37 = tpu.matmul %get3A_33, %get3A_36, %dot_general3A {dimension_numbers = #tpu.dot_dimension_numbers<[1], [0], [0], [1], [0, 0, 1, 1], [], []>, transpose_lhs_hint = false} : vector<128x128xf32>, vector<128x1xf32>, vector<128x1xf32> -> vector<128x1xf32>
    %dot_general3A_38 = arith.constant dense<0.000000e+00> : vector<2528x1xf32>
    %dot_general3A_39 = tpu.matmul %max3A_30, %dot_general3A_37, %dot_general3A_38 {dimension_numbers = #tpu.dot_dimension_numbers<[1], [0], [0], [1], [0, 0, 1, 1], [], []>, transpose_lhs_hint = false} : vector<2528x128xf32>, vector<128x1xf32>, vector<2528x1xf32> -> vector<2528x1xf32>
    %mul3A_40 = arith.mulf %slice3A, %dot_general3A_39 : vector<2528x1xf32>
    %broadcast_in_dim3A = vector.shape_cast %mul3A_40 : vector<2528x1xf32> to vector<2528x1xf32>
    %broadcast_in_dim3A_41 = vector.broadcast %broadcast_in_dim3A : vector<2528x1xf32> to vector<2528x16xf32>
    %swap3A = arith.constant 0 : index
    %swap3A_42 = arith.constant 0 : index
    %swap3A_43 = vector.load %arg7[%swap3A, %swap3A_42] : memref<2528x16xf32, #tpu.memory_space<vmem>>, vector<2528x16xf32>
    tpu.vector_store %arg7[%swap3A, %swap3A_42], %broadcast_in_dim3A_41 {strides = array<i32>} : memref<2528x16xf32, #tpu.memory_space<vmem>>, vector<2528x16xf32>,
    return
  }
  func.func @transform_0(%arg0: i32) -> (i32, i32, i32) {
    %c0_i32 = arith.constant 0 : i32
    %c0_i32_0 = arith.constant 0 : i32
    %c0_i32_1 = arith.constant 0 : i32
    return %c0_i32, %arg0, %c0_i32_0 : i32, i32, i32
  }
  func.func @transform_1(%arg0: i32) -> (i32, i32, i32) {
    %c0_i32 = arith.constant 0 : i32
    %c0_i32_0 = arith.constant 0 : i32
    %c0_i32_1 = arith.constant 0 : i32
    return %c0_i32, %arg0, %c0_i32_0 : i32, i32, i32
  }
  func.func @transform_2(%arg0: i32) -> (i32, i32) {
    %c0_i32 = arith.constant 0 : i32
    %c0_i32_0 = arith.constant 0 : i32
    return %arg0, %c0_i32 : i32, i32
  }
  func.func @transform_3(%arg0: i32) -> (i32, i32) {
    %c0_i32 = arith.constant 0 : i32
    %c0_i32_0 = arith.constant 0 : i32
    %c0_i32_1 = arith.constant 0 : i32
    return %c0_i32, %c0_i32_0 : i32, i32
  }
  func.func @transform_4(%arg0: i32) -> (i32, i32) {
    %c0_i32 = arith.constant 0 : i32
    %c0_i32_0 = arith.constant 0 : i32
    %c0_i32_1 = arith.constant 0 : i32
    return %c0_i32, %c0_i32_0 : i32, i32
  }
  func.func @transform_5(%arg0: i32) -> (i32, i32) {
    %c0_i32 = arith.constant 0 : i32
    %c0_i32_0 = arith.constant 0 : i32
    %c0_i32_1 = arith.constant 0 : i32
    return %c0_i32, %c0_i32_0 : i32, i32
  }
  func.func @transform_6(%arg0: i32) -> (i32, i32) {
    %c0_i32 = arith.constant 0 : i32
    %c0_i32_0 = arith.constant 0 : i32
    return %arg0, %c0_i32 : i32, i32
  }
}

module attributes {stable_mosaic.version = 14 : i64} {
  func.func @_t7_body(%arg0: i32, %arg1: memref<2528x16xf32, #tpu.memory_space<vmem>>, %arg2: memref<2528x16xf32, #tpu.memory_space<vmem>>, %arg3: memref<2528x16xf32, #tpu.memory_space<vmem>>, %arg4: memref<2528x16xf32, #tpu.memory_space<vmem>>, %arg5: memref<2528x1xi32, #tpu.memory_space<vmem>>, %arg6: memref<1x128xf32, #tpu.memory_space<vmem>>, %arg7: memref<128x1xf32, #tpu.memory_space<vmem>>, %arg8: memref<1x1xf32, #tpu.memory_space<vmem>>, %arg9: memref<256x1xf32, #tpu.memory_space<vmem>>, %arg10: memref<256x1xf32, #tpu.memory_space<vmem>>, %arg11: memref<256x1xf32, #tpu.memory_space<vmem>>) attributes {dimension_semantics = [#tpu.dimension_semantics<arbitrary>], iteration_bounds = array<i64: 4>, scalar_prefetch = 0 : i64, scratch_operands = 2 : i64, tpu.core_type = #tpu.core_type<tc>, window_params = [{transform_indices = @transform_0, window_bounds = array<i64: 2528, 16>}, {transform_indices = @transform_1, window_bounds = array<i64: 2528, 16>}, {transform_indices = @transform_2, window_bounds = array<i64: 2528, 16>}, {transform_indices = @transform_3, window_bounds = array<i64: 2528, 16>}, {transform_indices = @transform_4, window_bounds = array<i64: 2528, 1>}, {pipeline_mode = #tpu.pipeline_mode<synchronous>, transform_indices = @transform_5, window_bounds = array<i64: 1, 128>}, {pipeline_mode = #tpu.pipeline_mode<synchronous>, transform_indices = @transform_6, window_bounds = array<i64: 128, 1>}, {pipeline_mode = #tpu.pipeline_mode<synchronous>, transform_indices = @transform_7, window_bounds = array<i64: 1, 1>}, {pipeline_mode = #tpu.pipeline_mode<synchronous>, transform_indices = @transform_8, window_bounds = array<i64: 256, 1>}]} {
    %get3A = arith.constant 0 : index
    %get3A_0 = arith.constant 0 : index
    %get3A_1 = vector.load %arg4[%get3A, %get3A_0] : memref<2528x16xf32, #tpu.memory_space<vmem>>, vector<2528x16xf32>
    %slice3A = vector.extract_strided_slice %get3A_1 {offsets = [0, 0], sizes = [2528, 1], strides = [1, 1]} : vector<2528x16xf32> to vector<2528x1xf32>
    %get3A_2 = arith.constant 0 : index
    %get3A_3 = arith.constant 0 : index
    %get3A_4 = vector.load %arg1[%get3A_2, %get3A_3] : memref<2528x16xf32, #tpu.memory_space<vmem>>, vector<2528x16xf32>
    %slice3A_5 = vector.extract_strided_slice %get3A_4 {offsets = [0, 0], sizes = [2528, 1], strides = [1, 1]} : vector<2528x16xf32> to vector<2528x1xf32>
    %get3A_6 = arith.constant 0 : index
    %get3A_7 = arith.constant 0 : index
    %get3A_8 = vector.load %arg2[%get3A_6, %get3A_7] : memref<2528x16xf32, #tpu.memory_space<vmem>>, vector<2528x16xf32>
    %slice3A_9 = vector.extract_strided_slice %get3A_8 {offsets = [0, 0], sizes = [2528, 1], strides = [1, 1]} : vector<2528x16xf32> to vector<2528x1xf32>
    %add3A = arith.addf %slice3A_5, %slice3A_9 : vector<2528x1xf32>
    %get3A_10 = arith.constant 0 : index
    %get3A_11 = arith.constant 0 : index
    %get3A_12 = vector.load %arg3[%get3A_10, %get3A_11] : memref<2528x16xf32, #tpu.memory_space<vmem>>, vector<2528x16xf32>
    %slice3A_13 = vector.extract_strided_slice %get3A_12 {offsets = [0, 0], sizes = [2528, 1], strides = [1, 1]} : vector<2528x16xf32> to vector<2528x1xf32>
    %add3A_14 = arith.addf %add3A, %slice3A_13 : vector<2528x1xf32>
    %mul3A = arith.mulf %slice3A, %add3A_14 : vector<2528x1xf32>
    %get3A_15 = arith.constant 0 : index
    %get3A_16 = arith.constant 0 : index
    %get3A_17 = vector.load %arg5[%get3A_15, %get3A_16] : memref<2528x1xi32, #tpu.memory_space<vmem>>, vector<2528x1xi32>
    %iota3A = tpu.iota {dimensions = array<i32: 1>} : vector<2528x256xi32>
    %eq3A = vector.broadcast %get3A_17 : vector<2528x1xi32> to vector<2528x256xi32>
    %eq3A_18 = arith.cmpi eq, %eq3A, %iota3A : vector<2528x256xi32>
    %convert_element_type3A = arith.extui %eq3A_18 : vector<2528x256xi1> to vector<2528x256xi32>
    %convert_element_type3A_19 = arith.sitofp %convert_element_type3A : vector<2528x256xi32> to vector<2528x256xf32>
    %dot_general3A = arith.constant dense<0.000000e+00> : vector<256x1xf32>
    %dot_general3A_20 = tpu.matmul %convert_element_type3A_19, %mul3A, %dot_general3A {dimension_numbers = #tpu.dot_dimension_numbers<[0], [0], [1], [1], [0, 1, 1, 1], [], []>, transpose_lhs_hint = false} : vector<2528x256xf32>, vector<2528x1xf32>, vector<256x1xf32> -> vector<256x1xf32>
    %broadcast_in_dim3A = arith.constant 1.000000e+00 : f32
    %broadcast_in_dim3A_21 = vector.broadcast %broadcast_in_dim3A : f32 to vector<2528x1xf32>
    %dot_general3A_22 = arith.constant dense<0.000000e+00> : vector<256x1xf32>
    %dot_general3A_23 = tpu.matmul %convert_element_type3A_19, %broadcast_in_dim3A_21, %dot_general3A_22 {dimension_numbers = #tpu.dot_dimension_numbers<[0], [0], [1], [1], [0, 1, 1, 1], [], []>, transpose_lhs_hint = false} : vector<2528x256xf32>, vector<2528x1xf32>, vector<256x1xf32> -> vector<256x1xf32>
    %eq3A_24 = arith.constant 0 : i32
    %eq3A_25 = arith.cmpi eq, %arg0, %eq3A_24 : i32
    %convert_element_type3A_26 = arith.extui %eq3A_25 : i1 to i32
    %cond3A = arith.constant 0 : i32
    %cond3A_27 = arith.cmpi ne, %convert_element_type3A_26, %cond3A : i32
    scf.if %cond3A_27 {
      %swap3A = arith.constant 0 : index
      %swap3A_37 = arith.constant 0 : index
      %swap3A_38 = vector.load %arg10[%swap3A, %swap3A_37] : memref<256x1xf32, #tpu.memory_space<vmem>>, vector<256x1xf32>
      tpu.vector_store %arg10[%swap3A, %swap3A_37], %dot_general3A_20 {strides = array<i32>} : memref<256x1xf32, #tpu.memory_space<vmem>>, vector<256x1xf32>,
      %swap3A_39 = arith.constant 0 : index
      %swap3A_40 = arith.constant 0 : index
      %swap3A_41 = vector.load %arg11[%swap3A_39, %swap3A_40] : memref<256x1xf32, #tpu.memory_space<vmem>>, vector<256x1xf32>
      tpu.vector_store %arg11[%swap3A_39, %swap3A_40], %dot_general3A_23 {strides = array<i32>} : memref<256x1xf32, #tpu.memory_space<vmem>>, vector<256x1xf32>,
    } else {
    }
    %gt3A = arith.constant 0 : i32
    %gt3A_28 = arith.cmpi sgt, %arg0, %gt3A : i32
    %convert_element_type3A_29 = arith.extui %gt3A_28 : i1 to i32
    %cond3A_30 = arith.constant 0 : i32
    %cond3A_31 = arith.cmpi ne, %convert_element_type3A_29, %cond3A_30 : i32
    scf.if %cond3A_31 {
      %get3A_37 = arith.constant 0 : index
      %get3A_38 = arith.constant 0 : index
      %get3A_39 = vector.load %arg10[%get3A_37, %get3A_38] : memref<256x1xf32, #tpu.memory_space<vmem>>, vector<256x1xf32>
      %add3A_40 = arith.addf %get3A_39, %dot_general3A_20 : vector<256x1xf32>
      %swap3A = arith.constant 0 : index
      %swap3A_41 = arith.constant 0 : index
      %swap3A_42 = vector.load %arg10[%swap3A, %swap3A_41] : memref<256x1xf32, #tpu.memory_space<vmem>>, vector<256x1xf32>
      tpu.vector_store %arg10[%swap3A, %swap3A_41], %add3A_40 {strides = array<i32>} : memref<256x1xf32, #tpu.memory_space<vmem>>, vector<256x1xf32>,
      %get3A_43 = arith.constant 0 : index
      %get3A_44 = arith.constant 0 : index
      %get3A_45 = vector.load %arg11[%get3A_43, %get3A_44] : memref<256x1xf32, #tpu.memory_space<vmem>>, vector<256x1xf32>
      %add3A_46 = arith.addf %get3A_45, %dot_general3A_23 : vector<256x1xf32>
      %swap3A_47 = arith.constant 0 : index
      %swap3A_48 = arith.constant 0 : index
      %swap3A_49 = vector.load %arg11[%swap3A_47, %swap3A_48] : memref<256x1xf32, #tpu.memory_space<vmem>>, vector<256x1xf32>
      tpu.vector_store %arg11[%swap3A_47, %swap3A_48], %add3A_46 {strides = array<i32>} : memref<256x1xf32, #tpu.memory_space<vmem>>, vector<256x1xf32>,
    } else {
    }
    %eq3A_32 = arith.constant 3 : i32
    %eq3A_33 = arith.cmpi eq, %arg0, %eq3A_32 : i32
    %convert_element_type3A_34 = arith.extui %eq3A_33 : i1 to i32
    %cond3A_35 = arith.constant 0 : i32
    %cond3A_36 = arith.cmpi ne, %convert_element_type3A_34, %cond3A_35 : i32
    scf.if %cond3A_36 {
      %get3A_37 = arith.constant 0 : index
      %get3A_38 = arith.constant 0 : index
      %get3A_39 = vector.load %arg6[%get3A_37, %get3A_38] : memref<1x128xf32, #tpu.memory_space<vmem>>, vector<1x128xf32>
      %get3A_40 = arith.constant 0 : index
      %get3A_41 = arith.constant 0 : index
      %get3A_42 = vector.load %arg7[%get3A_40, %get3A_41] : memref<128x1xf32, #tpu.memory_space<vmem>>, vector<128x1xf32>
      %dot_general3A_43 = arith.constant dense<0.000000e+00> : vector<1x1xf32>
      %dot_general3A_44 = tpu.matmul %get3A_39, %get3A_42, %dot_general3A_43 {dimension_numbers = #tpu.dot_dimension_numbers<[1], [0], [0], [1], [0, 0, 1, 1], [], []>, transpose_lhs_hint = false} : vector<1x128xf32>, vector<128x1xf32>, vector<1x1xf32> -> vector<1x1xf32>
      %get3A_45 = arith.constant 0 : index
      %get3A_46 = arith.constant 0 : index
      %get3A_47 = vector.load %arg8[%get3A_45, %get3A_46] : memref<1x1xf32, #tpu.memory_space<vmem>>, vector<1x1xf32>
      %add3A_48 = arith.addf %dot_general3A_44, %get3A_47 : vector<1x1xf32>
      %get3A_49 = arith.constant 0 : index
      %get3A_50 = arith.constant 0 : index
      %get3A_51 = vector.load %arg10[%get3A_49, %get3A_50] : memref<256x1xf32, #tpu.memory_space<vmem>>, vector<256x1xf32>
      %get3A_52 = arith.constant 0 : index
      %get3A_53 = arith.constant 0 : index
      %get3A_54 = vector.load %arg11[%get3A_52, %get3A_53] : memref<256x1xf32, #tpu.memory_space<vmem>>, vector<256x1xf32>
      %jit3A = arith.constant 1.000000e+00 : f32
      %max3A = vector.broadcast %jit3A : f32 to vector<256x1xf32>
      %max3A_55 = arith.maximumf %max3A, %get3A_54 : vector<256x1xf32>
      %div3A = arith.divf %get3A_51, %max3A_55 : vector<256x1xf32>
      %add3A_56 = vector.broadcast %add3A_48 : vector<1x1xf32> to vector<256x1xf32>
      %add3A_57 = arith.addf %div3A, %add3A_56 : vector<256x1xf32>
      %swap3A = arith.constant 0 : index
      %swap3A_58 = arith.constant 0 : index
      %swap3A_59 = vector.load %arg9[%swap3A, %swap3A_58] : memref<256x1xf32, #tpu.memory_space<vmem>>, vector<256x1xf32>
      tpu.vector_store %arg9[%swap3A, %swap3A_58], %add3A_57 {strides = array<i32>} : memref<256x1xf32, #tpu.memory_space<vmem>>, vector<256x1xf32>,
    } else {
    }
    return
  }
  func.func @transform_0(%arg0: i32) -> (i32, i32) {
    %c0_i32 = arith.constant 0 : i32
    %c0_i32_0 = arith.constant 0 : i32
    return %arg0, %c0_i32 : i32, i32
  }
  func.func @transform_1(%arg0: i32) -> (i32, i32) {
    %c0_i32 = arith.constant 0 : i32
    %c0_i32_0 = arith.constant 0 : i32
    return %arg0, %c0_i32 : i32, i32
  }
  func.func @transform_2(%arg0: i32) -> (i32, i32) {
    %c0_i32 = arith.constant 0 : i32
    %c0_i32_0 = arith.constant 0 : i32
    return %arg0, %c0_i32 : i32, i32
  }
  func.func @transform_3(%arg0: i32) -> (i32, i32) {
    %c0_i32 = arith.constant 0 : i32
    %c0_i32_0 = arith.constant 0 : i32
    return %arg0, %c0_i32 : i32, i32
  }
  func.func @transform_4(%arg0: i32) -> (i32, i32) {
    %c0_i32 = arith.constant 0 : i32
    %c0_i32_0 = arith.constant 0 : i32
    return %arg0, %c0_i32 : i32, i32
  }
  func.func @transform_5(%arg0: i32) -> (i32, i32) {
    %c0_i32 = arith.constant 0 : i32
    %c0_i32_0 = arith.constant 0 : i32
    %c0_i32_1 = arith.constant 0 : i32
    return %c0_i32, %c0_i32_0 : i32, i32
  }
  func.func @transform_6(%arg0: i32) -> (i32, i32) {
    %c0_i32 = arith.constant 0 : i32
    %c0_i32_0 = arith.constant 0 : i32
    %c0_i32_1 = arith.constant 0 : i32
    return %c0_i32, %c0_i32_0 : i32, i32
  }
  func.func @transform_7(%arg0: i32) -> (i32, i32) {
    %c0_i32 = arith.constant 0 : i32
    %c0_i32_0 = arith.constant 0 : i32
    %c0_i32_1 = arith.constant 0 : i32
    return %c0_i32, %c0_i32_0 : i32, i32
  }
  func.func @transform_8(%arg0: i32) -> (i32, i32) {
    %c0_i32 = arith.constant 0 : i32
    %c0_i32_0 = arith.constant 0 : i32
    %c0_i32_1 = arith.constant 0 : i32
    return %c0_i32, %c0_i32_0 : i32, i32
  }
}

</mosaic_0001>

<sc_bundles>
// kernel: kernel.10.cloned.1.call-start
scs
__scs_entry_jumppad:
0x0: {  	(pc) =	sbr.rel $0x88, $3  }
0x1: {  	(tag) =	ssettag $0x0;
	lr =	simm.s32 $0x1  }
0x2: {  	[smem:$0x3F96] =	sst lr;
	_ =	strace $0xD0000000  }
0x3: {  	_ = 	snop  }
0x4: {  	_ = 	snop  }
0x5: {  	_ = 	snop  }
0x6: {  	_ = 	snop  }
0x7: {  	_ = 	snop  }
__scs_overlays_trampoline_lowered:
0x8: {  	[smem:$0x3FA5] =	sst s0  }
0x9: {  	[smem:$0x3FA6] =	sst s1  }
0xa: {  	[smem:$0x3FA7] =	sst s2  }
0xb: {  	[smem:$0x3FA8] =	sst s3  }
0xc: {  	[smem:$0x3FA9] =	sst s4  }
0xd: {  	[smem:$0x3FAA] =	sst s5  }
0xe: {  	[smem:$0x3FAB] =	sst s6  }
0xf: {  	[smem:$0x3FAC] =	sst s7  }
0x10: {  	[smem:$0x3FAD] =	sst s8  }
0x11: {  	[smem:$0x3FAE] =	sst s9;
	s0 =	simm.s32 @!p0 $0x0  }
0x12: {  	s1 =	sld [smem:$0x3F94];
	s0 =	simm.s32 @p0 $0x1  }
0x13: {  	[smem:$0x3FAF] =	sst s0;
	s0 =	simm.s32 @!p1 $0x0  }
0x14: {  	s2 =	sld [smem:$0x3F93];
	s0 =	simm.s32 @p1 $0x1  }
0x15: {  	[smem:$0x3FB0] =	sst s0;
	s0 =	simm.s32 @!p2 $0x0  }
0x16: {  	s3 =	sld [smem:$0x3FDB];
	s0 =	simm.s32 @p2 $0x1  }
0x17: {  	s4 =	simm.s32 $0x1BF5;
	[smem:$0x3FB2] =	sst s0  }
0x18: {  	s0 =	sld [smem:$0x3F95];
	_ =	swait.ge [sflag:s4], $0x0  }
0x19: {  	s7 =	sld [smem:$0x3F96]  }
0x1a: {  	s8 =	sadd.s32 $0xFFFFE003, lr  }
0x1b: {  	s9 =	sadd.s32 $0xFFFFFEF7, lr;
	s5 =	simm.s32 $0xFFFFFFFF;
	p2 =	slt.u32 s8, $0xFFFFF086  }
0x1c: {  	p1 =	slt.u32 s9, $0xF7A;
	s5 =	simm.s32 @!p2 $0x0  }
0x1d: {  	s5 =	simm.s32 @p1 $0x1;
	p0 =	seq.s32 s7, s2  }
0x1e: {  	s7 =	smul.u32 @!p0 $0xF7A, s2;
	p2 =	seq.s32 @!p0 s5, $0x0  }
0x1f: {  	s9 =	smul.u32 $0xF7A, s1;
	s8 =	simm.s32 @!p0 $0x1BF5;
	p2 =	por !p2, p0  }
0x20: {  	[sflag:s8] =	ssyncset.s32 @!p0 $0xFFFFF086;
	s6 =	sadd.s32 @!p0 s3, s7;
	s7 =	simm.s32 @!p0 $0x108  }
0x21: {  	s3 =	sadd.s32 s3, s9;
	s6 =	sadd.s32 @!p0 $0x88, s6;
	s7 =	simm.s32 @p2 $0x1082  }
0x22: {  	[simem:s7], [sflag:s8] =	dma.local @!p0 [hbm:s6], $0xF7A  }
0x23: {  	s9 =	sor.u32 $0xD0000000, s2;
	s6 =	simm.s32 $0x108;
	_ =	swait.ge @!p0 [sflag:s8], $0x0  }
0x24: {  	s3 =	sadd.s32 $0x88, s3;
	s6 =	simm.s32 @!p1 $0x1082;
	[sflag:s4] =	ssyncset.s32 $0xFFFFF086  }
0x25: {  	[simem:s6], [sflag:s4] =	dma.local [hbm:s3], $0xF7A  }
0x26: {  	[smem:$0x3F96] =	sst s1;
	(tag) =	ssettag s2;
	_ =	strace s9  }
0x27: {  	s1 =	sld [smem:$0x3FA6]  }
0x28: {  	s2 =	sld [smem:$0x3FA7]  }
0x29: {  	s4 =	sld [smem:$0x3FA9]  }
0x2a: {  	p0 =	seq.s32 s5, $0x0;
	s5 =	sld [smem:$0x3FAA]  }
0x2b: {  	s6 =	sld [smem:$0x3FAB]  }
0x2c: {  	s7 =	sld [smem:$0x3FAC]  }
0x2d: {  	s3 =	simm.s32 $0x108;
	s8 =	sld [smem:$0x3FAD]  }
0x2e: {  	s3 =	simm.s32 @!p0 $0x1082;
	s9 =	sld [smem:$0x3FAE]  }
0x2f: {  	lr =	sadd.s32 s0, s3;
	s0 =	sld [smem:$0x3FA5]  }
0x30: {  	s3 =	sld [smem:$0x3FA8]  }
0x31: {  	[smem:$0x3FB1] =	sst s10  }
0x32: {  	s10 =	sld [smem:$0x3FAF];
	_ =	sdelay $0x3  }
0x33: {  	p0 =	seq.s32 s10, $0x1;
	s10 =	sld [smem:$0x3FB1];
	_ =	sdelay $0x3  }
0x34: {  	[smem:$0x3FB1] =	sst s10  }
0x35: {  	s10 =	sld [smem:$0x3FB0];
	_ =	sdelay $0x3  }
0x36: {  	p1 =	seq.s32 s10, $0x1;
	s10 =	sld [smem:$0x3FB1];
	_ =	sdelay $0x3  }
0x37: {  	[smem:$0x3FB1] =	sst s10  }
0x38: {  	s10 =	sld [smem:$0x3FB2]  }
0x39: {  	_ = 	snop;
	(pc) =	sbr.ind lr, $3  }
0x3a: {  	_ = 	snop  }
0x3b: {  	_ = 	snop  }
0x3c: {  	p2 =	seq.s32 s10, $0x1;
	s10 =	sld [smem:$0x3FB1]  }
0x3d: {  	_ =	shalt  }
0x3e: {  	_ =	shalt  }
0x3f: {  	_ =	shalt  }
0x40: {  	_ =	shalt  }
0x41: {  	_ =	shalt  }
0x42: {  	_ =	shalt  }
0x43: {  	_ =	shalt  }
0x44: {  	_ =	shalt  }
0x45: {  	_ =	shalt  }
0x46: {  	_ =	shalt  }
0x47: {  	_ =	shalt  }
0x48: {  	_ =	shalt  }
0x49: {  	_ =	shalt  }
0x4a: {  	_ =	shalt  }
0x4b: {  	_ =	shalt  }
0x4c: {  	_ =	shalt  }
0x4d: {  	_ =	shalt  }
0x4e: {  	_ =	shalt  }
0x4f: {  	_ =	shalt  }
0x50: {  	_ =	shalt  }
0x51: {  	_ =	shalt  }
0x52: {  	_ =	shalt  }
0x53: {  	_ =	shalt  }
0x54: {  	_ =	shalt  }
0x55: {  	_ =	shalt  }
0x56: {  	_ =	shalt  }
0x57: {  	_ =	shalt  }
0x58: {  	_ =	shalt  }
0x59: {  	_ =	shalt  }
0x5a: {  	_ =	shalt  }
0x5b: {  	_ =	shalt  }
0x5c: {  	_ =	shalt  }
0x5d: {  	_ =	shalt  }
0x5e: {  	_ =	shalt  }
0x5f: {  	_ =	shalt  }
0x60: {  	_ =	shalt  }
0x61: {  	_ =	shalt  }
0x62: {  	_ =	shalt  }
0x63: {  	_ =	shalt  }
0x64: {  	_ =	shalt  }
0x65: {  	_ =	shalt  }
0x66: {  	_ =	shalt  }
0x67: {  	_ =	shalt  }
0x68: {  	_ =	shalt  }
0x69: {  	_ =	shalt  }
0x6a: {  	_ =	shalt  }
0x6b: {  	_ =	shalt  }
0x6c: {  	_ =	shalt  }
0x6d: {  	_ =	shalt  }
0x6e: {  	_ =	shalt  }
0x6f: {  	_ =	shalt  }
0x70: {  	_ =	shalt  }
0x71: {  	_ =	shalt  }
0x72: {  	_ =	shalt  }
0x73: {  	_ =	shalt  }
0x74: {  	_ =	shalt  }
0x75: {  	_ =	shalt  }
0x76: {  	_ =	shalt  }
0x77: {  	_ =	shalt  }
0x78: {  	_ =	shalt  }
0x79: {  	_ =	shalt  }
0x7a: {  	_ =	shalt  }
0x7b: {  	_ =	shalt  }
0x7c: {  	_ =	shalt  }
0x7d: {  	_ =	shalt  }
0x7e: {  	_ =	shalt  }
0x7f: {  	_ =	shalt  }
0x80: {  	_ =	shalt  }
0x81: {  	_ =	shalt  }
0x82: {  	_ =	shalt  }
0x83: {  	_ =	shalt  }
0x84: {  	_ =	shalt  }
0x85: {  	_ =	shalt  }
0x86: {  	_ =	shalt  }
0x87: {  	_ =	shalt  }
.Lfunc_end0:
.L_simem_size_0:
called_computation_lowered:
.L_overlay_start_0:
0x88: {  	s2 =	sld [smem:$0x3FD9]  }
0x89: {  	s3 =	sld [smem:$0x3FFE];
	_ =	sdelay $0x1  }
0x8a: {  	s1 =	srdreg.scid  }
0x8b: {  	s0 =	sand.u32 $0x1, s1  }
0x8c: {  	s16 =	sshll.u32 s0, $0xA;
	s2 =	sadd.s32 s3, s2  }
0x8d: {  	s2 =	sadd.s32 s2, s16  }
0x8e: {  	[smem:$0x3FBD] =	sst s2  }
0x8f: {  	_ = 	snop  }
0x90: {  	(tm) =	ssettm $0x1  }
0x91: {  	s17 =	sld [smem:$0x3FFB];
	_ =	sdelay $0x3  }
0x92: {  	_ =	strace s17  }
0x93: {  	s2 =	sld [smem:$0x3FFC];
	_ =	sdelay $0x3  }
0x94: {  	_ =	strace s2  }
0x95: {  	s2 =	sld [smem:$0x3FFD];
	_ =	sdelay $0x3  }
0x96: {  	_ =	strace s2  }
0x97: {  	_ =	strace $0x8FFFFFFF  }
0x98: {  	s18 =	sld [smem:$0x3FDB];
	_ =	sdelay $0x1  }
0x99: {  	s19 =	simm.s32 $_scs_section_size  }
0x9a: {  	s4 =	simm.s32 $_size__tile_overlayer_lowered;
	s5 =	simm.s32 $_tile_overlayer_lowered  }
0x9b: {  	s22 =	simm.s32 $0x1BFF;
	s21 =	sshll.u32 s5, $0x1;
	s2 =	sadd.s32 s19, s18  }
0x9c: {  	s6 =	simm.s32 $0x0;
	s20 =	sshll.u32 s4, $0x1;
	s4 =	sadd.s32 s21, s2  }
0x9d: {  	[timem:s6], [sflag:s22] =	dma.local [hbm:s4], s20  }
0x9e: {  	_ =	swait.ge [sflag:s22], s20  }
0x9f: {  	s3 =	ssub.s32 $0x0, s20;
	[sflag:s22] =	ssyncset.done $0x0  }
0xa0: {  	[sflag:s22] =	ssyncadd.s32 s3;
	_ =	sdelay $0x1  }
0xa1: {  	s23 =	simm.s32 $0x1B8B  }
0xa2: {  	_ =	swait.ge [sflag:s23], $0x1  }
0xa3: {  	[sflag:s23] =	ssyncset.done $0x0  }
0xa4: {  	s25 =	simm.s32 $0x1B8E;
	s24 =	sld [smem:$0x3FFE];
	[sflag:s23] =	ssyncadd.s32 $0xFFFFFFFF  }
0xa5: {  	s26 =	simm.s32 $execute0_lowered;
	[smem:$0x3FD2] =	sst s25  }
0xa6: {  	s4 =	sshll.u32 s26, $0x1;
	_ =	strace $0x80000046;
	[dreg:$0x1] =	wrdreg $0xFFFFFFFF  }
0xa7: {  	s28 =	simm.s32 $_size_execute0_lowered;
	s2 =	sadd.s32 s2, s4;
	[dreg:$0x0] =	wrdreg $0x0  }
0xa8: {  	s4 =	sshll.u32 s28, $0x1;
	[dreg:$0x2] =	wrdreg s2  }
0xa9: {  	[dreg:$0x3] =	wrdreg s4  }
0xaa: {  	[dreg:$0x4] =	wrdreg $0xC0  }
0xab: {  	_ =	task [dreg:s6], $0x5FFFF  }
0xac: {  	[dreg:$0x1] =	wrdreg $0xFFFFFFFF  }
0xad: {  	[dreg:$0x0] =	wrdreg $0x60  }
0xae: {  	[dreg:$0x2] =	wrdreg s24  }
0xaf: {  	[dreg:$0x3] =	wrdreg $0x48000  }
0xb0: {  	[dreg:$0x4] =	wrdreg $0x9  }
0xb1: {  	_ =	task.clear_ibuf [dreg:s6], $0x5FFFF;
	_ =	strace $0x90000046  }
0xb2: {  	s29 =	simm.s32 $0x9;
	_ =	strace $0x80000048  }
0xb3: {  	_ =	swait.ge [sflag:s29], $0x1  }
0xb4: {  	[sflag:s29] =	ssyncadd.s32 $0xFFFFFFFF  }
0xb5: {  	_ =	strace $0x90000048  }
0xb6: {  	_ =	sfence  }
0xb7: {  	s30 =	sld [smem:$0x0];
	_ =	sdelay $0x2  }
0xb8: {  	s31 =	sshll.u32 s1, $0xD;
	s1 =	sshrl.u32 s1, $0x2  }
0xb9: {  	s3 =	sand.u32 $0x4000, s31;
	s1 =	sadd.s32 s1, s30  }
0xba: {  	s0 =	sor.u32 s3, s0;
	s1 =	sshll.u32 s1, $0x11  }
0xbb: {  	s0 =	sor.u32 s1, s0  }
0xbc: {  	s0 =	sadd.s32 $0x8F2B, s0  }
0xbd: {  	[sflag:s0] =	ssyncadd.remote.s32 $0x1  }
0xbe: {  	_ =	sfence.sel $0xFFFF  }
0xbf: {  	[dreg:$0x0] =	wrdreg $0xFFFFFFFF;
	(pc) =	sbr.abs _section_cstart, $3  }
0xc0: {  	[dreg:$0x1] =	wrdreg $0xFFFFFFFF  }
0xc1: {  	_ =	task.clear_ibuf [dreg:s6], $0x2FFFF;
	_ =	strace $0x9FFFFFFF  }
0xc2: {  	(tm) =	ssettm $0x7FFFFFFF  }
0xc3: {  	_ =	shalt  }
tec
execute0_lowered:
.L_overlay_start_1:
0x0: {  	(tag) =	ssettag $0x1  }
0x1: {  	s9 =	rddreg [dreg:$0x0]  }
0x2: {  	s2 =	rddreg [dreg:$0x1];
	s3 =	simm.s32 $0x0;
	s1 =	srdreg.scid  }
0x3: {  	s0 =	stileid.u32;
	[smem:$0x7FF] =	sst s3;
	s31 =	sand.u32 $0x1, s1  }
0x4: {  	s1 =	smul.u32 $0x2780, s0;
	s6 =	sadd.s32 $0x11200, s9;
	_ =	strace $0x80000047  }
0x5: {  	s4 =	sshll.u32 s31, $0x4;
	[dreg:$0x3] =	wrdreg s6;
	s6 =	simm.s32 $0x2  }
0x6: {  	s4 =	sor.u32 s0, s4;
	s5 =	sshrl.u32 s1, $0x3;
	s26 =	sadd.s32 s1, s2  }
0x7: {  	s0 =	sshll.u32 s0, $0x6;
	s8 =	smul.u32 $0x500, s4;
	s25 =	sadd.s32 s5, s9  }
0x8: {  	s5 =	sor.u32 $0x1C02, s0;
	s7 =	sshrl.u32 s26, $0x3;
	s4 =	sadd.s32 $0xC200, s25  }
0x9: {  	[spmem:s7], [sflag:s5] =	dma.local [hbm:s4], $0x4F0  }
0xa: {  	_ =	swait.ge [sflag:s6], $0x4F0  }
0xb: {  	s8 =	sadd.s32 s8, s9;
	[sflag:s6] =	ssyncset.done $0x0  }
0xc: {  	s8 =	sadd.s32 $0x2200, s8;
	[sflag:s6] =	ssyncadd.s32 $0xFFFFFB10  }
0xd: {  	[tilespmem:s3], [sflag:$0x2] =	stream.linear.gather [hbm4b:s8+s3], $0x2800, $0x38;
	[tilespmem:$0x6F80] =	vst v63  }
0xe: {  	_ =	swait.ge [sflag:s6], $0x2800  }
0xf: {  	[sflag:s6] =	ssyncset.done $0x0  }
0x10: {  	s9 =	simm.s32 $0x2800;
	s10 =	rddreg [dreg:$0x3];
	[sflag:s6] =	ssyncadd.s32 $0xFFFFD800  }
0x11: {  	[tilespmem:s9], [sflag:$0x2] =	stream.linear.gather [hbm4b:s10+s3], $0x2000, $0x38;
	[tilespmem:$0x6F80] =	vst v63  }
0x12: {  	_ =	swait.ge [sflag:s6], $0x2000  }
0x13: {  	[sflag:s6] =	ssyncset.done $0x0  }
0x14: {  	[sflag:s6] =	ssyncadd.s32 $0xFFFFE000  }
0x15: {  	s10 =	simm.s32 $0x200;
	[bflag:$0x0] =	sbarrier.arrive $0xFFFF  }
0x16: {  	[spmem:s2] =	stream.indirect.scatter.add.f32 [tilespmem:s9], [sflag:$0x1], $0x10, s3, s10, $0xb8;
	[tilespmem:$0x6F80] =	vst v63  }
0x17: {  	_ = 	snop  }
0x18: {  	[spmem:s2] =	stream.indirect.scatter.add.f32 [tilespmem:s9], [sflag:$0x1], $0x10, s10, s10, $0xb8;
	[tilespmem:$0x6F80] =	vst v63  }
0x19: {  	s11 =	simm.s32 $0x400  }
0x1a: {  	[spmem:s2] =	stream.indirect.scatter.add.f32 [tilespmem:s9], [sflag:$0x1], $0x10, s11, s10, $0xb8;
	[tilespmem:$0x6F80] =	vst v63  }
0x1b: {  	s12 =	simm.s32 $0x600;
	s13 =	simm.s32 $0x1  }
0x1c: {  	[spmem:s2] =	stream.indirect.scatter.add.f32 [tilespmem:s9], [sflag:$0x1], $0x10, s12, s10, $0xb8;
	[tilespmem:$0x6F80] =	vst v63  }
0x1d: {  	_ =	swait.ge [sflag:s13], $0x2000  }
0x1e: {  	[sflag:s13] =	ssyncset.done $0x0  }
0x1f: {  	[sflag:s13] =	ssyncadd.s32 $0xFFFFE000  }
0x20: {  	_ =	swait.ge [sflag:s13], $0x2000  }
0x21: {  	[sflag:s13] =	ssyncset.done $0x0  }
0x22: {  	[sflag:s13] =	ssyncadd.s32 $0xFFFFE000  }
0x23: {  	_ =	swait.ge [sflag:s13], $0x2000  }
0x24: {  	[sflag:s13] =	ssyncset.done $0x0  }
0x25: {  	[sflag:s13] =	ssyncadd.s32 $0xFFFFE000  }
0x26: {  	_ =	swait.ge [sflag:s13], $0x2000  }
0x27: {  	[sflag:s13] =	ssyncset.done $0x0  }
0x28: {  	s14 =	simm.s32 $0x800;
	[sflag:s13] =	ssyncadd.s32 $0xFFFFE000  }
0x29: {  	[spmem:s2] =	stream.indirect.scatter.add.f32 [tilespmem:s9], [sflag:$0x1], $0x10, s14, s10, $0xb8;
	[tilespmem:$0x6F80] =	vst v63  }
0x2a: {  	s15 =	simm.s32 $0xA00  }
0x2b: {  	[spmem:s2] =	stream.indirect.scatter.add.f32 [tilespmem:s9], [sflag:$0x1], $0x10, s15, s10, $0xb8;
	[tilespmem:$0x6F80] =	vst v63  }
0x2c: {  	s16 =	simm.s32 $0xC00  }
0x2d: {  	[spmem:s2] =	stream.indirect.scatter.add.f32 [tilespmem:s9], [sflag:$0x1], $0x10, s16, s10, $0xb8;
	[tilespmem:$0x6F80] =	vst v63  }
0x2e: {  	s17 =	simm.s32 $0xE00  }
0x2f: {  	[spmem:s2] =	stream.indirect.scatter.add.f32 [tilespmem:s9], [sflag:$0x1], $0x10, s17, s10, $0xb8;
	[tilespmem:$0x6F80] =	vst v63  }
0x30: {  	_ =	swait.ge [sflag:s13], $0x2000  }
0x31: {  	[sflag:s13] =	ssyncset.done $0x0  }
0x32: {  	[sflag:s13] =	ssyncadd.s32 $0xFFFFE000  }
0x33: {  	_ =	swait.ge [sflag:s13], $0x2000  }
0x34: {  	[sflag:s13] =	ssyncset.done $0x0  }
0x35: {  	[sflag:s13] =	ssyncadd.s32 $0xFFFFE000  }
0x36: {  	_ =	swait.ge [sflag:s13], $0x2000  }
0x37: {  	[sflag:s13] =	ssyncset.done $0x0  }
0x38: {  	[sflag:s13] =	ssyncadd.s32 $0xFFFFE000  }
0x39: {  	_ =	swait.ge [sflag:s13], $0x2000  }
0x3a: {  	[sflag:s13] =	ssyncset.done $0x0  }
0x3b: {  	s18 =	simm.s32 $0x1000;
	[sflag:s13] =	ssyncadd.s32 $0xFFFFE000  }
0x3c: {  	[spmem:s2] =	stream.indirect.scatter.add.f32 [tilespmem:s9], [sflag:$0x1], $0x10, s18, s10, $0xb8;
	[tilespmem:$0x6F80] =	vst v63  }
0x3d: {  	s19 =	simm.s32 $0x1200  }
0x3e: {  	[spmem:s2] =	stream.indirect.scatter.add.f32 [tilespmem:s9], [sflag:$0x1], $0x10, s19, s10, $0xb8;
	[tilespmem:$0x6F80] =	vst v63  }
0x3f: {  	s20 =	simm.s32 $0x1400  }
0x40: {  	[spmem:s2] =	stream.indirect.scatter.add.f32 [tilespmem:s9], [sflag:$0x1], $0x10, s20, s10, $0xb8;
	[tilespmem:$0x6F80] =	vst v63  }
0x41: {  	s21 =	simm.s32 $0x1600  }
0x42: {  	[spmem:s2] =	stream.indirect.scatter.add.f32 [tilespmem:s9], [sflag:$0x1], $0x10, s21, s10, $0xb8;
	[tilespmem:$0x6F80] =	vst v63  }
0x43: {  	_ =	swait.ge [sflag:s13], $0x2000  }
0x44: {  	[sflag:s13] =	ssyncset.done $0x0  }
0x45: {  	[sflag:s13] =	ssyncadd.s32 $0xFFFFE000  }
0x46: {  	_ =	swait.ge [sflag:s13], $0x2000  }
0x47: {  	[sflag:s13] =	ssyncset.done $0x0  }
0x48: {  	[sflag:s13] =	ssyncadd.s32 $0xFFFFE000  }
0x49: {  	_ =	swait.ge [sflag:s13], $0x2000  }
0x4a: {  	[sflag:s13] =	ssyncset.done $0x0  }
0x4b: {  	[sflag:s13] =	ssyncadd.s32 $0xFFFFE000  }
0x4c: {  	_ =	swait.ge [sflag:s13], $0x2000  }
0x4d: {  	[sflag:s13] =	ssyncset.done $0x0  }
0x4e: {  	s22 =	simm.s32 $0x1800;
	[sflag:s13] =	ssyncadd.s32 $0xFFFFE000  }
0x4f: {  	[spmem:s2] =	stream.indirect.scatter.add.f32 [tilespmem:s9], [sflag:$0x1], $0x10, s22, s10, $0xb8;
	[tilespmem:$0x6F80] =	vst v63  }
0x50: {  	s23 =	simm.s32 $0x1A00  }
0x51: {  	[spmem:s2] =	stream.indirect.scatter.add.f32 [tilespmem:s9], [sflag:$0x1], $0x10, s23, s10, $0xb8;
	[tilespmem:$0x6F80] =	vst v63  }
0x52: {  	s24 =	simm.s32 $0x1C00  }
0x53: {  	[spmem:s2] =	stream.indirect.scatter.add.f32 [tilespmem:s9], [sflag:$0x1], $0x10, s24, s10, $0xb8;
	[tilespmem:$0x6F80] =	vst v63  }
0x54: {  	s25 =	simm.s32 $0x1E00  }
0x55: {  	[spmem:s2] =	stream.indirect.scatter.add.f32 [tilespmem:s9], [sflag:$0x1], $0x10, s25, s10, $0xb8;
	[tilespmem:$0x6F80] =	vst v63  }
0x56: {  	_ =	swait.ge [sflag:s13], $0x2000  }
0x57: {  	[sflag:s13] =	ssyncset.done $0x0  }
0x58: {  	[sflag:s13] =	ssyncadd.s32 $0xFFFFE000  }
0x59: {  	_ =	swait.ge [sflag:s13], $0x2000  }
0x5a: {  	[sflag:s13] =	ssyncset.done $0x0  }
0x5b: {  	[sflag:s13] =	ssyncadd.s32 $0xFFFFE000  }
0x5c: {  	_ =	swait.ge [sflag:s13], $0x2000  }
0x5d: {  	[sflag:s13] =	ssyncset.done $0x0  }
0x5e: {  	[sflag:s13] =	ssyncadd.s32 $0xFFFFE000  }
0x5f: {  	_ =	swait.ge [sflag:s13], $0x2000  }
0x60: {  	[sflag:s13] =	ssyncset.done $0x0  }
0x61: {  	s26 =	simm.s32 $0x2000;
	[sflag:s13] =	ssyncadd.s32 $0xFFFFE000  }
0x62: {  	[spmem:s2] =	stream.indirect.scatter.add.f32 [tilespmem:s9], [sflag:$0x1], $0x10, s26, s10, $0xb8;
	[tilespmem:$0x6F80] =	vst v63  }
0x63: {  	s28 =	simm.s32 $0x2200  }
0x64: {  	[spmem:s2] =	stream.indirect.scatter.add.f32 [tilespmem:s9], [sflag:$0x1], $0x10, s28, s10, $0xb8;
	[tilespmem:$0x6F80] =	vst v63  }
0x65: {  	s29 =	simm.s32 $0x2400  }
0x66: {  	[spmem:s2] =	stream.indirect.scatter.add.f32 [tilespmem:s9], [sflag:$0x1], $0x10, s29, s10, $0xb8;
	[tilespmem:$0x6F80] =	vst v63  }
0x67: {  	s30 =	simm.s32 $0x2600  }
0x68: {  	[spmem:s2] =	stream.indirect.scatter.add.f32 [tilespmem:s9], [sflag:$0x1], $0x10, s30, s10, $0xb8;
	[tilespmem:$0x6F80] =	vst v63  }
0x69: {  	_ =	swait.ge [sflag:s13], $0x2000  }
0x6a: {  	[sflag:s13] =	ssyncset.done $0x0  }
0x6b: {  	[sflag:s13] =	ssyncadd.s32 $0xFFFFE000  }
0x6c: {  	_ =	swait.ge [sflag:s13], $0x2000  }
0x6d: {  	[sflag:s13] =	ssyncset.done $0x0  }
0x6e: {  	s0 =	smul.u32 $0x27800, s31;
	[sflag:s13] =	ssyncadd.s32 $0xFFFFE000  }
0x6f: {  	_ =	swait.ge [sflag:s13], $0x2000  }
0x70: {  	s0 =	sadd.s32 s1, s0;
	[sflag:s13] =	ssyncset.done $0x0  }
0x71: {  	s1 =	ssub.s32 $0x2, s31;
	s0 =	sshrl.u32 s0, $0x3;
	[sflag:s13] =	ssyncadd.s32 $0xFFFFE000  }
0x72: {  	_ =	swait.ge [sflag:s13], $0x2000;
	[dreg:$0x4] =	wrdreg s0;
	s0 =	sshrl.u32 s1, $0x1  }
0x73: {  	[dreg:$0x5] =	wrdreg s0  }
0x74: {  	[sflag:s13] =	ssyncset.done $0x0;
	s31 =	rddreg [dreg:$0x4]  }
0x75: {  	s0 =	rddreg [dreg:$0x0]  }
0x76: {  	s0 =	sadd.s32 s31, s0;
	s31 =	rddreg [dreg:$0x5]  }
0x77: {  	s1 =	ssub.s32 s1, s31  }
0x78: {  	s1 =	smax.u32 s1, $0x1  }
0x79: {  	p0 =	sne.s32 s1, $0x1  }
.Ltmp0:
0x7a: {  	[sflag:s13] =	ssyncadd.s32 $0xFFFFE000;
	(pc) =	sbr.rel @!p0 .LBB2_2-.Ltmp0, $4  }
0x7b: {  	[bflag:$0x0] =	sbarrier.arrive $0xFFFF;
	s31 =	sadd.s32 $0x11600, s0  }
0x7c: {  	[hbm:s31], [sflag:s5] =	dma.local [spmem:s7], $0x4F0  }
0x7d: {  	_ =	swait.ge [sflag:s6], $0x4F0  }
0x7e: {  	s0 =	sadd.s32 $0xFFFFFFFF, s1;
	[sflag:s6] =	ssyncset.done $0x0  }
.LBB2_1:
0x7f: {  	[sflag:s6] =	ssyncadd.s32 $0xFFFFFB10  }
0x80: {  	[spmem:s7], [sflag:s5] =	dma.local [hbm:s4], $0x4F0  }
0x81: {  	_ =	swait.ge [sflag:s6], $0x4F0  }
0x82: {  	[sflag:s6] =	ssyncset.done $0x0  }
0x83: {  	[sflag:s6] =	ssyncadd.s32 $0xFFFFFB10  }
0x84: {  	[tilespmem:s3], [sflag:$0x2] =	stream.linear.gather [hbm4b:s8+s3], $0x2800, $0x38;
	[tilespmem:$0x6F80] =	vst v63  }
0x85: {  	_ =	swait.ge [sflag:s6], $0x2800  }
0x86: {  	[sflag:s6] =	ssyncset.done $0x0  }
0x87: {  	s1 =	rddreg [dreg:$0x3];
	[sflag:s6] =	ssyncadd.s32 $0xFFFFD800  }
0x88: {  	[tilespmem:s9], [sflag:$0x2] =	stream.linear.gather [hbm4b:s1+s3], $0x2000, $0x38;
	[tilespmem:$0x6F80] =	vst v63  }
0x89: {  	_ =	swait.ge [sflag:s6], $0x2000  }
0x8a: {  	[sflag:s6] =	ssyncset.done $0x0  }
0x8b: {  	[sflag:s6] =	ssyncadd.s32 $0xFFFFE000  }
0x8c: {  	[bflag:$0x0] =	sbarrier.arrive $0xFFFF  }
0x8d: {  	[spmem:s2] =	stream.indirect.scatter.add.f32 [tilespmem:s9], [sflag:$0x1], $0x10, s3, s10, $0xb8;
	[tilespmem:$0x6F80] =	vst v63  }
0x8e: {  	_ = 	snop  }
0x8f: {  	[spmem:s2] =	stream.indirect.scatter.add.f32 [tilespmem:s9], [sflag:$0x1], $0x10, s10, s10, $0xb8;
	[tilespmem:$0x6F80] =	vst v63  }
0x90: {  	_ = 	snop  }
0x91: {  	[spmem:s2] =	stream.indirect.scatter.add.f32 [tilespmem:s9], [sflag:$0x1], $0x10, s11, s10, $0xb8;
	[tilespmem:$0x6F80] =	vst v63  }
0x92: {  	_ = 	snop  }
0x93: {  	[spmem:s2] =	stream.indirect.scatter.add.f32 [tilespmem:s9], [sflag:$0x1], $0x10, s12, s10, $0xb8;
	[tilespmem:$0x6F80] =	vst v63  }
0x94: {  	_ =	swait.ge [sflag:s13], $0x2000  }
0x95: {  	[sflag:s13] =	ssyncset.done $0x0  }
0x96: {  	[sflag:s13] =	ssyncadd.s32 $0xFFFFE000  }
0x97: {  	_ =	swait.ge [sflag:s13], $0x2000  }
0x98: {  	[sflag:s13] =	ssyncset.done $0x0  }
0x99: {  	[sflag:s13] =	ssyncadd.s32 $0xFFFFE000  }
0x9a: {  	_ =	swait.ge [sflag:s13], $0x2000  }
0x9b: {  	[sflag:s13] =	ssyncset.done $0x0  }
0x9c: {  	[sflag:s13] =	ssyncadd.s32 $0xFFFFE000  }
0x9d: {  	_ =	swait.ge [sflag:s13], $0x2000  }
0x9e: {  	[sflag:s13] =	ssyncset.done $0x0  }
0x9f: {  	[sflag:s13] =	ssyncadd.s32 $0xFFFFE000  }
0xa0: {  	[spmem:s2] =	stream.indirect.scatter.add.f32 [tilespmem:s9], [sflag:$0x1], $0x10, s14, s10, $0xb8;
	[tilespmem:$0x6F80] =	vst v63  }
0xa1: {  	_ = 	snop  }
0xa2: {  	[spmem:s2] =	stream.indirect.scatter.add.f32 [tilespmem:s9], [sflag:$0x1], $0x10, s15, s10, $0xb8;
	[tilespmem:$0x6F80] =	vst v63  }
0xa3: {  	_ = 	snop  }
0xa4: {  	[spmem:s2] =	stream.indirect.scatter.add.f32 [tilespmem:s9], [sflag:$0x1], $0x10, s16, s10, $0xb8;
	[tilespmem:$0x6F80] =	vst v63  }
0xa5: {  	_ = 	snop  }
0xa6: {  	[spmem:s2] =	stream.indirect.scatter.add.f32 [tilespmem:s9], [sflag:$0x1], $0x10, s17, s10, $0xb8;
	[tilespmem:$0x6F80] =	vst v63  }
0xa7: {  	_ =	swait.ge [sflag:s13], $0x2000  }
0xa8: {  	[sflag:s13] =	ssyncset.done $0x0  }
0xa9: {  	[sflag:s13] =	ssyncadd.s32 $0xFFFFE000  }
0xaa: {  	_ =	swait.ge [sflag:s13], $0x2000  }
0xab: {  	[sflag:s13] =	ssyncset.done $0x0  }
0xac: {  	[sflag:s13] =	ssyncadd.s32 $0xFFFFE000  }
0xad: {  	_ =	swait.ge [sflag:s13], $0x2000  }
0xae: {  	[sflag:s13] =	ssyncset.done $0x0  }
0xaf: {  	[sflag:s13] =	ssyncadd.s32 $0xFFFFE000  }
0xb0: {  	_ =	swait.ge [sflag:s13], $0x2000  }
0xb1: {  	[sflag:s13] =	ssyncset.done $0x0  }
0xb2: {  	[sflag:s13] =	ssyncadd.s32 $0xFFFFE000  }
0xb3: {  	[spmem:s2] =	stream.indirect.scatter.add.f32 [tilespmem:s9], [sflag:$0x1], $0x10, s18, s10, $0xb8;
	[tilespmem:$0x6F80] =	vst v63  }
0xb4: {  	_ = 	snop  }
0xb5: {  	[spmem:s2] =	stream.indirect.scatter.add.f32 [tilespmem:s9], [sflag:$0x1], $0x10, s19, s10, $0xb8;
	[tilespmem:$0x6F80] =	vst v63  }
0xb6: {  	_ = 	snop  }
0xb7: {  	[spmem:s2] =	stream.indirect.scatter.add.f32 [tilespmem:s9], [sflag:$0x1], $0x10, s20, s10, $0xb8;
	[tilespmem:$0x6F80] =	vst v63  }
0xb8: {  	_ = 	snop  }
0xb9: {  	[spmem:s2] =	stream.indirect.scatter.add.f32 [tilespmem:s9], [sflag:$0x1], $0x10, s21, s10, $0xb8;
	[tilespmem:$0x6F80] =	vst v63  }
0xba: {  	_ =	swait.ge [sflag:s13], $0x2000  }
0xbb: {  	[sflag:s13] =	ssyncset.done $0x0  }
0xbc: {  	[sflag:s13] =	ssyncadd.s32 $0xFFFFE000  }
0xbd: {  	_ =	swait.ge [sflag:s13], $0x2000  }
0xbe: {  	[sflag:s13] =	ssyncset.done $0x0  }
0xbf: {  	[sflag:s13] =	ssyncadd.s32 $0xFFFFE000  }
0xc0: {  	_ =	swait.ge [sflag:s13], $0x2000  }
0xc1: {  	[sflag:s13] =	ssyncset.done $0x0  }
0xc2: {  	[sflag:s13] =	ssyncadd.s32 $0xFFFFE000  }
0xc3: {  	_ =	swait.ge [sflag:s13], $0x2000  }
0xc4: {  	[sflag:s13] =	ssyncset.done $0x0  }
0xc5: {  	[sflag:s13] =	ssyncadd.s32 $0xFFFFE000  }
0xc6: {  	[spmem:s2] =	stream.indirect.scatter.add.f32 [tilespmem:s9], [sflag:$0x1], $0x10, s22, s10, $0xb8;
	[tilespmem:$0x6F80] =	vst v63  }
0xc7: {  	_ = 	snop  }
0xc8: {  	[spmem:s2] =	stream.indirect.scatter.add.f32 [tilespmem:s9], [sflag:$0x1], $0x10, s23, s10, $0xb8;
	[tilespmem:$0x6F80] =	vst v63  }
0xc9: {  	_ = 	snop  }
0xca: {  	[spmem:s2] =	stream.indirect.scatter.add.f32 [tilespmem:s9], [sflag:$0x1], $0x10, s24, s10, $0xb8;
	[tilespmem:$0x6F80] =	vst v63  }
0xcb: {  	_ = 	snop  }
0xcc: {  	[spmem:s2] =	stream.indirect.scatter.add.f32 [tilespmem:s9], [sflag:$0x1], $0x10, s25, s10, $0xb8;
	[tilespmem:$0x6F80] =	vst v63  }
0xcd: {  	_ =	swait.ge [sflag:s13], $0x2000  }
0xce: {  	[sflag:s13] =	ssyncset.done $0x0  }
0xcf: {  	[sflag:s13] =	ssyncadd.s32 $0xFFFFE000  }
0xd0: {  	_ =	swait.ge [sflag:s13], $0x2000  }
0xd1: {  	[sflag:s13] =	ssyncset.done $0x0  }
0xd2: {  	[sflag:s13] =	ssyncadd.s32 $0xFFFFE000  }
0xd3: {  	_ =	swait.ge [sflag:s13], $0x2000  }
0xd4: {  	[sflag:s13] =	ssyncset.done $0x0  }
0xd5: {  	[sflag:s13] =	ssyncadd.s32 $0xFFFFE000  }
0xd6: {  	_ =	swait.ge [sflag:s13], $0x2000  }
0xd7: {  	[sflag:s13] =	ssyncset.done $0x0  }
0xd8: {  	[sflag:s13] =	ssyncadd.s32 $0xFFFFE000  }
0xd9: {  	[spmem:s2] =	stream.indirect.scatter.add.f32 [tilespmem:s9], [sflag:$0x1], $0x10, s26, s10, $0xb8;
	[tilespmem:$0x6F80] =	vst v63  }
0xda: {  	_ = 	snop  }
0xdb: {  	[spmem:s2] =	stream.indirect.scatter.add.f32 [tilespmem:s9], [sflag:$0x1], $0x10, s28, s10, $0xb8;
	[tilespmem:$0x6F80] =	vst v63  }
0xdc: {  	_ = 	snop  }
0xdd: {  	[spmem:s2] =	stream.indirect.scatter.add.f32 [tilespmem:s9], [sflag:$0x1], $0x10, s29, s10, $0xb8;
	[tilespmem:$0x6F80] =	vst v63  }
0xde: {  	_ = 	snop  }
0xdf: {  	[spmem:s2] =	stream.indirect.scatter.add.f32 [tilespmem:s9], [sflag:$0x1], $0x10, s30, s10, $0xb8;
	[tilespmem:$0x6F80] =	vst v63  }
0xe0: {  	_ =	swait.ge [sflag:s13], $0x2000  }
0xe1: {  	[sflag:s13] =	ssyncset.done $0x0  }
0xe2: {  	[sflag:s13] =	ssyncadd.s32 $0xFFFFE000  }
0xe3: {  	_ =	swait.ge [sflag:s13], $0x2000  }
0xe4: {  	[sflag:s13] =	ssyncset.done $0x0  }
0xe5: {  	[sflag:s13] =	ssyncadd.s32 $0xFFFFE000  }
0xe6: {  	_ =	swait.ge [sflag:s13], $0x2000  }
0xe7: {  	[sflag:s13] =	ssyncset.done $0x0  }
0xe8: {  	[sflag:s13] =	ssyncadd.s32 $0xFFFFE000  }
0xe9: {  	_ =	swait.ge [sflag:s13], $0x2000  }
0xea: {  	p0 =	sne.s32 s0, $0x1;
	[sflag:s13] =	ssyncset.done $0x0  }
.Ltmp1:
0xeb: {  	[sflag:s13] =	ssyncadd.s32 $0xFFFFE000;
	(pc) =	sbr.rel @p0 .LBB2_1-.Ltmp1, $4  }
0xec: {  	[bflag:$0x0] =	sbarrier.arrive $0xFFFF  }
0xed: {  	[hbm:s31], [sflag:s5] =	dma.local [spmem:s7], $0x4F0  }
0xee: {  	_ =	swait.ge [sflag:s6], $0x4F0  }
0xef: {  	s0 =	sadd.s32 $0xFFFFFFFF, s0;
	[sflag:s6] =	ssyncset.done $0x0  }
.LBB2_2:
0xf0: {  	[sflag:s6] =	ssyncadd.s32 $0xFFFFFB10  }
0xf1: {  	_ =	sfence.sel $0x180000  }
0xf2: {  	[bflag:$0x0] =	sbarrier.arrive $0xFFFF  }
0xf3: {  	_ =	strace $0x90000047  }
0xf4: {  	s0 =	stileid.u32;
	[bflag:$0x2] =	sbarrier.arrive $0xFFFF  }
0xf5: {  	p0 =	sne.s32 s0, $0x0;
	s0 =	rddreg [dreg:$0x2]  }
0xf6: {  	s0 =	sadd.s32 @!p0 $0x100000, s0  }
0xf7: {  	[sflag:s0] =	ssyncadd.tile.s32 @!p0 $0x1;
	_ =	shalt  }
.Lfunc_end2:
_tile_overlayer_lowered:
.L_overlay_start_2:
0xf8: {  	(tag) =	ssettag $0x2  }
0xf9: {  	s0 =	rddreg [dreg:$0x0];
	s2 =	stileid.u32  }
0xfa: {  	s1 =	rddreg [dreg:$0x1];
	p0 =	sne.s32 s2, $0x0  }
0xfb: {  	s3 =	rddreg [dreg:$0x2];
	[bflag:$0x3] =	sbarrier.arrive $0xFFFF;
	s2 =	simm.s32 @!p0 $0x1C02  }
0xfc: {  	[timem:s3], [sflag:s2] =	dma.local @!p0 [hbm:s0], s1  }
0xfd: {  	s0 =	simm.s32 @!p0 $0x2  }
0xfe: {  	_ =	swait.ge @!p0 [sflag:s0], s1  }
0xff: {  	s1 =	ssub.s32 @!p0 $0x0, s1;
	[sflag:s0] =	ssyncset.done @!p0 $0x0  }
0x100: {  	[sflag:s0] =	ssyncadd.s32 @!p0 s1  }
0x101: {  	[bflag:$0x3] =	sbarrier.arrive $0xFFFF  }
0x102: {  	_ =	shalt  }

// kernel: kernel.13.cloned.1.call-start
scs
__scs_entry_jumppad:
0x0: {  	(pc) =	sbr.rel $0x88, $3  }
0x1: {  	(tag) =	ssettag $0x0;
	lr =	simm.s32 $0x1  }
0x2: {  	[smem:$0x3F96] =	sst lr;
	_ =	strace $0xD0000000  }
0x3: {  	_ = 	snop  }
0x4: {  	_ = 	snop  }
0x5: {  	_ = 	snop  }
0x6: {  	_ = 	snop  }
0x7: {  	_ = 	snop  }
__scs_overlays_trampoline_lowered:
0x8: {  	[smem:$0x3FA5] =	sst s0  }
0x9: {  	[smem:$0x3FA6] =	sst s1  }
0xa: {  	[smem:$0x3FA7] =	sst s2  }
0xb: {  	[smem:$0x3FA8] =	sst s3  }
0xc: {  	[smem:$0x3FA9] =	sst s4  }
0xd: {  	[smem:$0x3FAA] =	sst s5  }
0xe: {  	[smem:$0x3FAB] =	sst s6  }
0xf: {  	[smem:$0x3FAC] =	sst s7  }
0x10: {  	[smem:$0x3FAD] =	sst s8  }
0x11: {  	[smem:$0x3FAE] =	sst s9;
	s0 =	simm.s32 @!p0 $0x0  }
0x12: {  	s1 =	sld [smem:$0x3F94];
	s0 =	simm.s32 @p0 $0x1  }
0x13: {  	[smem:$0x3FAF] =	sst s0;
	s0 =	simm.s32 @!p1 $0x0  }
0x14: {  	s2 =	sld [smem:$0x3F93];
	s0 =	simm.s32 @p1 $0x1  }
0x15: {  	[smem:$0x3FB0] =	sst s0;
	s0 =	simm.s32 @!p2 $0x0  }
0x16: {  	s3 =	sld [smem:$0x3FDB];
	s0 =	simm.s32 @p2 $0x1  }
0x17: {  	s4 =	simm.s32 $0x1BF5;
	[smem:$0x3FB2] =	sst s0  }
0x18: {  	s0 =	sld [smem:$0x3F95];
	_ =	swait.ge [sflag:s4], $0x0  }
0x19: {  	s7 =	sld [smem:$0x3F96]  }
0x1a: {  	s8 =	sadd.s32 $0xFFFFE003, lr  }
0x1b: {  	s9 =	sadd.s32 $0xFFFFFEF7, lr;
	s5 =	simm.s32 $0xFFFFFFFF;
	p2 =	slt.u32 s8, $0xFFFFF086  }
0x1c: {  	p1 =	slt.u32 s9, $0xF7A;
	s5 =	simm.s32 @!p2 $0x0  }
0x1d: {  	s5 =	simm.s32 @p1 $0x1;
	p0 =	seq.s32 s7, s2  }
0x1e: {  	s7 =	smul.u32 @!p0 $0xF7A, s2;
	p2 =	seq.s32 @!p0 s5, $0x0  }
0x1f: {  	s9 =	smul.u32 $0xF7A, s1;
	s8 =	simm.s32 @!p0 $0x1BF5;
	p2 =	por !p2, p0  }
0x20: {  	[sflag:s8] =	ssyncset.s32 @!p0 $0xFFFFF086;
	s6 =	sadd.s32 @!p0 s3, s7;
	s7 =	simm.s32 @!p0 $0x108  }
0x21: {  	s3 =	sadd.s32 s3, s9;
	s6 =	sadd.s32 @!p0 $0x88, s6;
	s7 =	simm.s32 @p2 $0x1082  }
0x22: {  	[simem:s7], [sflag:s8] =	dma.local @!p0 [hbm:s6], $0xF7A  }
0x23: {  	s9 =	sor.u32 $0xD0000000, s2;
	s6 =	simm.s32 $0x108;
	_ =	swait.ge @!p0 [sflag:s8], $0x0  }
0x24: {  	s3 =	sadd.s32 $0x88, s3;
	s6 =	simm.s32 @!p1 $0x1082;
	[sflag:s4] =	ssyncset.s32 $0xFFFFF086  }
0x25: {  	[simem:s6], [sflag:s4] =	dma.local [hbm:s3], $0xF7A  }
0x26: {  	[smem:$0x3F96] =	sst s1;
	(tag) =	ssettag s2;
	_ =	strace s9  }
0x27: {  	s1 =	sld [smem:$0x3FA6]  }
0x28: {  	s2 =	sld [smem:$0x3FA7]  }
0x29: {  	s4 =	sld [smem:$0x3FA9]  }
0x2a: {  	p0 =	seq.s32 s5, $0x0;
	s5 =	sld [smem:$0x3FAA]  }
0x2b: {  	s6 =	sld [smem:$0x3FAB]  }
0x2c: {  	s7 =	sld [smem:$0x3FAC]  }
0x2d: {  	s3 =	simm.s32 $0x108;
	s8 =	sld [smem:$0x3FAD]  }
0x2e: {  	s3 =	simm.s32 @!p0 $0x1082;
	s9 =	sld [smem:$0x3FAE]  }
0x2f: {  	lr =	sadd.s32 s0, s3;
	s0 =	sld [smem:$0x3FA5]  }
0x30: {  	s3 =	sld [smem:$0x3FA8]  }
0x31: {  	[smem:$0x3FB1] =	sst s10  }
0x32: {  	s10 =	sld [smem:$0x3FAF];
	_ =	sdelay $0x3  }
0x33: {  	p0 =	seq.s32 s10, $0x1;
	s10 =	sld [smem:$0x3FB1];
	_ =	sdelay $0x3  }
0x34: {  	[smem:$0x3FB1] =	sst s10  }
0x35: {  	s10 =	sld [smem:$0x3FB0];
	_ =	sdelay $0x3  }
0x36: {  	p1 =	seq.s32 s10, $0x1;
	s10 =	sld [smem:$0x3FB1];
	_ =	sdelay $0x3  }
0x37: {  	[smem:$0x3FB1] =	sst s10  }
0x38: {  	s10 =	sld [smem:$0x3FB2]  }
0x39: {  	_ = 	snop;
	(pc) =	sbr.ind lr, $3  }
0x3a: {  	_ = 	snop  }
0x3b: {  	_ = 	snop  }
0x3c: {  	p2 =	seq.s32 s10, $0x1;
	s10 =	sld [smem:$0x3FB1]  }
0x3d: {  	_ =	shalt  }
0x3e: {  	_ =	shalt  }
0x3f: {  	_ =	shalt  }
0x40: {  	_ =	shalt  }
0x41: {  	_ =	shalt  }
0x42: {  	_ =	shalt  }
0x43: {  	_ =	shalt  }
0x44: {  	_ =	shalt  }
0x45: {  	_ =	shalt  }
0x46: {  	_ =	shalt  }
0x47: {  	_ =	shalt  }
0x48: {  	_ =	shalt  }
0x49: {  	_ =	shalt  }
0x4a: {  	_ =	shalt  }
0x4b: {  	_ =	shalt  }
0x4c: {  	_ =	shalt  }
0x4d: {  	_ =	shalt  }
0x4e: {  	_ =	shalt  }
0x4f: {  	_ =	shalt  }
0x50: {  	_ =	shalt  }
0x51: {  	_ =	shalt  }
0x52: {  	_ =	shalt  }
0x53: {  	_ =	shalt  }
0x54: {  	_ =	shalt  }
0x55: {  	_ =	shalt  }
0x56: {  	_ =	shalt  }
0x57: {  	_ =	shalt  }
0x58: {  	_ =	shalt  }
0x59: {  	_ =	shalt  }
0x5a: {  	_ =	shalt  }
0x5b: {  	_ =	shalt  }
0x5c: {  	_ =	shalt  }
0x5d: {  	_ =	shalt  }
0x5e: {  	_ =	shalt  }
0x5f: {  	_ =	shalt  }
0x60: {  	_ =	shalt  }
0x61: {  	_ =	shalt  }
0x62: {  	_ =	shalt  }
0x63: {  	_ =	shalt  }
0x64: {  	_ =	shalt  }
0x65: {  	_ =	shalt  }
0x66: {  	_ =	shalt  }
0x67: {  	_ =	shalt  }
0x68: {  	_ =	shalt  }
0x69: {  	_ =	shalt  }
0x6a: {  	_ =	shalt  }
0x6b: {  	_ =	shalt  }
0x6c: {  	_ =	shalt  }
0x6d: {  	_ =	shalt  }
0x6e: {  	_ =	shalt  }
0x6f: {  	_ =	shalt  }
0x70: {  	_ =	shalt  }
0x71: {  	_ =	shalt  }
0x72: {  	_ =	shalt  }
0x73: {  	_ =	shalt  }
0x74: {  	_ =	shalt  }
0x75: {  	_ =	shalt  }
0x76: {  	_ =	shalt  }
0x77: {  	_ =	shalt  }
0x78: {  	_ =	shalt  }
0x79: {  	_ =	shalt  }
0x7a: {  	_ =	shalt  }
0x7b: {  	_ =	shalt  }
0x7c: {  	_ =	shalt  }
0x7d: {  	_ =	shalt  }
0x7e: {  	_ =	shalt  }
0x7f: {  	_ =	shalt  }
0x80: {  	_ =	shalt  }
0x81: {  	_ =	shalt  }
0x82: {  	_ =	shalt  }
0x83: {  	_ =	shalt  }
0x84: {  	_ =	shalt  }
0x85: {  	_ =	shalt  }
0x86: {  	_ =	shalt  }
0x87: {  	_ =	shalt  }
.Lfunc_end0:
.L_simem_size_0:
called_computation.1_lowered:
.L_overlay_start_0:
0x88: {  	s2 =	sld [smem:$0x3FD9]  }
0x89: {  	s3 =	sld [smem:$0x3FFE];
	_ =	sdelay $0x1  }
0x8a: {  	s1 =	srdreg.scid  }
0x8b: {  	s0 =	sand.u32 $0x1, s1  }
0x8c: {  	s16 =	sshll.u32 s0, $0xA;
	s2 =	sadd.s32 s3, s2  }
0x8d: {  	s2 =	sadd.s32 s2, s16  }
0x8e: {  	[smem:$0x3FBD] =	sst s2  }
0x8f: {  	_ = 	snop  }
0x90: {  	(tm) =	ssettm $0x1  }
0x91: {  	s17 =	sld [smem:$0x3FFB];
	_ =	sdelay $0x3  }
0x92: {  	_ =	strace s17  }
0x93: {  	s2 =	sld [smem:$0x3FFC];
	_ =	sdelay $0x3  }
0x94: {  	_ =	strace s2  }
0x95: {  	s2 =	sld [smem:$0x3FFD];
	_ =	sdelay $0x3  }
0x96: {  	_ =	strace s2  }
0x97: {  	_ =	strace $0x8FFFFFFF  }
0x98: {  	s18 =	sld [smem:$0x3FDB];
	_ =	sdelay $0x1  }
0x99: {  	s19 =	simm.s32 $_scs_section_size  }
0x9a: {  	s4 =	simm.s32 $_size__tile_overlayer_lowered;
	s5 =	simm.s32 $_tile_overlayer_lowered  }
0x9b: {  	s22 =	simm.s32 $0x1BFF;
	s21 =	sshll.u32 s5, $0x1;
	s2 =	sadd.s32 s19, s18  }
0x9c: {  	s6 =	simm.s32 $0x0;
	s20 =	sshll.u32 s4, $0x1;
	s4 =	sadd.s32 s21, s2  }
0x9d: {  	[timem:s6], [sflag:s22] =	dma.local [hbm:s4], s20  }
0x9e: {  	_ =	swait.ge [sflag:s22], s20  }
0x9f: {  	s3 =	ssub.s32 $0x0, s20;
	[sflag:s22] =	ssyncset.done $0x0  }
0xa0: {  	[sflag:s22] =	ssyncadd.s32 s3;
	_ =	sdelay $0x1  }
0xa1: {  	s23 =	simm.s32 $0x1B8B  }
0xa2: {  	_ =	swait.ge [sflag:s23], $0x1  }
0xa3: {  	[sflag:s23] =	ssyncset.done $0x0  }
0xa4: {  	s25 =	simm.s32 $0x1B8E;
	s24 =	sld [smem:$0x3FFE];
	[sflag:s23] =	ssyncadd.s32 $0xFFFFFFFF  }
0xa5: {  	s26 =	simm.s32 $execute0_lowered;
	[smem:$0x3FD2] =	sst s25  }
0xa6: {  	s4 =	sshll.u32 s26, $0x1;
	_ =	strace $0x80000049;
	[dreg:$0x1] =	wrdreg $0xFFFFFFFF  }
0xa7: {  	s28 =	simm.s32 $_size_execute0_lowered;
	s2 =	sadd.s32 s2, s4;
	[dreg:$0x0] =	wrdreg $0x0  }
0xa8: {  	s4 =	sshll.u32 s28, $0x1;
	[dreg:$0x2] =	wrdreg s2  }
0xa9: {  	[dreg:$0x3] =	wrdreg s4  }
0xaa: {  	[dreg:$0x4] =	wrdreg $0xC0  }
0xab: {  	_ =	task [dreg:s6], $0x5FFFF  }
0xac: {  	[dreg:$0x1] =	wrdreg $0xFFFFFFFF  }
0xad: {  	[dreg:$0x0] =	wrdreg $0x60  }
0xae: {  	[dreg:$0x2] =	wrdreg s24  }
0xaf: {  	[dreg:$0x3] =	wrdreg $0x90000  }
0xb0: {  	[dreg:$0x4] =	wrdreg $0x9  }
0xb1: {  	_ =	task.clear_ibuf [dreg:s6], $0x5FFFF;
	_ =	strace $0x90000049  }
0xb2: {  	s29 =	simm.s32 $0x9;
	_ =	strace $0x8000004B  }
0xb3: {  	_ =	swait.ge [sflag:s29], $0x1  }
0xb4: {  	[sflag:s29] =	ssyncadd.s32 $0xFFFFFFFF  }
0xb5: {  	_ =	strace $0x9000004B  }
0xb6: {  	_ =	sfence  }
0xb7: {  	s30 =	sld [smem:$0x0];
	_ =	sdelay $0x2  }
0xb8: {  	s31 =	sshll.u32 s1, $0xD;
	s1 =	sshrl.u32 s1, $0x2  }
0xb9: {  	s3 =	sand.u32 $0x4000, s31;
	s1 =	sadd.s32 s1, s30  }
0xba: {  	s0 =	sor.u32 s3, s0;
	s1 =	sshll.u32 s1, $0x11  }
0xbb: {  	s0 =	sor.u32 s1, s0  }
0xbc: {  	s0 =	sadd.s32 $0x8F2B, s0  }
0xbd: {  	[sflag:s0] =	ssyncadd.remote.s32 $0x1  }
0xbe: {  	_ =	sfence.sel $0xFFFF  }
0xbf: {  	[dreg:$0x0] =	wrdreg $0xFFFFFFFF;
	(pc) =	sbr.abs _section_cstart, $3  }
0xc0: {  	[dreg:$0x1] =	wrdreg $0xFFFFFFFF  }
0xc1: {  	_ =	task.clear_ibuf [dreg:s6], $0x2FFFF;
	_ =	strace $0x9FFFFFFF  }
0xc2: {  	(tm) =	ssettm $0x7FFFFFFF  }
0xc3: {  	_ =	shalt  }
tec
execute0_lowered:
.L_overlay_start_1:
0x0: {  	(tag) =	ssettag $0x1  }
0x1: {  	s1 =	rddreg [dreg:$0x0]  }
0x2: {  	s2 =	rddreg [dreg:$0x1];
	s30 =	simm.s32 $0x0  }
0x3: {  	s25 =	simm.s32 $0x400;
	[smem:$0x7FF] =	sst s30  }
0x4: {  	s26 =	simm.s32 $0x2A00;
	_ =	strace $0x8000004A;
	[dreg:$0x7] =	wrdreg s25  }
0x5: {  	s8 =	simm.s32 $0x800;
	[dreg:$0x8] =	wrdreg s26  }
0x6: {  	s9 =	simm.s32 $0x2E00;
	[dreg:$0xb] =	wrdreg s8  }
0x7: {  	s0 =	srdreg.scid;
	s10 =	simm.s32 $0xA00;
	[dreg:$0xc] =	wrdreg s9  }
0x8: {  	s7 =	stileid.u32;
	s11 =	simm.s32 $0x3000;
	[dreg:$0xd] =	wrdreg s10  }
0x9: {  	s13 =	simm.s32 $0xC00;
	s14 =	simm.s32 $0x3200;
	[dreg:$0xe] =	wrdreg s11  }
0xa: {  	s16 =	simm.s32 $0xE00;
	s18 =	simm.s32 $0x3400;
	[dreg:$0xf] =	wrdreg s13  }
0xb: {  	s19 =	simm.s32 $0x1000;
	s20 =	simm.s32 $0x3600;
	[dreg:$0x10] =	wrdreg s14  }
0xc: {  	s21 =	simm.s32 $0x1200;
	s22 =	simm.s32 $0x3800;
	[dreg:$0x11] =	wrdreg s16  }
0xd: {  	s31 =	simm.s32 $0x2800;
	s29 =	simm.s32 $0x1800;
	[dreg:$0x12] =	wrdreg s18  }
0xe: {  	s28 =	simm.s32 $0x3E00;
	p0 =	por $0x0, $0x0;
	[dreg:$0x13] =	wrdreg s19  }
0xf: {  	s0 =	sand.u32 $0x1, s0;
	s4 =	smul.u32 $0x2780, s7;
	[dreg:$0x14] =	wrdreg s20  }
0x10: {  	s17 =	sshll.u32 s7, $0x6;
	s3 =	sshll.u32 s0, $0x4;
	[dreg:$0x15] =	wrdreg s21  }
0x11: {  	s6 =	smul.u32 $0x27800, s0;
	s0 =	ssub.s32 $0x2, s0;
	[dreg:$0x16] =	wrdreg s22  }
0x12: {  	s9 =	simm.s32 $0x5000;
	s25 =	simm.s32 $0x1600;
	s8 =	simm.s32 $0x7000  }
0x13: {  	s26 =	simm.s32 $0x3C00;
	s11 =	simm.s32 $0x1;
	s10 =	simm.s32 $0x2  }
0x14: {  	s22 =	simm.s32 $0x1E00;
	s21 =	simm.s32 $0x4400;
	s20 =	simm.s32 $0x2000  }
0x15: {  	s19 =	simm.s32 $0x4600;
	s18 =	simm.s32 $0x4800;
	s16 =	simm.s32 $0x2400  }
0x16: {  	s14 =	simm.s32 $0x2600;
	s13 =	simm.s32 $0x4C00;
	s3 =	sor.u32 s7, s3  }
0x17: {  	s5 =	sshrl.u32 s4, $0x3;
	s12 =	sshrl.u32 s0, $0x1;
	[dreg:$0x19] =	wrdreg s25  }
0x18: {  	s15 =	sadd.s32 s4, s2;
	s7 =	simm.s32 $0x200;
	[dreg:$0x1a] =	wrdreg s26  }
0x19: {  	s26 =	simm.s32 $0x1A00;
	s25 =	simm.s32 $0x4000;
	s3 =	smul.u32 $0x500, s3  }
0x1a: {  	s5 =	sadd.s32 s5, s1;
	s6 =	sadd.s32 s4, s6;
	s0 =	ssub.s32 s0, s12  }
0x1b: {  	s4 =	sor.u32 $0x1C03, s17;
	s17 =	simm.s32 $0x2200;
	s12 =	simm.s32 $0x4E00  }
0x1c: {  	s5 =	sadd.s32 $0xC200, s5;
	s6 =	sshrl.u32 s6, $0x3;
	s0 =	smax.u32 s0, $0x1  }
0x1d: {  	s3 =	sadd.s32 s3, s1;
	[dreg:$0x3] =	wrdreg s5;
	s5 =	simm.s32 $0x600  }
0x1e: {  	s6 =	sadd.s32 s6, s1;
	s23 =	sadd.s32 $0x42C00, s3;
	[dreg:$0x9] =	wrdreg s5  }
0x1f: {  	p1 =	sne.s32 s0, $0x1;
	s3 =	sadd.s32 $0x2200, s3;
	[dreg:$0x4] =	wrdreg s23  }
0x20: {  	s24 =	sadd.s32 $0x16200, s6;
	s6 =	simm.s32 $0x2C00;
	[dreg:$0x5] =	wrdreg s3  }
.Ltmp0:
0x21: {  	s5 =	sshrl.u32 s15, $0x3;
	[dreg:$0x6] =	wrdreg s24;
	(pc) =	sbr.rel @!p1 .LBB2_3-.Ltmp0, $4  }
0x22: {  	s15 =	simm.s32 $0x4A00;
	[dreg:$0xa] =	wrdreg s6;
	s3 =	sadd.s32 $0x11200, s1  }
0x23: {  	s23 =	simm.s32 $0x1400;
	s1 =	sadd.s32 $0xFFFFFFFF, s0;
	s0 =	rddreg [dreg:$0x3]  }
0x24: {  	s6 =	simm.s32 $0x3;
	s24 =	simm.s32 $0x3A00;
	[dreg:$0x17] =	wrdreg s23  }
0x25: {  	[dreg:$0x18] =	wrdreg s24;
	s24 =	simm.s32 $0x1C00;
	s23 =	simm.s32 $0x4200  }
0x26: {  	[spmem:s5], [sflag:s4] =	dma.local [hbm:s0], $0x4F0  }
0x27: {  	_ =	swait.ge [sflag:s6], $0x4F0  }
0x28: {  	[sflag:s6] =	ssyncset.done $0x0  }
0x29: {  	s0 =	rddreg [dreg:$0x4];
	[sflag:s6] =	ssyncadd.s32 $0xFFFFFB10  }
0x2a: {  	[tilespmem:s30], [sflag:$0x3] =	stream.linear.gather [hbm4b:s0+s30], $0x2800, $0x38;
	[tilespmem:$0xB780] =	vst v63  }
0x2b: {  	_ =	swait.ge [sflag:s6], $0x2800  }
0x2c: {  	[sflag:s6] =	ssyncset.done $0x0  }
0x2d: {  	s0 =	rddreg [dreg:$0x5];
	[sflag:s6] =	ssyncadd.s32 $0xFFFFD800  }
0x2e: {  	[tilespmem:s31], [sflag:$0x3] =	stream.linear.gather [hbm4b:s0+s30], $0x2800, $0x38;
	[tilespmem:$0xB780] =	vst v63  }
0x2f: {  	_ =	swait.ge [sflag:s6], $0x2800  }
0x30: {  	[sflag:s6] =	ssyncset.done $0x0  }
0x31: {  	[sflag:s6] =	ssyncadd.s32 $0xFFFFD800  }
0x32: {  	[bflag:$0x0] =	sbarrier.arrive $0xFFFF  }
0x33: {  	[tilespmem:s9], [sflag:$0x1] =	stream.indirect.gather [hbm4b:s3+s7], $0x10, s30, s7, $0xb8;
	[tilespmem:$0xB780] =	vst v63  }
0x34: {  	_ = 	snop  }
0x35: {  	[tilespmem:s8], [sflag:$0x2] =	stream.indirect.gather [hbm4b:s3+s7], $0x10, s7, s7, $0xb8;
	[tilespmem:$0xB780] =	vst v63  }
0x36: {  	_ =	swait.ge [sflag:s11], $0x2000  }
0x37: {  	[sflag:s11] =	ssyncset.done $0x0  }
0x38: {  	[sflag:s11] =	ssyncadd.s32 $0xFFFFE000  }
0x39: {  	[spmem:s2] =	stream.indirect.scatter.add.f32 [tilespmem:s9], [sflag:$0x3], $0x10, s31, s7, $0xb8;
	[tilespmem:$0xB780] =	vst v63  }
0x3a: {  	_ =	swait.ge [sflag:s6], $0x2000  }
0x3b: {  	[sflag:s6] =	ssyncset.done $0x0  }
0x3c: {  	s0 =	rddreg [dreg:$0x7];
	[sflag:s6] =	ssyncadd.s32 $0xFFFFE000  }
0x3d: {  	[tilespmem:s9], [sflag:$0x1] =	stream.indirect.gather [hbm4b:s3+s7], $0x10, s0, s7, $0xb8;
	[tilespmem:$0xB780] =	vst v63  }
0x3e: {  	_ =	swait.ge [sflag:s10], $0x2000  }
0x3f: {  	[sflag:s10] =	ssyncset.done $0x0  }
0x40: {  	s0 =	rddreg [dreg:$0x8];
	[sflag:s10] =	ssyncadd.s32 $0xFFFFE000  }
0x41: {  	[spmem:s2] =	stream.indirect.scatter.add.f32 [tilespmem:s8], [sflag:$0x3], $0x10, s0, s7, $0xb8;
	[tilespmem:$0xB780] =	vst v63  }
0x42: {  	_ =	swait.ge [sflag:s6], $0x2000  }
0x43: {  	[sflag:s6] =	ssyncset.done $0x0  }
0x44: {  	s0 =	rddreg [dreg:$0x9];
	[sflag:s6] =	ssyncadd.s32 $0xFFFFE000  }
0x45: {  	[tilespmem:s8], [sflag:$0x2] =	stream.indirect.gather [hbm4b:s3+s7], $0x10, s0, s7, $0xb8;
	[tilespmem:$0xB780] =	vst v63  }
0x46: {  	_ =	swait.ge [sflag:s11], $0x2000  }
0x47: {  	[sflag:s11] =	ssyncset.done $0x0  }
0x48: {  	s0 =	rddreg [dreg:$0xa];
	[sflag:s11] =	ssyncadd.s32 $0xFFFFE000  }
0x49: {  	[spmem:s2] =	stream.indirect.scatter.add.f32 [tilespmem:s9], [sflag:$0x3], $0x10, s0, s7, $0xb8;
	[tilespmem:$0xB780] =	vst v63  }
0x4a: {  	_ =	swait.ge [sflag:s6], $0x2000  }
0x4b: {  	[sflag:s6] =	ssyncset.done $0x0  }
0x4c: {  	s0 =	rddreg [dreg:$0xb];
	[sflag:s6] =	ssyncadd.s32 $0xFFFFE000  }
0x4d: {  	[tilespmem:s9], [sflag:$0x1] =	stream.indirect.gather [hbm4b:s3+s7], $0x10, s0, s7, $0xb8;
	[tilespmem:$0xB780] =	vst v63  }
0x4e: {  	_ =	swait.ge [sflag:s10], $0x2000  }
0x4f: {  	[sflag:s10] =	ssyncset.done $0x0  }
0x50: {  	s0 =	rddreg [dreg:$0xc];
	[sflag:s10] =	ssyncadd.s32 $0xFFFFE000  }
0x51: {  	[spmem:s2] =	stream.indirect.scatter.add.f32 [tilespmem:s8], [sflag:$0x3], $0x10, s0, s7, $0xb8;
	[tilespmem:$0xB780] =	vst v63  }
0x52: {  	_ =	swait.ge [sflag:s6], $0x2000  }
0x53: {  	[sflag:s6] =	ssyncset.done $0x0  }
0x54: {  	s0 =	rddreg [dreg:$0xd];
	[sflag:s6] =	ssyncadd.s32 $0xFFFFE000  }
0x55: {  	[tilespmem:s8], [sflag:$0x2] =	stream.indirect.gather [hbm4b:s3+s7], $0x10, s0, s7, $0xb8;
	[tilespmem:$0xB780] =	vst v63  }
0x56: {  	_ =	swait.ge [sflag:s11], $0x2000  }
0x57: {  	[sflag:s11] =	ssyncset.done $0x0  }
0x58: {  	s0 =	rddreg [dreg:$0xe];
	[sflag:s11] =	ssyncadd.s32 $0xFFFFE000  }
0x59: {  	[spmem:s2] =	stream.indirect.scatter.add.f32 [tilespmem:s9], [sflag:$0x3], $0x10, s0, s7, $0xb8;
	[tilespmem:$0xB780] =	vst v63  }
0x5a: {  	_ =	swait.ge [sflag:s6], $0x2000  }
0x5b: {  	[sflag:s6] =	ssyncset.done $0x0  }
0x5c: {  	s0 =	rddreg [dreg:$0xf];
	[sflag:s6] =	ssyncadd.s32 $0xFFFFE000  }
0x5d: {  	[tilespmem:s9], [sflag:$0x1] =	stream.indirect.gather [hbm4b:s3+s7], $0x10, s0, s7, $0xb8;
	[tilespmem:$0xB780] =	vst v63  }
0x5e: {  	_ =	swait.ge [sflag:s10], $0x2000  }
0x5f: {  	[sflag:s10] =	ssyncset.done $0x0  }
0x60: {  	s0 =	rddreg [dreg:$0x10];
	[sflag:s10] =	ssyncadd.s32 $0xFFFFE000  }
0x61: {  	[spmem:s2] =	stream.indirect.scatter.add.f32 [tilespmem:s8], [sflag:$0x3], $0x10, s0, s7, $0xb8;
	[tilespmem:$0xB780] =	vst v63  }
0x62: {  	_ =	swait.ge [sflag:s6], $0x2000  }
0x63: {  	[sflag:s6] =	ssyncset.done $0x0  }
0x64: {  	s0 =	rddreg [dreg:$0x11];
	[sflag:s6] =	ssyncadd.s32 $0xFFFFE000  }
0x65: {  	[tilespmem:s8], [sflag:$0x2] =	stream.indirect.gather [hbm4b:s3+s7], $0x10, s0, s7, $0xb8;
	[tilespmem:$0xB780] =	vst v63  }
0x66: {  	_ =	swait.ge [sflag:s11], $0x2000  }
0x67: {  	[sflag:s11] =	ssyncset.done $0x0  }
0x68: {  	s0 =	rddreg [dreg:$0x12];
	[sflag:s11] =	ssyncadd.s32 $0xFFFFE000  }
0x69: {  	[spmem:s2] =	stream.indirect.scatter.add.f32 [tilespmem:s9], [sflag:$0x3], $0x10, s0, s7, $0xb8;
	[tilespmem:$0xB780] =	vst v63  }
0x6a: {  	_ =	swait.ge [sflag:s6], $0x2000  }
0x6b: {  	[sflag:s6] =	ssyncset.done $0x0  }
0x6c: {  	s0 =	rddreg [dreg:$0x13];
	[sflag:s6] =	ssyncadd.s32 $0xFFFFE000  }
0x6d: {  	[tilespmem:s9], [sflag:$0x1] =	stream.indirect.gather [hbm4b:s3+s7], $0x10, s0, s7, $0xb8;
	[tilespmem:$0xB780] =	vst v63  }
0x6e: {  	_ =	swait.ge [sflag:s10], $0x2000  }
0x6f: {  	[sflag:s10] =	ssyncset.done $0x0  }
0x70: {  	s0 =	rddreg [dreg:$0x14];
	[sflag:s10] =	ssyncadd.s32 $0xFFFFE000  }
0x71: {  	[spmem:s2] =	stream.indirect.scatter.add.f32 [tilespmem:s8], [sflag:$0x3], $0x10, s0, s7, $0xb8;
	[tilespmem:$0xB780] =	vst v63  }
0x72: {  	_ =	swait.ge [sflag:s6], $0x2000  }
0x73: {  	[sflag:s6] =	ssyncset.done $0x0  }
0x74: {  	s0 =	rddreg [dreg:$0x15];
	[sflag:s6] =	ssyncadd.s32 $0xFFFFE000  }
0x75: {  	[tilespmem:s8], [sflag:$0x2] =	stream.indirect.gather [hbm4b:s3+s7], $0x10, s0, s7, $0xb8;
	[tilespmem:$0xB780] =	vst v63  }
0x76: {  	_ =	swait.ge [sflag:s11], $0x2000  }
0x77: {  	[sflag:s11] =	ssyncset.done $0x0  }
0x78: {  	s0 =	rddreg [dreg:$0x16];
	[sflag:s11] =	ssyncadd.s32 $0xFFFFE000  }
0x79: {  	[spmem:s2] =	stream.indirect.scatter.add.f32 [tilespmem:s9], [sflag:$0x3], $0x10, s0, s7, $0xb8;
	[tilespmem:$0xB780] =	vst v63  }
0x7a: {  	_ =	swait.ge [sflag:s6], $0x2000  }
0x7b: {  	[sflag:s6] =	ssyncset.done $0x0  }
0x7c: {  	s0 =	rddreg [dreg:$0x17];
	[sflag:s6] =	ssyncadd.s32 $0xFFFFE000  }
0x7d: {  	[tilespmem:s9], [sflag:$0x1] =	stream.indirect.gather [hbm4b:s3+s7], $0x10, s0, s7, $0xb8;
	[tilespmem:$0xB780] =	vst v63  }
0x7e: {  	_ =	swait.ge [sflag:s10], $0x2000  }
0x7f: {  	[sflag:s10] =	ssyncset.done $0x0  }
0x80: {  	s0 =	rddreg [dreg:$0x18];
	[sflag:s10] =	ssyncadd.s32 $0xFFFFE000  }
0x81: {  	[spmem:s2] =	stream.indirect.scatter.add.f32 [tilespmem:s8], [sflag:$0x3], $0x10, s0, s7, $0xb8;
	[tilespmem:$0xB780] =	vst v63  }
0x82: {  	_ =	swait.ge [sflag:s6], $0x2000  }
0x83: {  	[sflag:s6] =	ssyncset.done $0x0  }
0x84: {  	s0 =	rddreg [dreg:$0x19];
	[sflag:s6] =	ssyncadd.s32 $0xFFFFE000  }
0x85: {  	[tilespmem:s8], [sflag:$0x2] =	stream.indirect.gather [hbm4b:s3+s7], $0x10, s0, s7, $0xb8;
	[tilespmem:$0xB780] =	vst v63  }
0x86: {  	_ =	swait.ge [sflag:s11], $0x2000  }
0x87: {  	[sflag:s11] =	ssyncset.done $0x0  }
0x88: {  	s0 =	rddreg [dreg:$0x1a];
	[sflag:s11] =	ssyncadd.s32 $0xFFFFE000  }
0x89: {  	[spmem:s2] =	stream.indirect.scatter.add.f32 [tilespmem:s9], [sflag:$0x3], $0x10, s0, s7, $0xb8;
	[tilespmem:$0xB780] =	vst v63  }
0x8a: {  	_ =	swait.ge [sflag:s6], $0x2000  }
0x8b: {  	[sflag:s6] =	ssyncset.done $0x0  }
0x8c: {  	[sflag:s6] =	ssyncadd.s32 $0xFFFFE000  }
0x8d: {  	[tilespmem:s9], [sflag:$0x1] =	stream.indirect.gather [hbm4b:s3+s7], $0x10, s29, s7, $0xb8;
	[tilespmem:$0xB780] =	vst v63  }
0x8e: {  	_ =	swait.ge [sflag:s10], $0x2000  }
0x8f: {  	[sflag:s10] =	ssyncset.done $0x0  }
0x90: {  	[sflag:s10] =	ssyncadd.s32 $0xFFFFE000  }
0x91: {  	[spmem:s2] =	stream.indirect.scatter.add.f32 [tilespmem:s8], [sflag:$0x3], $0x10, s28, s7, $0xb8;
	[tilespmem:$0xB780] =	vst v63  }
0x92: {  	_ =	swait.ge [sflag:s6], $0x2000  }
0x93: {  	[sflag:s6] =	ssyncset.done $0x0  }
0x94: {  	[sflag:s6] =	ssyncadd.s32 $0xFFFFE000  }
0x95: {  	[tilespmem:s8], [sflag:$0x2] =	stream.indirect.gather [hbm4b:s3+s7], $0x10, s26, s7, $0xb8;
	[tilespmem:$0xB780] =	vst v63  }
0x96: {  	_ =	swait.ge [sflag:s11], $0x2000  }
0x97: {  	[sflag:s11] =	ssyncset.done $0x0  }
0x98: {  	[sflag:s11] =	ssyncadd.s32 $0xFFFFE000  }
0x99: {  	[spmem:s2] =	stream.indirect.scatter.add.f32 [tilespmem:s9], [sflag:$0x3], $0x10, s25, s7, $0xb8;
	[tilespmem:$0xB780] =	vst v63  }
0x9a: {  	_ =	swait.ge [sflag:s6], $0x2000  }
0x9b: {  	[sflag:s6] =	ssyncset.done $0x0  }
0x9c: {  	[sflag:s6] =	ssyncadd.s32 $0xFFFFE000  }
0x9d: {  	[tilespmem:s9], [sflag:$0x1] =	stream.indirect.gather [hbm4b:s3+s7], $0x10, s24, s7, $0xb8;
	[tilespmem:$0xB780] =	vst v63  }
0x9e: {  	_ =	swait.ge [sflag:s10], $0x2000  }
0x9f: {  	[sflag:s10] =	ssyncset.done $0x0  }
0xa0: {  	[sflag:s10] =	ssyncadd.s32 $0xFFFFE000  }
0xa1: {  	[spmem:s2] =	stream.indirect.scatter.add.f32 [tilespmem:s8], [sflag:$0x3], $0x10, s23, s7, $0xb8;
	[tilespmem:$0xB780] =	vst v63  }
0xa2: {  	_ =	swait.ge [sflag:s6], $0x2000  }
0xa3: {  	[sflag:s6] =	ssyncset.done $0x0  }
0xa4: {  	[sflag:s6] =	ssyncadd.s32 $0xFFFFE000  }
0xa5: {  	[tilespmem:s8], [sflag:$0x2] =	stream.indirect.gather [hbm4b:s3+s7], $0x10, s22, s7, $0xb8;
	[tilespmem:$0xB780] =	vst v63  }
0xa6: {  	_ =	swait.ge [sflag:s11], $0x2000  }
0xa7: {  	[sflag:s11] =	ssyncset.done $0x0  }
0xa8: {  	[sflag:s11] =	ssyncadd.s32 $0xFFFFE000  }
0xa9: {  	[spmem:s2] =	stream.indirect.scatter.add.f32 [tilespmem:s9], [sflag:$0x3], $0x10, s21, s7, $0xb8;
	[tilespmem:$0xB780] =	vst v63  }
0xaa: {  	_ =	swait.ge [sflag:s6], $0x2000  }
0xab: {  	[sflag:s6] =	ssyncset.done $0x0  }
0xac: {  	[sflag:s6] =	ssyncadd.s32 $0xFFFFE000  }
0xad: {  	[tilespmem:s9], [sflag:$0x1] =	stream.indirect.gather [hbm4b:s3+s7], $0x10, s20, s7, $0xb8;
	[tilespmem:$0xB780] =	vst v63  }
0xae: {  	_ =	swait.ge [sflag:s10], $0x2000  }
0xaf: {  	[sflag:s10] =	ssyncset.done $0x0  }
0xb0: {  	[sflag:s10] =	ssyncadd.s32 $0xFFFFE000  }
0xb1: {  	[spmem:s2] =	stream.indirect.scatter.add.f32 [tilespmem:s8], [sflag:$0x3], $0x10, s19, s7, $0xb8;
	[tilespmem:$0xB780] =	vst v63  }
0xb2: {  	_ =	swait.ge [sflag:s6], $0x2000  }
0xb3: {  	[sflag:s6] =	ssyncset.done $0x0  }
0xb4: {  	[sflag:s6] =	ssyncadd.s32 $0xFFFFE000  }
0xb5: {  	[tilespmem:s8], [sflag:$0x2] =	stream.indirect.gather [hbm4b:s3+s7], $0x10, s17, s7, $0xb8;
	[tilespmem:$0xB780] =	vst v63  }
0xb6: {  	_ =	swait.ge [sflag:s11], $0x2000  }
0xb7: {  	[sflag:s11] =	ssyncset.done $0x0  }
0xb8: {  	[sflag:s11] =	ssyncadd.s32 $0xFFFFE000  }
0xb9: {  	[spmem:s2] =	stream.indirect.scatter.add.f32 [tilespmem:s9], [sflag:$0x3], $0x10, s18, s7, $0xb8;
	[tilespmem:$0xB780] =	vst v63  }
0xba: {  	_ =	swait.ge [sflag:s6], $0x2000  }
0xbb: {  	[sflag:s6] =	ssyncset.done $0x0  }
0xbc: {  	[sflag:s6] =	ssyncadd.s32 $0xFFFFE000  }
0xbd: {  	[tilespmem:s9], [sflag:$0x1] =	stream.indirect.gather [hbm4b:s3+s7], $0x10, s16, s7, $0xb8;
	[tilespmem:$0xB780] =	vst v63  }
0xbe: {  	_ =	swait.ge [sflag:s10], $0x2000  }
0xbf: {  	[sflag:s10] =	ssyncset.done $0x0  }
0xc0: {  	[sflag:s10] =	ssyncadd.s32 $0xFFFFE000  }
0xc1: {  	[spmem:s2] =	stream.indirect.scatter.add.f32 [tilespmem:s8], [sflag:$0x3], $0x10, s15, s7, $0xb8;
	[tilespmem:$0xB780] =	vst v63  }
0xc2: {  	_ =	swait.ge [sflag:s6], $0x2000  }
0xc3: {  	[sflag:s6] =	ssyncset.done $0x0  }
0xc4: {  	[sflag:s6] =	ssyncadd.s32 $0xFFFFE000  }
0xc5: {  	[tilespmem:s8], [sflag:$0x2] =	stream.indirect.gather [hbm4b:s3+s7], $0x10, s14, s7, $0xb8;
	[tilespmem:$0xB780] =	vst v63  }
0xc6: {  	_ =	swait.ge [sflag:s11], $0x2000  }
0xc7: {  	[sflag:s11] =	ssyncset.done $0x0  }
0xc8: {  	[sflag:s11] =	ssyncadd.s32 $0xFFFFE000  }
0xc9: {  	[spmem:s2] =	stream.indirect.scatter.add.f32 [tilespmem:s9], [sflag:$0x3], $0x10, s13, s7, $0xb8;
	[tilespmem:$0xB780] =	vst v63  }
0xca: {  	_ =	swait.ge [sflag:s6], $0x2000  }
0xcb: {  	[sflag:s6] =	ssyncset.done $0x0  }
0xcc: {  	[sflag:s6] =	ssyncadd.s32 $0xFFFFE000  }
0xcd: {  	_ =	swait.ge [sflag:s10], $0x2000  }
0xce: {  	[sflag:s10] =	ssyncset.done $0x0  }
0xcf: {  	[sflag:s10] =	ssyncadd.s32 $0xFFFFE000  }
0xd0: {  	[spmem:s2] =	stream.indirect.scatter.add.f32 [tilespmem:s8], [sflag:$0x3], $0x10, s12, s7, $0xb8;
	[tilespmem:$0xB780] =	vst v63  }
0xd1: {  	_ =	swait.ge [sflag:s6], $0x2000  }
0xd2: {  	[sflag:s6] =	ssyncset.done $0x0  }
0xd3: {  	p1 =	sne.s32 s1, $0x1;
	[sflag:s6] =	ssyncadd.s32 $0xFFFFE000  }
.Ltmp1:
0xd4: {  	[bflag:$0x0] =	sbarrier.arrive $0xFFFF;
	(pc) =	sbr.rel @!p1 .LBB2_3-.Ltmp1, $4  }
0xd5: {  	s0 =	rddreg [dreg:$0x6]  }
0xd6: {  	[hbm:s0], [sflag:s4] =	dma.local [spmem:s5], $0x4F0  }
0xd7: {  	s1 =	sadd.s32 $0xFFFFFFFF, s1;
	_ =	swait.ge [sflag:s6], $0x4F0  }
0xd8: {  	p0 =	por $0x1, $0x1;
	s0 =	rddreg [dreg:$0x3];
	[sflag:s6] =	ssyncset.done $0x0  }
.LBB2_2:
0xd9: {  	[sflag:s6] =	ssyncadd.s32 $0xFFFFFB10  }
0xda: {  	[spmem:s5], [sflag:s4] =	dma.local [hbm:s0], $0x4F0  }
0xdb: {  	_ =	swait.ge [sflag:s6], $0x4F0  }
0xdc: {  	[sflag:s6] =	ssyncset.done $0x0  }
0xdd: {  	s0 =	rddreg [dreg:$0x4];
	[sflag:s6] =	ssyncadd.s32 $0xFFFFFB10  }
0xde: {  	[tilespmem:s30], [sflag:$0x3] =	stream.linear.gather [hbm4b:s0+s30], $0x2800, $0x38;
	[tilespmem:$0xB780] =	vst v63  }
0xdf: {  	_ =	swait.ge [sflag:s6], $0x2800  }
0xe0: {  	[sflag:s6] =	ssyncset.done $0x0  }
0xe1: {  	s0 =	rddreg [dreg:$0x5];
	[sflag:s6] =	ssyncadd.s32 $0xFFFFD800  }
0xe2: {  	[tilespmem:s31], [sflag:$0x3] =	stream.linear.gather [hbm4b:s0+s30], $0x2800, $0x38;
	[tilespmem:$0xB780] =	vst v63  }
0xe3: {  	_ =	swait.ge [sflag:s6], $0x2800  }
0xe4: {  	[sflag:s6] =	ssyncset.done $0x0  }
0xe5: {  	[sflag:s6] =	ssyncadd.s32 $0xFFFFD800  }
0xe6: {  	[bflag:$0x0] =	sbarrier.arrive $0xFFFF  }
0xe7: {  	[tilespmem:s9], [sflag:$0x1] =	stream.indirect.gather [hbm4b:s3+s7], $0x10, s30, s7, $0xb8;
	[tilespmem:$0xB780] =	vst v63  }
0xe8: {  	_ = 	snop  }
0xe9: {  	[tilespmem:s8], [sflag:$0x2] =	stream.indirect.gather [hbm4b:s3+s7], $0x10, s7, s7, $0xb8;
	[tilespmem:$0xB780] =	vst v63  }
0xea: {  	_ =	swait.ge [sflag:s11], $0x2000  }
0xeb: {  	[sflag:s11] =	ssyncset.done $0x0  }
0xec: {  	[sflag:s11] =	ssyncadd.s32 $0xFFFFE000  }
0xed: {  	[spmem:s2] =	stream.indirect.scatter.add.f32 [tilespmem:s9], [sflag:$0x3], $0x10, s31, s7, $0xb8;
	[tilespmem:$0xB780] =	vst v63  }
0xee: {  	_ =	swait.ge [sflag:s6], $0x2000  }
0xef: {  	[sflag:s6] =	ssyncset.done $0x0  }
0xf0: {  	s0 =	rddreg [dreg:$0x7];
	[sflag:s6] =	ssyncadd.s32 $0xFFFFE000  }
0xf1: {  	[tilespmem:s9], [sflag:$0x1] =	stream.indirect.gather [hbm4b:s3+s7], $0x10, s0, s7, $0xb8;
	[tilespmem:$0xB780] =	vst v63  }
0xf2: {  	_ =	swait.ge [sflag:s10], $0x2000  }
0xf3: {  	[sflag:s10] =	ssyncset.done $0x0  }
0xf4: {  	s0 =	rddreg [dreg:$0x8];
	[sflag:s10] =	ssyncadd.s32 $0xFFFFE000  }
0xf5: {  	[spmem:s2] =	stream.indirect.scatter.add.f32 [tilespmem:s8], [sflag:$0x3], $0x10, s0, s7, $0xb8;
	[tilespmem:$0xB780] =	vst v63  }
0xf6: {  	_ =	swait.ge [sflag:s6], $0x2000  }
0xf7: {  	[sflag:s6] =	ssyncset.done $0x0  }
0xf8: {  	s0 =	rddreg [dreg:$0x9];
	[sflag:s6] =	ssyncadd.s32 $0xFFFFE000  }
0xf9: {  	[tilespmem:s8], [sflag:$0x2] =	stream.indirect.gather [hbm4b:s3+s7], $0x10, s0, s7, $0xb8;
	[tilespmem:$0xB780] =	vst v63  }
0xfa: {  	_ =	swait.ge [sflag:s11], $0x2000  }
0xfb: {  	[sflag:s11] =	ssyncset.done $0x0  }
0xfc: {  	s0 =	rddreg [dreg:$0xa];
	[sflag:s11] =	ssyncadd.s32 $0xFFFFE000  }
0xfd: {  	[spmem:s2] =	stream.indirect.scatter.add.f32 [tilespmem:s9], [sflag:$0x3], $0x10, s0, s7, $0xb8;
	[tilespmem:$0xB780] =	vst v63  }
0xfe: {  	_ =	swait.ge [sflag:s6], $0x2000  }
0xff: {  	[sflag:s6] =	ssyncset.done $0x0  }
0x100: {  	s0 =	rddreg [dreg:$0xb];
	[sflag:s6] =	ssyncadd.s32 $0xFFFFE000  }
0x101: {  	[tilespmem:s9], [sflag:$0x1] =	stream.indirect.gather [hbm4b:s3+s7], $0x10, s0, s7, $0xb8;
	[tilespmem:$0xB780] =	vst v63  }
0x102: {  	_ =	swait.ge [sflag:s10], $0x2000  }
0x103: {  	[sflag:s10] =	ssyncset.done $0x0  }
0x104: {  	s0 =	rddreg [dreg:$0xc];
	[sflag:s10] =	ssyncadd.s32 $0xFFFFE000  }
0x105: {  	[spmem:s2] =	stream.indirect.scatter.add.f32 [tilespmem:s8], [sflag:$0x3], $0x10, s0, s7, $0xb8;
	[tilespmem:$0xB780] =	vst v63  }
0x106: {  	_ =	swait.ge [sflag:s6], $0x2000  }
0x107: {  	[sflag:s6] =	ssyncset.done $0x0  }
0x108: {  	s0 =	rddreg [dreg:$0xd];
	[sflag:s6] =	ssyncadd.s32 $0xFFFFE000  }
0x109: {  	[tilespmem:s8], [sflag:$0x2] =	stream.indirect.gather [hbm4b:s3+s7], $0x10, s0, s7, $0xb8;
	[tilespmem:$0xB780] =	vst v63  }
0x10a: {  	_ =	swait.ge [sflag:s11], $0x2000  }
0x10b: {  	[sflag:s11] =	ssyncset.done $0x0  }
0x10c: {  	s0 =	rddreg [dreg:$0xe];
	[sflag:s11] =	ssyncadd.s32 $0xFFFFE000  }
0x10d: {  	[spmem:s2] =	stream.indirect.scatter.add.f32 [tilespmem:s9], [sflag:$0x3], $0x10, s0, s7, $0xb8;
	[tilespmem:$0xB780] =	vst v63  }
0x10e: {  	_ =	swait.ge [sflag:s6], $0x2000  }
0x10f: {  	[sflag:s6] =	ssyncset.done $0x0  }
0x110: {  	s0 =	rddreg [dreg:$0xf];
	[sflag:s6] =	ssyncadd.s32 $0xFFFFE000  }
0x111: {  	[tilespmem:s9], [sflag:$0x1] =	stream.indirect.gather [hbm4b:s3+s7], $0x10, s0, s7, $0xb8;
	[tilespmem:$0xB780] =	vst v63  }
0x112: {  	_ =	swait.ge [sflag:s10], $0x2000  }
0x113: {  	[sflag:s10] =	ssyncset.done $0x0  }
0x114: {  	s0 =	rddreg [dreg:$0x10];
	[sflag:s10] =	ssyncadd.s32 $0xFFFFE000  }
0x115: {  	[spmem:s2] =	stream.indirect.scatter.add.f32 [tilespmem:s8], [sflag:$0x3], $0x10, s0, s7, $0xb8;
	[tilespmem:$0xB780] =	vst v63  }
0x116: {  	_ =	swait.ge [sflag:s6], $0x2000  }
0x117: {  	[sflag:s6] =	ssyncset.done $0x0  }
0x118: {  	s0 =	rddreg [dreg:$0x11];
	[sflag:s6] =	ssyncadd.s32 $0xFFFFE000  }
0x119: {  	[tilespmem:s8], [sflag:$0x2] =	stream.indirect.gather [hbm4b:s3+s7], $0x10, s0, s7, $0xb8;
	[tilespmem:$0xB780] =	vst v63  }
0x11a: {  	_ =	swait.ge [sflag:s11], $0x2000  }
0x11b: {  	[sflag:s11] =	ssyncset.done $0x0  }
0x11c: {  	s0 =	rddreg [dreg:$0x12];
	[sflag:s11] =	ssyncadd.s32 $0xFFFFE000  }
0x11d: {  	[spmem:s2] =	stream.indirect.scatter.add.f32 [tilespmem:s9], [sflag:$0x3], $0x10, s0, s7, $0xb8;
	[tilespmem:$0xB780] =	vst v63  }
0x11e: {  	_ =	swait.ge [sflag:s6], $0x2000  }
0x11f: {  	[sflag:s6] =	ssyncset.done $0x0  }
0x120: {  	s0 =	rddreg [dreg:$0x13];
	[sflag:s6] =	ssyncadd.s32 $0xFFFFE000  }
0x121: {  	[tilespmem:s9], [sflag:$0x1] =	stream.indirect.gather [hbm4b:s3+s7], $0x10, s0, s7, $0xb8;
	[tilespmem:$0xB780] =	vst v63  }
0x122: {  	_ =	swait.ge [sflag:s10], $0x2000  }
0x123: {  	[sflag:s10] =	ssyncset.done $0x0  }
0x124: {  	s0 =	rddreg [dreg:$0x14];
	[sflag:s10] =	ssyncadd.s32 $0xFFFFE000  }
0x125: {  	[spmem:s2] =	stream.indirect.scatter.add.f32 [tilespmem:s8], [sflag:$0x3], $0x10, s0, s7, $0xb8;
	[tilespmem:$0xB780] =	vst v63  }
0x126: {  	_ =	swait.ge [sflag:s6], $0x2000  }
0x127: {  	[sflag:s6] =	ssyncset.done $0x0  }
0x128: {  	s0 =	rddreg [dreg:$0x15];
	[sflag:s6] =	ssyncadd.s32 $0xFFFFE000  }
0x129: {  	[tilespmem:s8], [sflag:$0x2] =	stream.indirect.gather [hbm4b:s3+s7], $0x10, s0, s7, $0xb8;
	[tilespmem:$0xB780] =	vst v63  }
0x12a: {  	_ =	swait.ge [sflag:s11], $0x2000  }
0x12b: {  	[sflag:s11] =	ssyncset.done $0x0  }
0x12c: {  	s0 =	rddreg [dreg:$0x16];
	[sflag:s11] =	ssyncadd.s32 $0xFFFFE000  }
0x12d: {  	[spmem:s2] =	stream.indirect.scatter.add.f32 [tilespmem:s9], [sflag:$0x3], $0x10, s0, s7, $0xb8;
	[tilespmem:$0xB780] =	vst v63  }
0x12e: {  	_ =	swait.ge [sflag:s6], $0x2000  }
0x12f: {  	[sflag:s6] =	ssyncset.done $0x0  }
0x130: {  	s0 =	rddreg [dreg:$0x17];
	[sflag:s6] =	ssyncadd.s32 $0xFFFFE000  }
0x131: {  	[tilespmem:s9], [sflag:$0x1] =	stream.indirect.gather [hbm4b:s3+s7], $0x10, s0, s7, $0xb8;
	[tilespmem:$0xB780] =	vst v63  }
0x132: {  	_ =	swait.ge [sflag:s10], $0x2000  }
0x133: {  	[sflag:s10] =	ssyncset.done $0x0  }
0x134: {  	s0 =	rddreg [dreg:$0x18];
	[sflag:s10] =	ssyncadd.s32 $0xFFFFE000  }
0x135: {  	[spmem:s2] =	stream.indirect.scatter.add.f32 [tilespmem:s8], [sflag:$0x3], $0x10, s0, s7, $0xb8;
	[tilespmem:$0xB780] =	vst v63  }
0x136: {  	_ =	swait.ge [sflag:s6], $0x2000  }
0x137: {  	[sflag:s6] =	ssyncset.done $0x0  }
0x138: {  	s0 =	rddreg [dreg:$0x19];
	[sflag:s6] =	ssyncadd.s32 $0xFFFFE000  }
0x139: {  	[tilespmem:s8], [sflag:$0x2] =	stream.indirect.gather [hbm4b:s3+s7], $0x10, s0, s7, $0xb8;
	[tilespmem:$0xB780] =	vst v63  }
0x13a: {  	_ =	swait.ge [sflag:s11], $0x2000  }
0x13b: {  	[sflag:s11] =	ssyncset.done $0x0  }
0x13c: {  	s0 =	rddreg [dreg:$0x1a];
	[sflag:s11] =	ssyncadd.s32 $0xFFFFE000  }
0x13d: {  	[spmem:s2] =	stream.indirect.scatter.add.f32 [tilespmem:s9], [sflag:$0x3], $0x10, s0, s7, $0xb8;
	[tilespmem:$0xB780] =	vst v63  }
0x13e: {  	_ =	swait.ge [sflag:s6], $0x2000  }
0x13f: {  	[sflag:s6] =	ssyncset.done $0x0  }
0x140: {  	[sflag:s6] =	ssyncadd.s32 $0xFFFFE000  }
0x141: {  	[tilespmem:s9], [sflag:$0x1] =	stream.indirect.gather [hbm4b:s3+s7], $0x10, s29, s7, $0xb8;
	[tilespmem:$0xB780] =	vst v63  }
0x142: {  	_ =	swait.ge [sflag:s10], $0x2000  }
0x143: {  	[sflag:s10] =	ssyncset.done $0x0  }
0x144: {  	[sflag:s10] =	ssyncadd.s32 $0xFFFFE000  }
0x145: {  	[spmem:s2] =	stream.indirect.scatter.add.f32 [tilespmem:s8], [sflag:$0x3], $0x10, s28, s7, $0xb8;
	[tilespmem:$0xB780] =	vst v63  }
0x146: {  	_ =	swait.ge [sflag:s6], $0x2000  }
0x147: {  	[sflag:s6] =	ssyncset.done $0x0  }
0x148: {  	[sflag:s6] =	ssyncadd.s32 $0xFFFFE000  }
0x149: {  	[tilespmem:s8], [sflag:$0x2] =	stream.indirect.gather [hbm4b:s3+s7], $0x10, s26, s7, $0xb8;
	[tilespmem:$0xB780] =	vst v63  }
0x14a: {  	_ =	swait.ge [sflag:s11], $0x2000  }
0x14b: {  	[sflag:s11] =	ssyncset.done $0x0  }
0x14c: {  	[sflag:s11] =	ssyncadd.s32 $0xFFFFE000  }
0x14d: {  	[spmem:s2] =	stream.indirect.scatter.add.f32 [tilespmem:s9], [sflag:$0x3], $0x10, s25, s7, $0xb8;
	[tilespmem:$0xB780] =	vst v63  }
0x14e: {  	_ =	swait.ge [sflag:s6], $0x2000  }
0x14f: {  	[sflag:s6] =	ssyncset.done $0x0  }
0x150: {  	[sflag:s6] =	ssyncadd.s32 $0xFFFFE000  }
0x151: {  	[tilespmem:s9], [sflag:$0x1] =	stream.indirect.gather [hbm4b:s3+s7], $0x10, s24, s7, $0xb8;
	[tilespmem:$0xB780] =	vst v63  }
0x152: {  	_ =	swait.ge [sflag:s10], $0x2000  }
0x153: {  	[sflag:s10] =	ssyncset.done $0x0  }
0x154: {  	[sflag:s10] =	ssyncadd.s32 $0xFFFFE000  }
0x155: {  	[spmem:s2] =	stream.indirect.scatter.add.f32 [tilespmem:s8], [sflag:$0x3], $0x10, s23, s7, $0xb8;
	[tilespmem:$0xB780] =	vst v63  }
0x156: {  	_ =	swait.ge [sflag:s6], $0x2000  }
0x157: {  	[sflag:s6] =	ssyncset.done $0x0  }
0x158: {  	[sflag:s6] =	ssyncadd.s32 $0xFFFFE000  }
0x159: {  	[tilespmem:s8], [sflag:$0x2] =	stream.indirect.gather [hbm4b:s3+s7], $0x10, s22, s7, $0xb8;
	[tilespmem:$0xB780] =	vst v63  }
0x15a: {  	_ =	swait.ge [sflag:s11], $0x2000  }
0x15b: {  	[sflag:s11] =	ssyncset.done $0x0  }
0x15c: {  	[sflag:s11] =	ssyncadd.s32 $0xFFFFE000  }
0x15d: {  	[spmem:s2] =	stream.indirect.scatter.add.f32 [tilespmem:s9], [sflag:$0x3], $0x10, s21, s7, $0xb8;
	[tilespmem:$0xB780] =	vst v63  }
0x15e: {  	_ =	swait.ge [sflag:s6], $0x2000  }
0x15f: {  	[sflag:s6] =	ssyncset.done $0x0  }
0x160: {  	[sflag:s6] =	ssyncadd.s32 $0xFFFFE000  }
0x161: {  	[tilespmem:s9], [sflag:$0x1] =	stream.indirect.gather [hbm4b:s3+s7], $0x10, s20, s7, $0xb8;
	[tilespmem:$0xB780] =	vst v63  }
0x162: {  	_ =	swait.ge [sflag:s10], $0x2000  }
0x163: {  	[sflag:s10] =	ssyncset.done $0x0  }
0x164: {  	[sflag:s10] =	ssyncadd.s32 $0xFFFFE000  }
0x165: {  	[spmem:s2] =	stream.indirect.scatter.add.f32 [tilespmem:s8], [sflag:$0x3], $0x10, s19, s7, $0xb8;
	[tilespmem:$0xB780] =	vst v63  }
0x166: {  	_ =	swait.ge [sflag:s6], $0x2000  }
0x167: {  	[sflag:s6] =	ssyncset.done $0x0  }
0x168: {  	[sflag:s6] =	ssyncadd.s32 $0xFFFFE000  }
0x169: {  	[tilespmem:s8], [sflag:$0x2] =	stream.indirect.gather [hbm4b:s3+s7], $0x10, s17, s7, $0xb8;
	[tilespmem:$0xB780] =	vst v63  }
0x16a: {  	_ =	swait.ge [sflag:s11], $0x2000  }
0x16b: {  	[sflag:s11] =	ssyncset.done $0x0  }
0x16c: {  	[sflag:s11] =	ssyncadd.s32 $0xFFFFE000  }
0x16d: {  	[spmem:s2] =	stream.indirect.scatter.add.f32 [tilespmem:s9], [sflag:$0x3], $0x10, s18, s7, $0xb8;
	[tilespmem:$0xB780] =	vst v63  }
0x16e: {  	_ =	swait.ge [sflag:s6], $0x2000  }
0x16f: {  	[sflag:s6] =	ssyncset.done $0x0  }
0x170: {  	[sflag:s6] =	ssyncadd.s32 $0xFFFFE000  }
0x171: {  	[tilespmem:s9], [sflag:$0x1] =	stream.indirect.gather [hbm4b:s3+s7], $0x10, s16, s7, $0xb8;
	[tilespmem:$0xB780] =	vst v63  }
0x172: {  	_ =	swait.ge [sflag:s10], $0x2000  }
0x173: {  	[sflag:s10] =	ssyncset.done $0x0  }
0x174: {  	[sflag:s10] =	ssyncadd.s32 $0xFFFFE000  }
0x175: {  	[spmem:s2] =	stream.indirect.scatter.add.f32 [tilespmem:s8], [sflag:$0x3], $0x10, s15, s7, $0xb8;
	[tilespmem:$0xB780] =	vst v63  }
0x176: {  	_ =	swait.ge [sflag:s6], $0x2000  }
0x177: {  	[sflag:s6] =	ssyncset.done $0x0  }
0x178: {  	[sflag:s6] =	ssyncadd.s32 $0xFFFFE000  }
0x179: {  	[tilespmem:s8], [sflag:$0x2] =	stream.indirect.gather [hbm4b:s3+s7], $0x10, s14, s7, $0xb8;
	[tilespmem:$0xB780] =	vst v63  }
0x17a: {  	_ =	swait.ge [sflag:s11], $0x2000  }
0x17b: {  	[sflag:s11] =	ssyncset.done $0x0  }
0x17c: {  	[sflag:s11] =	ssyncadd.s32 $0xFFFFE000  }
0x17d: {  	[spmem:s2] =	stream.indirect.scatter.add.f32 [tilespmem:s9], [sflag:$0x3], $0x10, s13, s7, $0xb8;
	[tilespmem:$0xB780] =	vst v63  }
0x17e: {  	_ =	swait.ge [sflag:s6], $0x2000  }
0x17f: {  	[sflag:s6] =	ssyncset.done $0x0  }
0x180: {  	[sflag:s6] =	ssyncadd.s32 $0xFFFFE000  }
0x181: {  	_ =	swait.ge [sflag:s10], $0x2000  }
0x182: {  	[sflag:s10] =	ssyncset.done $0x0  }
0x183: {  	[sflag:s10] =	ssyncadd.s32 $0xFFFFE000  }
0x184: {  	[spmem:s2] =	stream.indirect.scatter.add.f32 [tilespmem:s8], [sflag:$0x3], $0x10, s12, s7, $0xb8;
	[tilespmem:$0xB780] =	vst v63  }
0x185: {  	_ =	swait.ge [sflag:s6], $0x2000  }
0x186: {  	[sflag:s6] =	ssyncset.done $0x0  }
0x187: {  	p1 =	sne.s32 s1, $0x1;
	[sflag:s6] =	ssyncadd.s32 $0xFFFFE000  }
.Ltmp2:
0x188: {  	[bflag:$0x0] =	sbarrier.arrive $0xFFFF;
	(pc) =	sbr.rel @p1 .LBB2_2-.Ltmp2, $4  }
0x189: {  	s0 =	rddreg [dreg:$0x6]  }
0x18a: {  	[hbm:s0], [sflag:s4] =	dma.local [spmem:s5], $0x4F0  }
0x18b: {  	_ =	swait.ge [sflag:s6], $0x4F0  }
0x18c: {  	s1 =	sadd.s32 $0xFFFFFFFF, s1;
	s0 =	rddreg [dreg:$0x3];
	[sflag:s6] =	ssyncset.done $0x0  }
.LBB2_3:
0x18d: {  	[sflag:s6] =	ssyncadd.s32 @p0 $0xFFFFFB10  }
0x18e: {  	[spmem:s5], [sflag:s4] =	dma.local [hbm:s0], $0x4F0  }
0x18f: {  	_ =	swait.ge [sflag:s6], $0x4F0  }
0x190: {  	[sflag:s6] =	ssyncset.done $0x0  }
0x191: {  	s1 =	rddreg [dreg:$0x4];
	[sflag:s6] =	ssyncadd.s32 $0xFFFFFB10  }
0x192: {  	[tilespmem:s30], [sflag:$0x3] =	stream.linear.gather [hbm4b:s1+s30], $0x2800, $0x38;
	[tilespmem:$0xB780] =	vst v63  }
0x193: {  	_ =	swait.ge [sflag:s6], $0x2800  }
0x194: {  	[sflag:s6] =	ssyncset.done $0x0  }
0x195: {  	s1 =	rddreg [dreg:$0x5];
	[sflag:s6] =	ssyncadd.s32 $0xFFFFD800  }
0x196: {  	[tilespmem:s31], [sflag:$0x3] =	stream.linear.gather [hbm4b:s1+s30], $0x2800, $0x38;
	[tilespmem:$0xB780] =	vst v63  }
0x197: {  	_ =	swait.ge [sflag:s6], $0x2800  }
0x198: {  	[sflag:s6] =	ssyncset.done $0x0  }
0x199: {  	[sflag:s6] =	ssyncadd.s32 $0xFFFFD800  }
0x19a: {  	[bflag:$0x0] =	sbarrier.arrive $0xFFFF  }
0x19b: {  	[tilespmem:s9], [sflag:$0x1] =	stream.indirect.gather [hbm4b:s3+s7], $0x10, s30, s7, $0xb8;
	[tilespmem:$0xB780] =	vst v63  }
0x19c: {  	_ = 	snop  }
0x19d: {  	[tilespmem:s8], [sflag:$0x2] =	stream.indirect.gather [hbm4b:s3+s7], $0x10, s7, s7, $0xb8;
	[tilespmem:$0xB780] =	vst v63  }
0x19e: {  	_ =	swait.ge [sflag:s11], $0x2000  }
0x19f: {  	[sflag:s11] =	ssyncset.done $0x0  }
0x1a0: {  	[sflag:s11] =	ssyncadd.s32 $0xFFFFE000  }
0x1a1: {  	[spmem:s2] =	stream.indirect.scatter.add.f32 [tilespmem:s9], [sflag:$0x3], $0x10, s31, s7, $0xb8;
	[tilespmem:$0xB780] =	vst v63  }
0x1a2: {  	_ =	swait.ge [sflag:s6], $0x2000  }
0x1a3: {  	[sflag:s6] =	ssyncset.done $0x0  }
0x1a4: {  	s31 =	rddreg [dreg:$0x7];
	[sflag:s6] =	ssyncadd.s32 $0xFFFFE000  }
0x1a5: {  	[tilespmem:s9], [sflag:$0x1] =	stream.indirect.gather [hbm4b:s3+s7], $0x10, s31, s7, $0xb8;
	[tilespmem:$0xB780] =	vst v63  }
0x1a6: {  	_ =	swait.ge [sflag:s10], $0x2000  }
0x1a7: {  	[sflag:s10] =	ssyncset.done $0x0  }
0x1a8: {  	s1 =	rddreg [dreg:$0x8];
	[sflag:s10] =	ssyncadd.s32 $0xFFFFE000  }
0x1a9: {  	[spmem:s2] =	stream.indirect.scatter.add.f32 [tilespmem:s8], [sflag:$0x3], $0x10, s1, s7, $0xb8;
	[tilespmem:$0xB780] =	vst v63  }
0x1aa: {  	_ =	swait.ge [sflag:s6], $0x2000  }
0x1ab: {  	[sflag:s6] =	ssyncset.done $0x0  }
0x1ac: {  	s30 =	rddreg [dreg:$0x9];
	[sflag:s6] =	ssyncadd.s32 $0xFFFFE000  }
0x1ad: {  	[tilespmem:s8], [sflag:$0x2] =	stream.indirect.gather [hbm4b:s3+s7], $0x10, s30, s7, $0xb8;
	[tilespmem:$0xB780] =	vst v63  }
0x1ae: {  	_ =	swait.ge [sflag:s11], $0x2000  }
0x1af: {  	[sflag:s11] =	ssyncset.done $0x0  }
0x1b0: {  	s31 =	rddreg [dreg:$0xa];
	[sflag:s11] =	ssyncadd.s32 $0xFFFFE000  }
0x1b1: {  	[spmem:s2] =	stream.indirect.scatter.add.f32 [tilespmem:s9], [sflag:$0x3], $0x10, s31, s7, $0xb8;
	[tilespmem:$0xB780] =	vst v63  }
0x1b2: {  	_ =	swait.ge [sflag:s6], $0x2000  }
0x1b3: {  	[sflag:s6] =	ssyncset.done $0x0  }
0x1b4: {  	s1 =	rddreg [dreg:$0xb];
	[sflag:s6] =	ssyncadd.s32 $0xFFFFE000  }
0x1b5: {  	[tilespmem:s9], [sflag:$0x1] =	stream.indirect.gather [hbm4b:s3+s7], $0x10, s1, s7, $0xb8;
	[tilespmem:$0xB780] =	vst v63  }
0x1b6: {  	_ =	swait.ge [sflag:s10], $0x2000  }
0x1b7: {  	[sflag:s10] =	ssyncset.done $0x0  }
0x1b8: {  	s30 =	rddreg [dreg:$0xc];
	[sflag:s10] =	ssyncadd.s32 $0xFFFFE000  }
0x1b9: {  	[spmem:s2] =	stream.indirect.scatter.add.f32 [tilespmem:s8], [sflag:$0x3], $0x10, s30, s7, $0xb8;
	[tilespmem:$0xB780] =	vst v63  }
0x1ba: {  	_ =	swait.ge [sflag:s6], $0x2000  }
0x1bb: {  	[sflag:s6] =	ssyncset.done $0x0  }
0x1bc: {  	s31 =	rddreg [dreg:$0xd];
	[sflag:s6] =	ssyncadd.s32 $0xFFFFE000  }
0x1bd: {  	[tilespmem:s8], [sflag:$0x2] =	stream.indirect.gather [hbm4b:s3+s7], $0x10, s31, s7, $0xb8;
	[tilespmem:$0xB780] =	vst v63  }
0x1be: {  	_ =	swait.ge [sflag:s11], $0x2000  }
0x1bf: {  	[sflag:s11] =	ssyncset.done $0x0  }
0x1c0: {  	s1 =	rddreg [dreg:$0xe];
	[sflag:s11] =	ssyncadd.s32 $0xFFFFE000  }
0x1c1: {  	[spmem:s2] =	stream.indirect.scatter.add.f32 [tilespmem:s9], [sflag:$0x3], $0x10, s1, s7, $0xb8;
	[tilespmem:$0xB780] =	vst v63  }
0x1c2: {  	_ =	swait.ge [sflag:s6], $0x2000  }
0x1c3: {  	[sflag:s6] =	ssyncset.done $0x0  }
0x1c4: {  	s30 =	rddreg [dreg:$0xf];
	[sflag:s6] =	ssyncadd.s32 $0xFFFFE000  }
0x1c5: {  	[tilespmem:s9], [sflag:$0x1] =	stream.indirect.gather [hbm4b:s3+s7], $0x10, s30, s7, $0xb8;
	[tilespmem:$0xB780] =	vst v63  }
0x1c6: {  	_ =	swait.ge [sflag:s10], $0x2000  }
0x1c7: {  	[sflag:s10] =	ssyncset.done $0x0  }
0x1c8: {  	s31 =	rddreg [dreg:$0x10];
	[sflag:s10] =	ssyncadd.s32 $0xFFFFE000  }
0x1c9: {  	[spmem:s2] =	stream.indirect.scatter.add.f32 [tilespmem:s8], [sflag:$0x3], $0x10, s31, s7, $0xb8;
	[tilespmem:$0xB780] =	vst v63  }
0x1ca: {  	_ =	swait.ge [sflag:s6], $0x2000  }
0x1cb: {  	[sflag:s6] =	ssyncset.done $0x0  }
0x1cc: {  	s1 =	rddreg [dreg:$0x11];
	[sflag:s6] =	ssyncadd.s32 $0xFFFFE000  }
0x1cd: {  	[tilespmem:s8], [sflag:$0x2] =	stream.indirect.gather [hbm4b:s3+s7], $0x10, s1, s7, $0xb8;
	[tilespmem:$0xB780] =	vst v63  }
0x1ce: {  	_ =	swait.ge [sflag:s11], $0x2000  }
0x1cf: {  	[sflag:s11] =	ssyncset.done $0x0  }
0x1d0: {  	s30 =	rddreg [dreg:$0x12];
	[sflag:s11] =	ssyncadd.s32 $0xFFFFE000  }
0x1d1: {  	[spmem:s2] =	stream.indirect.scatter.add.f32 [tilespmem:s9], [sflag:$0x3], $0x10, s30, s7, $0xb8;
	[tilespmem:$0xB780] =	vst v63  }
0x1d2: {  	_ =	swait.ge [sflag:s6], $0x2000  }
0x1d3: {  	[sflag:s6] =	ssyncset.done $0x0  }
0x1d4: {  	s31 =	rddreg [dreg:$0x13];
	[sflag:s6] =	ssyncadd.s32 $0xFFFFE000  }
0x1d5: {  	[tilespmem:s9], [sflag:$0x1] =	stream.indirect.gather [hbm4b:s3+s7], $0x10, s31, s7, $0xb8;
	[tilespmem:$0xB780] =	vst v63  }
0x1d6: {  	_ =	swait.ge [sflag:s10], $0x2000  }
0x1d7: {  	[sflag:s10] =	ssyncset.done $0x0  }
0x1d8: {  	s1 =	rddreg [dreg:$0x14];
	[sflag:s10] =	ssyncadd.s32 $0xFFFFE000  }
0x1d9: {  	[spmem:s2] =	stream.indirect.scatter.add.f32 [tilespmem:s8], [sflag:$0x3], $0x10, s1, s7, $0xb8;
	[tilespmem:$0xB780] =	vst v63  }
0x1da: {  	_ =	swait.ge [sflag:s6], $0x2000  }
0x1db: {  	[sflag:s6] =	ssyncset.done $0x0  }
0x1dc: {  	s30 =	rddreg [dreg:$0x15];
	[sflag:s6] =	ssyncadd.s32 $0xFFFFE000  }
0x1dd: {  	[tilespmem:s8], [sflag:$0x2] =	stream.indirect.gather [hbm4b:s3+s7], $0x10, s30, s7, $0xb8;
	[tilespmem:$0xB780] =	vst v63  }
0x1de: {  	_ =	swait.ge [sflag:s11], $0x2000  }
0x1df: {  	[sflag:s11] =	ssyncset.done $0x0  }
0x1e0: {  	s31 =	rddreg [dreg:$0x16];
	[sflag:s11] =	ssyncadd.s32 $0xFFFFE000  }
0x1e1: {  	[spmem:s2] =	stream.indirect.scatter.add.f32 [tilespmem:s9], [sflag:$0x3], $0x10, s31, s7, $0xb8;
	[tilespmem:$0xB780] =	vst v63  }
0x1e2: {  	_ =	swait.ge [sflag:s6], $0x2000  }
0x1e3: {  	[sflag:s6] =	ssyncset.done $0x0  }
0x1e4: {  	s1 =	rddreg [dreg:$0x17];
	[sflag:s6] =	ssyncadd.s32 $0xFFFFE000  }
0x1e5: {  	[tilespmem:s9], [sflag:$0x1] =	stream.indirect.gather [hbm4b:s3+s7], $0x10, s1, s7, $0xb8;
	[tilespmem:$0xB780] =	vst v63  }
0x1e6: {  	_ =	swait.ge [sflag:s10], $0x2000  }
0x1e7: {  	[sflag:s10] =	ssyncset.done $0x0  }
0x1e8: {  	s30 =	rddreg [dreg:$0x18];
	[sflag:s10] =	ssyncadd.s32 $0xFFFFE000  }
0x1e9: {  	[spmem:s2] =	stream.indirect.scatter.add.f32 [tilespmem:s8], [sflag:$0x3], $0x10, s30, s7, $0xb8;
	[tilespmem:$0xB780] =	vst v63  }
0x1ea: {  	_ =	swait.ge [sflag:s6], $0x2000  }
0x1eb: {  	[sflag:s6] =	ssyncset.done $0x0  }
0x1ec: {  	s31 =	rddreg [dreg:$0x19];
	[sflag:s6] =	ssyncadd.s32 $0xFFFFE000  }
0x1ed: {  	[tilespmem:s8], [sflag:$0x2] =	stream.indirect.gather [hbm4b:s3+s7], $0x10, s31, s7, $0xb8;
	[tilespmem:$0xB780] =	vst v63  }
0x1ee: {  	_ =	swait.ge [sflag:s11], $0x2000  }
0x1ef: {  	[sflag:s11] =	ssyncset.done $0x0  }
0x1f0: {  	s1 =	rddreg [dreg:$0x1a];
	[sflag:s11] =	ssyncadd.s32 $0xFFFFE000  }
0x1f1: {  	[spmem:s2] =	stream.indirect.scatter.add.f32 [tilespmem:s9], [sflag:$0x3], $0x10, s1, s7, $0xb8;
	[tilespmem:$0xB780] =	vst v63  }
0x1f2: {  	_ =	swait.ge [sflag:s6], $0x2000  }
0x1f3: {  	[sflag:s6] =	ssyncset.done $0x0  }
0x1f4: {  	[sflag:s6] =	ssyncadd.s32 $0xFFFFE000  }
0x1f5: {  	[tilespmem:s9], [sflag:$0x1] =	stream.indirect.gather [hbm4b:s3+s7], $0x10, s29, s7, $0xb8;
	[tilespmem:$0xB780] =	vst v63  }
0x1f6: {  	_ =	swait.ge [sflag:s10], $0x2000  }
0x1f7: {  	[sflag:s10] =	ssyncset.done $0x0  }
0x1f8: {  	[sflag:s10] =	ssyncadd.s32 $0xFFFFE000  }
0x1f9: {  	[spmem:s2] =	stream.indirect.scatter.add.f32 [tilespmem:s8], [sflag:$0x3], $0x10, s28, s7, $0xb8;
	[tilespmem:$0xB780] =	vst v63  }
0x1fa: {  	_ =	swait.ge [sflag:s6], $0x2000  }
0x1fb: {  	[sflag:s6] =	ssyncset.done $0x0  }
0x1fc: {  	[sflag:s6] =	ssyncadd.s32 $0xFFFFE000  }
0x1fd: {  	[tilespmem:s8], [sflag:$0x2] =	stream.indirect.gather [hbm4b:s3+s7], $0x10, s26, s7, $0xb8;
	[tilespmem:$0xB780] =	vst v63  }
0x1fe: {  	_ =	swait.ge [sflag:s11], $0x2000  }
0x1ff: {  	[sflag:s11] =	ssyncset.done $0x0  }
0x200: {  	[sflag:s11] =	ssyncadd.s32 $0xFFFFE000  }
0x201: {  	[spmem:s2] =	stream.indirect.scatter.add.f32 [tilespmem:s9], [sflag:$0x3], $0x10, s25, s7, $0xb8;
	[tilespmem:$0xB780] =	vst v63  }
0x202: {  	_ =	swait.ge [sflag:s6], $0x2000  }
0x203: {  	[sflag:s6] =	ssyncset.done $0x0  }
0x204: {  	[sflag:s6] =	ssyncadd.s32 $0xFFFFE000  }
0x205: {  	[tilespmem:s9], [sflag:$0x1] =	stream.indirect.gather [hbm4b:s3+s7], $0x10, s24, s7, $0xb8;
	[tilespmem:$0xB780] =	vst v63  }
0x206: {  	_ =	swait.ge [sflag:s10], $0x2000  }
0x207: {  	[sflag:s10] =	ssyncset.done $0x0  }
0x208: {  	[sflag:s10] =	ssyncadd.s32 $0xFFFFE000  }
0x209: {  	[spmem:s2] =	stream.indirect.scatter.add.f32 [tilespmem:s8], [sflag:$0x3], $0x10, s23, s7, $0xb8;
	[tilespmem:$0xB780] =	vst v63  }
0x20a: {  	_ =	swait.ge [sflag:s6], $0x2000  }
0x20b: {  	[sflag:s6] =	ssyncset.done $0x0  }
0x20c: {  	[sflag:s6] =	ssyncadd.s32 $0xFFFFE000  }
0x20d: {  	[tilespmem:s8], [sflag:$0x2] =	stream.indirect.gather [hbm4b:s3+s7], $0x10, s22, s7, $0xb8;
	[tilespmem:$0xB780] =	vst v63  }
0x20e: {  	_ =	swait.ge [sflag:s11], $0x2000  }
0x20f: {  	[sflag:s11] =	ssyncset.done $0x0  }
0x210: {  	[sflag:s11] =	ssyncadd.s32 $0xFFFFE000  }
0x211: {  	[spmem:s2] =	stream.indirect.scatter.add.f32 [tilespmem:s9], [sflag:$0x3], $0x10, s21, s7, $0xb8;
	[tilespmem:$0xB780] =	vst v63  }
0x212: {  	_ =	swait.ge [sflag:s6], $0x2000  }
0x213: {  	[sflag:s6] =	ssyncset.done $0x0  }
0x214: {  	[sflag:s6] =	ssyncadd.s32 $0xFFFFE000  }
0x215: {  	[tilespmem:s9], [sflag:$0x1] =	stream.indirect.gather [hbm4b:s3+s7], $0x10, s20, s7, $0xb8;
	[tilespmem:$0xB780] =	vst v63  }
0x216: {  	_ =	swait.ge [sflag:s10], $0x2000  }
0x217: {  	[sflag:s10] =	ssyncset.done $0x0  }
0x218: {  	[sflag:s10] =	ssyncadd.s32 $0xFFFFE000  }
0x219: {  	[spmem:s2] =	stream.indirect.scatter.add.f32 [tilespmem:s8], [sflag:$0x3], $0x10, s19, s7, $0xb8;
	[tilespmem:$0xB780] =	vst v63  }
0x21a: {  	_ =	swait.ge [sflag:s6], $0x2000  }
0x21b: {  	[sflag:s6] =	ssyncset.done $0x0  }
0x21c: {  	[sflag:s6] =	ssyncadd.s32 $0xFFFFE000  }
0x21d: {  	[tilespmem:s8], [sflag:$0x2] =	stream.indirect.gather [hbm4b:s3+s7], $0x10, s17, s7, $0xb8;
	[tilespmem:$0xB780] =	vst v63  }
0x21e: {  	_ =	swait.ge [sflag:s11], $0x2000  }
0x21f: {  	[sflag:s11] =	ssyncset.done $0x0  }
0x220: {  	[sflag:s11] =	ssyncadd.s32 $0xFFFFE000  }
0x221: {  	[spmem:s2] =	stream.indirect.scatter.add.f32 [tilespmem:s9], [sflag:$0x3], $0x10, s18, s7, $0xb8;
	[tilespmem:$0xB780] =	vst v63  }
0x222: {  	_ =	swait.ge [sflag:s6], $0x2000  }
0x223: {  	[sflag:s6] =	ssyncset.done $0x0  }
0x224: {  	[sflag:s6] =	ssyncadd.s32 $0xFFFFE000  }
0x225: {  	[tilespmem:s9], [sflag:$0x1] =	stream.indirect.gather [hbm4b:s3+s7], $0x10, s16, s7, $0xb8;
	[tilespmem:$0xB780] =	vst v63  }
0x226: {  	_ =	swait.ge [sflag:s10], $0x2000  }
0x227: {  	[sflag:s10] =	ssyncset.done $0x0  }
0x228: {  	[sflag:s10] =	ssyncadd.s32 $0xFFFFE000  }
0x229: {  	[spmem:s2] =	stream.indirect.scatter.add.f32 [tilespmem:s8], [sflag:$0x3], $0x10, s15, s7, $0xb8;
	[tilespmem:$0xB780] =	vst v63  }
0x22a: {  	_ =	swait.ge [sflag:s6], $0x2000  }
0x22b: {  	[sflag:s6] =	ssyncset.done $0x0  }
0x22c: {  	[sflag:s6] =	ssyncadd.s32 $0xFFFFE000  }
0x22d: {  	[tilespmem:s8], [sflag:$0x2] =	stream.indirect.gather [hbm4b:s3+s7], $0x10, s14, s7, $0xb8;
	[tilespmem:$0xB780] =	vst v63  }
0x22e: {  	_ =	swait.ge [sflag:s11], $0x2000  }
0x22f: {  	[sflag:s11] =	ssyncset.done $0x0  }
0x230: {  	[sflag:s11] =	ssyncadd.s32 $0xFFFFE000  }
0x231: {  	[spmem:s2] =	stream.indirect.scatter.add.f32 [tilespmem:s9], [sflag:$0x3], $0x10, s13, s7, $0xb8;
	[tilespmem:$0xB780] =	vst v63  }
0x232: {  	_ =	swait.ge [sflag:s6], $0x2000  }
0x233: {  	[sflag:s6] =	ssyncset.done $0x0  }
0x234: {  	[sflag:s6] =	ssyncadd.s32 $0xFFFFE000  }
0x235: {  	_ =	swait.ge [sflag:s10], $0x2000  }
0x236: {  	[sflag:s10] =	ssyncset.done $0x0  }
0x237: {  	[sflag:s10] =	ssyncadd.s32 $0xFFFFE000  }
0x238: {  	[spmem:s2] =	stream.indirect.scatter.add.f32 [tilespmem:s8], [sflag:$0x3], $0x10, s12, s7, $0xb8;
	[tilespmem:$0xB780] =	vst v63  }
0x239: {  	_ =	swait.ge [sflag:s6], $0x2000  }
0x23a: {  	[sflag:s6] =	ssyncset.done $0x0  }
0x23b: {  	[sflag:s6] =	ssyncadd.s32 $0xFFFFE000  }
0x23c: {  	[bflag:$0x0] =	sbarrier.arrive $0xFFFF  }
0x23d: {  	s30 =	rddreg [dreg:$0x6]  }
0x23e: {  	[hbm:s30], [sflag:s4] =	dma.local [spmem:s5], $0x4F0  }
0x23f: {  	_ =	swait.ge [sflag:s6], $0x4F0  }
0x240: {  	[sflag:s6] =	ssyncset.done $0x0  }
0x241: {  	[sflag:s6] =	ssyncadd.s32 $0xFFFFFB10  }
0x242: {  	_ =	sfence.sel $0x180000  }
0x243: {  	[bflag:$0x0] =	sbarrier.arrive $0xFFFF  }
0x244: {  	_ =	strace $0x9000004A  }
0x245: {  	s31 =	stileid.u32;
	[bflag:$0x2] =	sbarrier.arrive $0xFFFF  }
0x246: {  	p0 =	sne.s32 s31, $0x0;
	s0 =	rddreg [dreg:$0x2]  }
0x247: {  	s0 =	sadd.s32 @!p0 $0x100000, s0  }
0x248: {  	[sflag:s0] =	ssyncadd.tile.s32 @!p0 $0x1;
	_ =	shalt  }
.Lfunc_end2:
_tile_overlayer_lowered:
.L_overlay_start_2:
0x249: {  	(tag) =	ssettag $0x2  }
0x24a: {  	s0 =	rddreg [dreg:$0x0];
	s2 =	stileid.u32  }
0x24b: {  	s1 =	rddreg [dreg:$0x1];
	p0 =	sne.s32 s2, $0x0  }
0x24c: {  	s3 =	rddreg [dreg:$0x2];
	[bflag:$0x3] =	sbarrier.arrive $0xFFFF;
	s2 =	simm.s32 @!p0 $0x1C03  }
0x24d: {  	[timem:s3], [sflag:s2] =	dma.local @!p0 [hbm:s0], s1  }
0x24e: {  	s0 =	simm.s32 @!p0 $0x3  }
0x24f: {  	_ =	swait.ge @!p0 [sflag:s0], s1  }
0x250: {  	s1 =	ssub.s32 @!p0 $0x0, s1;
	[sflag:s0] =	ssyncset.done @!p0 $0x0  }
0x251: {  	[sflag:s0] =	ssyncadd.s32 @!p0 s1  }
0x252: {  	[bflag:$0x3] =	sbarrier.arrive $0xFFFF  }
0x253: {  	_ =	shalt  }

// kernel: kernel.16.cloned.1.call-start
scs
__scs_entry_jumppad:
0x0: {  	(pc) =	sbr.rel $0x88, $3  }
0x1: {  	(tag) =	ssettag $0x0;
	lr =	simm.s32 $0x1  }
0x2: {  	[smem:$0x3F96] =	sst lr;
	_ =	strace $0xD0000000  }
0x3: {  	_ = 	snop  }
0x4: {  	_ = 	snop  }
0x5: {  	_ = 	snop  }
0x6: {  	_ = 	snop  }
0x7: {  	_ = 	snop  }
__scs_overlays_trampoline_lowered:
0x8: {  	[smem:$0x3FA5] =	sst s0  }
0x9: {  	[smem:$0x3FA6] =	sst s1  }
0xa: {  	[smem:$0x3FA7] =	sst s2  }
0xb: {  	[smem:$0x3FA8] =	sst s3  }
0xc: {  	[smem:$0x3FA9] =	sst s4  }
0xd: {  	[smem:$0x3FAA] =	sst s5  }
0xe: {  	[smem:$0x3FAB] =	sst s6  }
0xf: {  	[smem:$0x3FAC] =	sst s7  }
0x10: {  	[smem:$0x3FAD] =	sst s8  }
0x11: {  	[smem:$0x3FAE] =	sst s9;
	s0 =	simm.s32 @!p0 $0x0  }
0x12: {  	s1 =	sld [smem:$0x3F94];
	s0 =	simm.s32 @p0 $0x1  }
0x13: {  	[smem:$0x3FAF] =	sst s0;
	s0 =	simm.s32 @!p1 $0x0  }
0x14: {  	s2 =	sld [smem:$0x3F93];
	s0 =	simm.s32 @p1 $0x1  }
0x15: {  	[smem:$0x3FB0] =	sst s0;
	s0 =	simm.s32 @!p2 $0x0  }
0x16: {  	s3 =	sld [smem:$0x3FDB];
	s0 =	simm.s32 @p2 $0x1  }
0x17: {  	s4 =	simm.s32 $0x1BF5;
	[smem:$0x3FB2] =	sst s0  }
0x18: {  	s0 =	sld [smem:$0x3F95];
	_ =	swait.ge [sflag:s4], $0x0  }
0x19: {  	s7 =	sld [smem:$0x3F96]  }
0x1a: {  	s8 =	sadd.s32 $0xFFFFE003, lr  }
0x1b: {  	s9 =	sadd.s32 $0xFFFFFEF7, lr;
	s5 =	simm.s32 $0xFFFFFFFF;
	p2 =	slt.u32 s8, $0xFFFFF086  }
0x1c: {  	p1 =	slt.u32 s9, $0xF7A;
	s5 =	simm.s32 @!p2 $0x0  }
0x1d: {  	s5 =	simm.s32 @p1 $0x1;
	p0 =	seq.s32 s7, s2  }
0x1e: {  	s7 =	smul.u32 @!p0 $0xF7A, s2;
	p2 =	seq.s32 @!p0 s5, $0x0  }
0x1f: {  	s9 =	smul.u32 $0xF7A, s1;
	s8 =	simm.s32 @!p0 $0x1BF5;
	p2 =	por !p2, p0  }
0x20: {  	[sflag:s8] =	ssyncset.s32 @!p0 $0xFFFFF086;
	s6 =	sadd.s32 @!p0 s3, s7;
	s7 =	simm.s32 @!p0 $0x108  }
0x21: {  	s3 =	sadd.s32 s3, s9;
	s6 =	sadd.s32 @!p0 $0x88, s6;
	s7 =	simm.s32 @p2 $0x1082  }
0x22: {  	[simem:s7], [sflag:s8] =	dma.local @!p0 [hbm:s6], $0xF7A  }
0x23: {  	s9 =	sor.u32 $0xD0000000, s2;
	s6 =	simm.s32 $0x108;
	_ =	swait.ge @!p0 [sflag:s8], $0x0  }
0x24: {  	s3 =	sadd.s32 $0x88, s3;
	s6 =	simm.s32 @!p1 $0x1082;
	[sflag:s4] =	ssyncset.s32 $0xFFFFF086  }
0x25: {  	[simem:s6], [sflag:s4] =	dma.local [hbm:s3], $0xF7A  }
0x26: {  	[smem:$0x3F96] =	sst s1;
	(tag) =	ssettag s2;
	_ =	strace s9  }
0x27: {  	s1 =	sld [smem:$0x3FA6]  }
0x28: {  	s2 =	sld [smem:$0x3FA7]  }
0x29: {  	s4 =	sld [smem:$0x3FA9]  }
0x2a: {  	p0 =	seq.s32 s5, $0x0;
	s5 =	sld [smem:$0x3FAA]  }
0x2b: {  	s6 =	sld [smem:$0x3FAB]  }
0x2c: {  	s7 =	sld [smem:$0x3FAC]  }
0x2d: {  	s3 =	simm.s32 $0x108;
	s8 =	sld [smem:$0x3FAD]  }
0x2e: {  	s3 =	simm.s32 @!p0 $0x1082;
	s9 =	sld [smem:$0x3FAE]  }
0x2f: {  	lr =	sadd.s32 s0, s3;
	s0 =	sld [smem:$0x3FA5]  }
0x30: {  	s3 =	sld [smem:$0x3FA8]  }
0x31: {  	[smem:$0x3FB1] =	sst s10  }
0x32: {  	s10 =	sld [smem:$0x3FAF];
	_ =	sdelay $0x3  }
0x33: {  	p0 =	seq.s32 s10, $0x1;
	s10 =	sld [smem:$0x3FB1];
	_ =	sdelay $0x3  }
0x34: {  	[smem:$0x3FB1] =	sst s10  }
0x35: {  	s10 =	sld [smem:$0x3FB0];
	_ =	sdelay $0x3  }
0x36: {  	p1 =	seq.s32 s10, $0x1;
	s10 =	sld [smem:$0x3FB1];
	_ =	sdelay $0x3  }
0x37: {  	[smem:$0x3FB1] =	sst s10  }
0x38: {  	s10 =	sld [smem:$0x3FB2]  }
0x39: {  	_ = 	snop;
	(pc) =	sbr.ind lr, $3  }
0x3a: {  	_ = 	snop  }
0x3b: {  	_ = 	snop  }
0x3c: {  	p2 =	seq.s32 s10, $0x1;
	s10 =	sld [smem:$0x3FB1]  }
0x3d: {  	_ =	shalt  }
0x3e: {  	_ =	shalt  }
0x3f: {  	_ =	shalt  }
0x40: {  	_ =	shalt  }
0x41: {  	_ =	shalt  }
0x42: {  	_ =	shalt  }
0x43: {  	_ =	shalt  }
0x44: {  	_ =	shalt  }
0x45: {  	_ =	shalt  }
0x46: {  	_ =	shalt  }
0x47: {  	_ =	shalt  }
0x48: {  	_ =	shalt  }
0x49: {  	_ =	shalt  }
0x4a: {  	_ =	shalt  }
0x4b: {  	_ =	shalt  }
0x4c: {  	_ =	shalt  }
0x4d: {  	_ =	shalt  }
0x4e: {  	_ =	shalt  }
0x4f: {  	_ =	shalt  }
0x50: {  	_ =	shalt  }
0x51: {  	_ =	shalt  }
0x52: {  	_ =	shalt  }
0x53: {  	_ =	shalt  }
0x54: {  	_ =	shalt  }
0x55: {  	_ =	shalt  }
0x56: {  	_ =	shalt  }
0x57: {  	_ =	shalt  }
0x58: {  	_ =	shalt  }
0x59: {  	_ =	shalt  }
0x5a: {  	_ =	shalt  }
0x5b: {  	_ =	shalt  }
0x5c: {  	_ =	shalt  }
0x5d: {  	_ =	shalt  }
0x5e: {  	_ =	shalt  }
0x5f: {  	_ =	shalt  }
0x60: {  	_ =	shalt  }
0x61: {  	_ =	shalt  }
0x62: {  	_ =	shalt  }
0x63: {  	_ =	shalt  }
0x64: {  	_ =	shalt  }
0x65: {  	_ =	shalt  }
0x66: {  	_ =	shalt  }
0x67: {  	_ =	shalt  }
0x68: {  	_ =	shalt  }
0x69: {  	_ =	shalt  }
0x6a: {  	_ =	shalt  }
0x6b: {  	_ =	shalt  }
0x6c: {  	_ =	shalt  }
0x6d: {  	_ =	shalt  }
0x6e: {  	_ =	shalt  }
0x6f: {  	_ =	shalt  }
0x70: {  	_ =	shalt  }
0x71: {  	_ =	shalt  }
0x72: {  	_ =	shalt  }
0x73: {  	_ =	shalt  }
0x74: {  	_ =	shalt  }
0x75: {  	_ =	shalt  }
0x76: {  	_ =	shalt  }
0x77: {  	_ =	shalt  }
0x78: {  	_ =	shalt  }
0x79: {  	_ =	shalt  }
0x7a: {  	_ =	shalt  }
0x7b: {  	_ =	shalt  }
0x7c: {  	_ =	shalt  }
0x7d: {  	_ =	shalt  }
0x7e: {  	_ =	shalt  }
0x7f: {  	_ =	shalt  }
0x80: {  	_ =	shalt  }
0x81: {  	_ =	shalt  }
0x82: {  	_ =	shalt  }
0x83: {  	_ =	shalt  }
0x84: {  	_ =	shalt  }
0x85: {  	_ =	shalt  }
0x86: {  	_ =	shalt  }
0x87: {  	_ =	shalt  }
.Lfunc_end0:
.L_simem_size_0:
called_computation.2_lowered:
.L_overlay_start_0:
0x88: {  	s2 =	sld [smem:$0x3FD9]  }
0x89: {  	s3 =	sld [smem:$0x3FFE];
	_ =	sdelay $0x1  }
0x8a: {  	s1 =	srdreg.scid  }
0x8b: {  	s0 =	sand.u32 $0x1, s1  }
0x8c: {  	s16 =	sshll.u32 s0, $0xA;
	s2 =	sadd.s32 s3, s2  }
0x8d: {  	s2 =	sadd.s32 s2, s16  }
0x8e: {  	[smem:$0x3FBD] =	sst s2  }
0x8f: {  	_ = 	snop  }
0x90: {  	(tm) =	ssettm $0x1  }
0x91: {  	s17 =	sld [smem:$0x3FFB];
	_ =	sdelay $0x3  }
0x92: {  	_ =	strace s17  }
0x93: {  	s2 =	sld [smem:$0x3FFC];
	_ =	sdelay $0x3  }
0x94: {  	_ =	strace s2  }
0x95: {  	s2 =	sld [smem:$0x3FFD];
	_ =	sdelay $0x3  }
0x96: {  	_ =	strace s2  }
0x97: {  	_ =	strace $0x8FFFFFFF  }
0x98: {  	s18 =	sld [smem:$0x3FDB];
	_ =	sdelay $0x1  }
0x99: {  	s19 =	simm.s32 $_scs_section_size  }
0x9a: {  	s4 =	simm.s32 $_size__tile_overlayer_lowered;
	s5 =	simm.s32 $_tile_overlayer_lowered  }
0x9b: {  	s22 =	simm.s32 $0x1BFF;
	s21 =	sshll.u32 s5, $0x1;
	s2 =	sadd.s32 s19, s18  }
0x9c: {  	s6 =	simm.s32 $0x0;
	s20 =	sshll.u32 s4, $0x1;
	s4 =	sadd.s32 s21, s2  }
0x9d: {  	[timem:s6], [sflag:s22] =	dma.local [hbm:s4], s20  }
0x9e: {  	_ =	swait.ge [sflag:s22], s20  }
0x9f: {  	s3 =	ssub.s32 $0x0, s20;
	[sflag:s22] =	ssyncset.done $0x0  }
0xa0: {  	[sflag:s22] =	ssyncadd.s32 s3;
	_ =	sdelay $0x1  }
0xa1: {  	s23 =	simm.s32 $0x1B8B  }
0xa2: {  	_ =	swait.ge [sflag:s23], $0x1  }
0xa3: {  	[sflag:s23] =	ssyncset.done $0x0  }
0xa4: {  	s25 =	simm.s32 $0x1B8E;
	s24 =	sld [smem:$0x3FFE];
	[sflag:s23] =	ssyncadd.s32 $0xFFFFFFFF  }
0xa5: {  	s26 =	simm.s32 $execute0_lowered;
	[smem:$0x3FD2] =	sst s25  }
0xa6: {  	s4 =	sshll.u32 s26, $0x1;
	_ =	strace $0x8000004C;
	[dreg:$0x1] =	wrdreg $0xFFFFFFFF  }
0xa7: {  	s28 =	simm.s32 $_size_execute0_lowered;
	s2 =	sadd.s32 s2, s4;
	[dreg:$0x0] =	wrdreg $0x0  }
0xa8: {  	s4 =	sshll.u32 s28, $0x1;
	[dreg:$0x2] =	wrdreg s2  }
0xa9: {  	[dreg:$0x3] =	wrdreg s4  }
0xaa: {  	[dreg:$0x4] =	wrdreg $0xC0  }
0xab: {  	_ =	task [dreg:s6], $0x5FFFF  }
0xac: {  	[dreg:$0x1] =	wrdreg $0xFFFFFFFF  }
0xad: {  	[dreg:$0x0] =	wrdreg $0x60  }
0xae: {  	[dreg:$0x2] =	wrdreg s24  }
0xaf: {  	[dreg:$0x3] =	wrdreg $0x120000  }
0xb0: {  	[dreg:$0x4] =	wrdreg $0x9  }
0xb1: {  	_ =	task.clear_ibuf [dreg:s6], $0x5FFFF;
	_ =	strace $0x9000004C  }
0xb2: {  	s29 =	simm.s32 $0x9;
	_ =	strace $0x8000004E  }
0xb3: {  	_ =	swait.ge [sflag:s29], $0x1  }
0xb4: {  	[sflag:s29] =	ssyncadd.s32 $0xFFFFFFFF  }
0xb5: {  	_ =	strace $0x9000004E  }
0xb6: {  	_ =	sfence  }
0xb7: {  	s30 =	sld [smem:$0x0];
	_ =	sdelay $0x2  }
0xb8: {  	s31 =	sshll.u32 s1, $0xD;
	s1 =	sshrl.u32 s1, $0x2  }
0xb9: {  	s3 =	sand.u32 $0x4000, s31;
	s1 =	sadd.s32 s1, s30  }
0xba: {  	s0 =	sor.u32 s3, s0;
	s1 =	sshll.u32 s1, $0x11  }
0xbb: {  	s0 =	sor.u32 s1, s0  }
0xbc: {  	s0 =	sadd.s32 $0x8F2B, s0  }
0xbd: {  	[sflag:s0] =	ssyncadd.remote.s32 $0x1  }
0xbe: {  	_ =	sfence.sel $0xFFFF  }
0xbf: {  	[dreg:$0x0] =	wrdreg $0xFFFFFFFF;
	(pc) =	sbr.abs _section_cstart, $3  }
0xc0: {  	[dreg:$0x1] =	wrdreg $0xFFFFFFFF  }
0xc1: {  	_ =	task.clear_ibuf [dreg:s6], $0x2FFFF;
	_ =	strace $0x9FFFFFFF  }
0xc2: {  	(tm) =	ssettm $0x7FFFFFFF  }
0xc3: {  	_ =	shalt  }
tec
execute0_lowered:
.L_overlay_start_1:
0x0: {  	(tag) =	ssettag $0x1  }
0x1: {  	s4 =	rddreg [dreg:$0x0];
	s0 =	srdreg.scid  }
0x2: {  	s2 =	rddreg [dreg:$0x1];
	s1 =	stileid.u32  }
0x3: {  	s3 =	simm.s32 $0x0;
	s14 =	simm.s32 $0x100;
	s15 =	simm.s32 $0xA000  }
0x4: {  	s16 =	simm.s32 $0xE000;
	s17 =	simm.s32 $0x1;
	s18 =	simm.s32 $0x2  }
0x5: {  	s19 =	simm.s32 $0x9E00;
	s20 =	simm.s32 $0x9F00;
	s21 =	simm.s32 $0x0  }
0x6: {  	s5 =	sand.u32 $0x1, s0;
	s0 =	rddreg [dreg:$0x2];
	s7 =	smul.u32 $0xA00, s1  }
0x7: {  	[smem:$0x7FF] =	sst s3;
	s8 =	smul.u32 $0x9E00, s1;
	s31 =	sshll.u32 s1, $0x6  }
0x8: {  	s6 =	smul.u32 $0x9E000, s5;
	_ =	strace $0x8000004D;
	s5 =	ssub.s32 $0x2, s5  }
0x9: {  	s7 =	sadd.s32 s7, s4;
	s10 =	sshrl.u32 s8, $0x3;
	s30 =	sshrl.u32 s5, $0x1  }
0xa: {  	s13 =	sadd.s32 s8, s2;
	s9 =	sshrl.u32 s6, $0x3;
	s6 =	sadd.s32 s8, s6  }
0xb: {  	s10 =	sadd.s32 s10, s4;
	s12 =	ssub.s32 s5, s30;
	s6 =	sshrl.u32 s6, $0x3  }
0xc: {  	s5 =	sor.u32 $0x1C03, s31;
	s9 =	sadd.s32 s9, s4;
	s11 =	sadd.s32 s6, s4  }
0xd: {  	s4 =	sadd.s32 $0x9BC00, s10;
	s6 =	sadd.s32 $0x42C00, s7;
	s7 =	sadd.s32 $0x2200, s7  }
0xe: {  	s8 =	sadd.s32 $0x11200, s9;
	s10 =	smax.u32 s12, $0x1;
	s12 =	simm.s32 $0x3  }
0xf: {  	s9 =	sadd.s32 $0xAF800, s11;
	s11 =	sshrl.u32 s13, $0x3;
	s13 =	simm.s32 $0x5000  }
.LBB2_1:
0x10: {  	[spmem:s11], [sflag:s5] =	dma.local [hbm:s4], $0x13C0  }
0x11: {  	_ =	swait.ge [sflag:s12], $0x13C0  }
0x12: {  	[sflag:s12] =	ssyncset.done $0x0  }
0x13: {  	[sflag:s12] =	ssyncadd.s32 $0xFFFFEC40  }
0x14: {  	[tilespmem:s3], [sflag:$0x3] =	stream.linear.gather [hbm4b:s6+s3], $0x5000, $0x38;
	[tilespmem:$0x1BE00] =	vst v63  }
0x15: {  	_ =	swait.ge [sflag:s12], $0x5000  }
0x16: {  	[sflag:s12] =	ssyncset.done $0x0  }
0x17: {  	[sflag:s12] =	ssyncadd.s32 $0xFFFFB000  }
0x18: {  	[tilespmem:s13], [sflag:$0x3] =	stream.linear.gather [hbm4b:s7+s3], $0x5000, $0x38;
	[tilespmem:$0x1BE00] =	vst v63  }
0x19: {  	_ =	swait.ge [sflag:s12], $0x5000  }
0x1a: {  	[sflag:s12] =	ssyncset.done $0x0  }
0x1b: {  	[sflag:s12] =	ssyncadd.s32 $0xFFFFB000  }
0x1c: {  	[bflag:$0x0] =	sbarrier.arrive $0xFFFF  }
0x1d: {  	[tilespmem:s15], [sflag:$0x1] =	stream.indirect.gather [hbm4b:s8+s14], $0x40, s3, s14, $0xb8;
	[tilespmem:$0x1BE00] =	vst v63  }
0x1e: {  	_ = 	snop  }
0x1f: {  	[tilespmem:s16], [sflag:$0x2] =	stream.indirect.gather [hbm4b:s8+s14], $0x40, s14, s14, $0xb8;
	[tilespmem:$0x1BE00] =	vst v63  }
0x20: {  	_ =	swait.ge [sflag:s17], $0x4000  }
0x21: {  	[sflag:s17] =	ssyncset.done $0x0  }
0x22: {  	s22 =	simm.s32 $0x5000;
	[sflag:s17] =	ssyncadd.s32 $0xFFFFC000  }
0x23: {  	[spmem:s2] =	stream.indirect.scatter.add.f32 [tilespmem:s15], [sflag:$0x3], $0x40, s22, s14, $0xb8;
	[tilespmem:$0x1BE00] =	vst v63  }
0x24: {  	_ =	swait.ge [sflag:s12], $0x4000  }
0x25: {  	[sflag:s12] =	ssyncset.done $0x0  }
0x26: {  	s30 =	simm.s32 $0x200;
	[sflag:s12] =	ssyncadd.s32 $0xFFFFC000  }
0x27: {  	[tilespmem:s15], [sflag:$0x1] =	stream.indirect.gather [hbm4b:s8+s14], $0x40, s30, s14, $0xb8;
	[tilespmem:$0x1BE00] =	vst v63  }
0x28: {  	_ =	swait.ge [sflag:s18], $0x4000  }
0x29: {  	[sflag:s18] =	ssyncset.done $0x0  }
0x2a: {  	s31 =	simm.s32 $0x5100;
	[sflag:s18] =	ssyncadd.s32 $0xFFFFC000  }
0x2b: {  	[spmem:s2] =	stream.indirect.scatter.add.f32 [tilespmem:s16], [sflag:$0x3], $0x40, s31, s14, $0xb8;
	[tilespmem:$0x1BE00] =	vst v63  }
0x2c: {  	_ =	swait.ge [sflag:s12], $0x4000  }
0x2d: {  	[sflag:s12] =	ssyncset.done $0x0  }
0x2e: {  	s23 =	simm.s32 $0x300;
	s22 =	simm.s32 $0x800;
	[sflag:s12] =	ssyncadd.s32 $0xFFFFC000  }
.LBB2_2:
0x2f: {  	[tilespmem:s16], [sflag:$0x2] =	stream.indirect.gather [hbm4b:s8+s14], $0x40, s23, s14, $0xb8;
	[tilespmem:$0x1BE00] =	vst v63  }
0x30: {  	s23 =	smov.u32 s22  }
0x31: {  	p0 =	sne.s32 s22, $0x13000;
	s22 =	sadd.s32 $0x800, s22;
	_ =	swait.ge [sflag:s17], $0x4000  }
0x32: {  	s23 =	sshra.s32 s23, $0x2;
	[sflag:s17] =	ssyncset.done $0x0  }
0x33: {  	s24 =	sadd.s32 $0x5000, s23;
	[sflag:s17] =	ssyncadd.s32 $0xFFFFC000  }
0x34: {  	[spmem:s2] =	stream.indirect.scatter.add.f32 [tilespmem:s15], [sflag:$0x3], $0x40, s24, s14, $0xb8;
	[tilespmem:$0x1BE00] =	vst v63  }
0x35: {  	_ =	swait.ge [sflag:s12], $0x4000  }
0x36: {  	[sflag:s12] =	ssyncset.done $0x0  }
0x37: {  	s24 =	sadd.s32 $0x200, s23;
	[sflag:s12] =	ssyncadd.s32 $0xFFFFC000  }
0x38: {  	[tilespmem:s15], [sflag:$0x1] =	stream.indirect.gather [hbm4b:s8+s14], $0x40, s24, s14, $0xb8;
	[tilespmem:$0x1BE00] =	vst v63  }
0x39: {  	_ =	swait.ge [sflag:s18], $0x4000  }
0x3a: {  	[sflag:s18] =	ssyncset.done $0x0  }
.Ltmp0:
0x3b: {  	s24 =	sadd.s32 $0x5100, s23;
	[sflag:s18] =	ssyncadd.s32 $0xFFFFC000;
	(pc) =	sbr.rel @p0 .LBB2_2-.Ltmp0, $4  }
0x3c: {  	[spmem:s2] =	stream.indirect.scatter.add.f32 [tilespmem:s16], [sflag:$0x3], $0x40, s24, s14, $0xb8;
	[tilespmem:$0x1BE00] =	vst v63  }
0x3d: {  	_ =	swait.ge [sflag:s12], $0x4000  }
0x3e: {  	[sflag:s12] =	ssyncset.done $0x0  }
0x3f: {  	s23 =	sadd.s32 $0x300, s23;
	[sflag:s12] =	ssyncadd.s32 $0xFFFFC000  }
0x40: {  	[tilespmem:s16], [sflag:$0x2] =	stream.indirect.gather [hbm4b:s8+s14], $0x40, s23, s14, $0xb8;
	[tilespmem:$0x1BE00] =	vst v63  }
0x41: {  	_ =	swait.ge [sflag:s17], $0x4000  }
0x42: {  	[sflag:s17] =	ssyncset.done $0x0  }
0x43: {  	[sflag:s17] =	ssyncadd.s32 $0xFFFFC000  }
0x44: {  	[spmem:s2] =	stream.indirect.scatter.add.f32 [tilespmem:s15], [sflag:$0x3], $0x40, s19, s14, $0xb8;
	[tilespmem:$0x1BE00] =	vst v63  }
0x45: {  	_ =	swait.ge [sflag:s12], $0x4000  }
0x46: {  	[sflag:s12] =	ssyncset.done $0x0  }
0x47: {  	[sflag:s12] =	ssyncadd.s32 $0xFFFFC000  }
0x48: {  	_ =	swait.ge [sflag:s18], $0x4000  }
0x49: {  	[sflag:s18] =	ssyncset.done $0x0  }
0x4a: {  	[sflag:s18] =	ssyncadd.s32 $0xFFFFC000  }
0x4b: {  	[spmem:s2] =	stream.indirect.scatter.add.f32 [tilespmem:s16], [sflag:$0x3], $0x40, s20, s14, $0xb8;
	[tilespmem:$0x1BE00] =	vst v63  }
0x4c: {  	_ =	swait.ge [sflag:s12], $0x4000  }
0x4d: {  	s21 =	sadd.s32 $0x1, s21;
	[sflag:s12] =	ssyncset.done $0x0  }
0x4e: {  	p0 =	sne.s32 s21, s10;
	[sflag:s12] =	ssyncadd.s32 $0xFFFFC000  }
.Ltmp1:
0x4f: {  	[bflag:$0x0] =	sbarrier.arrive $0xFFFF;
	(pc) =	sbr.rel @p0 .LBB2_1-.Ltmp1, $4  }
0x50: {  	[hbm:s9], [sflag:s5] =	dma.local [spmem:s11], $0x13C0  }
0x51: {  	_ =	swait.ge [sflag:s12], $0x13C0  }
0x52: {  	[sflag:s12] =	ssyncset.done $0x0  }
0x53: {  	[sflag:s12] =	ssyncadd.s32 $0xFFFFEC40  }
0x54: {  	_ =	sfence.sel $0x180000  }
0x55: {  	[bflag:$0x0] =	sbarrier.arrive $0xFFFF  }
0x56: {  	p0 =	sne.s32 s1, $0x0;
	_ =	strace $0x9000004D  }
0x57: {  	s0 =	sadd.s32 @!p0 $0x100000, s0;
	[bflag:$0x2] =	sbarrier.arrive $0xFFFF  }
0x58: {  	[sflag:s0] =	ssyncadd.tile.s32 @!p0 $0x1;
	_ =	shalt  }
.Lfunc_end2:
_tile_overlayer_lowered:
.L_overlay_start_2:
0x59: {  	(tag) =	ssettag $0x2  }
0x5a: {  	s0 =	rddreg [dreg:$0x0];
	s2 =	stileid.u32  }
0x5b: {  	s1 =	rddreg [dreg:$0x1];
	p0 =	sne.s32 s2, $0x0  }
0x5c: {  	s3 =	rddreg [dreg:$0x2];
	[bflag:$0x3] =	sbarrier.arrive $0xFFFF;
	s2 =	simm.s32 @!p0 $0x1C03  }
0x5d: {  	[timem:s3], [sflag:s2] =	dma.local @!p0 [hbm:s0], s1  }
0x5e: {  	s0 =	simm.s32 @!p0 $0x3  }
0x5f: {  	_ =	swait.ge @!p0 [sflag:s0], s1  }
0x60: {  	s1 =	ssub.s32 @!p0 $0x0, s1;
	[sflag:s0] =	ssyncset.done @!p0 $0x0  }
0x61: {  	[sflag:s0] =	ssyncadd.s32 @!p0 s1  }
0x62: {  	[bflag:$0x3] =	sbarrier.arrive $0xFFFF  }
0x63: {  	_ =	shalt  }

// kernel: kernel.19.cloned.1.call-start
scs
__scs_entry_jumppad:
0x0: {  	(pc) =	sbr.rel $0x88, $3  }
0x1: {  	(tag) =	ssettag $0x0;
	lr =	simm.s32 $0x1  }
0x2: {  	[smem:$0x3F96] =	sst lr;
	_ =	strace $0xD0000000  }
0x3: {  	_ = 	snop  }
0x4: {  	_ = 	snop  }
0x5: {  	_ = 	snop  }
0x6: {  	_ = 	snop  }
0x7: {  	_ = 	snop  }
__scs_overlays_trampoline_lowered:
0x8: {  	[smem:$0x3FA5] =	sst s0  }
0x9: {  	[smem:$0x3FA6] =	sst s1  }
0xa: {  	[smem:$0x3FA7] =	sst s2  }
0xb: {  	[smem:$0x3FA8] =	sst s3  }
0xc: {  	[smem:$0x3FA9] =	sst s4  }
0xd: {  	[smem:$0x3FAA] =	sst s5  }
0xe: {  	[smem:$0x3FAB] =	sst s6  }
0xf: {  	[smem:$0x3FAC] =	sst s7  }
0x10: {  	[smem:$0x3FAD] =	sst s8  }
0x11: {  	[smem:$0x3FAE] =	sst s9;
	s0 =	simm.s32 @!p0 $0x0  }
0x12: {  	s1 =	sld [smem:$0x3F94];
	s0 =	simm.s32 @p0 $0x1  }
0x13: {  	[smem:$0x3FAF] =	sst s0;
	s0 =	simm.s32 @!p1 $0x0  }
0x14: {  	s2 =	sld [smem:$0x3F93];
	s0 =	simm.s32 @p1 $0x1  }
0x15: {  	[smem:$0x3FB0] =	sst s0;
	s0 =	simm.s32 @!p2 $0x0  }
0x16: {  	s3 =	sld [smem:$0x3FDB];
	s0 =	simm.s32 @p2 $0x1  }
0x17: {  	s4 =	simm.s32 $0x1BF5;
	[smem:$0x3FB2] =	sst s0  }
0x18: {  	s0 =	sld [smem:$0x3F95];
	_ =	swait.ge [sflag:s4], $0x0  }
0x19: {  	s7 =	sld [smem:$0x3F96]  }
0x1a: {  	s8 =	sadd.s32 $0xFFFFE003, lr  }
0x1b: {  	s9 =	sadd.s32 $0xFFFFFEF7, lr;
	s5 =	simm.s32 $0xFFFFFFFF;
	p2 =	slt.u32 s8, $0xFFFFF086  }
0x1c: {  	p1 =	slt.u32 s9, $0xF7A;
	s5 =	simm.s32 @!p2 $0x0  }
0x1d: {  	s5 =	simm.s32 @p1 $0x1;
	p0 =	seq.s32 s7, s2  }
0x1e: {  	s7 =	smul.u32 @!p0 $0xF7A, s2;
	p2 =	seq.s32 @!p0 s5, $0x0  }
0x1f: {  	s9 =	smul.u32 $0xF7A, s1;
	s8 =	simm.s32 @!p0 $0x1BF5;
	p2 =	por !p2, p0  }
0x20: {  	[sflag:s8] =	ssyncset.s32 @!p0 $0xFFFFF086;
	s6 =	sadd.s32 @!p0 s3, s7;
	s7 =	simm.s32 @!p0 $0x108  }
0x21: {  	s3 =	sadd.s32 s3, s9;
	s6 =	sadd.s32 @!p0 $0x88, s6;
	s7 =	simm.s32 @p2 $0x1082  }
0x22: {  	[simem:s7], [sflag:s8] =	dma.local @!p0 [hbm:s6], $0xF7A  }
0x23: {  	s9 =	sor.u32 $0xD0000000, s2;
	s6 =	simm.s32 $0x108;
	_ =	swait.ge @!p0 [sflag:s8], $0x0  }
0x24: {  	s3 =	sadd.s32 $0x88, s3;
	s6 =	simm.s32 @!p1 $0x1082;
	[sflag:s4] =	ssyncset.s32 $0xFFFFF086  }
0x25: {  	[simem:s6], [sflag:s4] =	dma.local [hbm:s3], $0xF7A  }
0x26: {  	[smem:$0x3F96] =	sst s1;
	(tag) =	ssettag s2;
	_ =	strace s9  }
0x27: {  	s1 =	sld [smem:$0x3FA6]  }
0x28: {  	s2 =	sld [smem:$0x3FA7]  }
0x29: {  	s4 =	sld [smem:$0x3FA9]  }
0x2a: {  	p0 =	seq.s32 s5, $0x0;
	s5 =	sld [smem:$0x3FAA]  }
0x2b: {  	s6 =	sld [smem:$0x3FAB]  }
0x2c: {  	s7 =	sld [smem:$0x3FAC]  }
0x2d: {  	s3 =	simm.s32 $0x108;
	s8 =	sld [smem:$0x3FAD]  }
0x2e: {  	s3 =	simm.s32 @!p0 $0x1082;
	s9 =	sld [smem:$0x3FAE]  }
0x2f: {  	lr =	sadd.s32 s0, s3;
	s0 =	sld [smem:$0x3FA5]  }
0x30: {  	s3 =	sld [smem:$0x3FA8]  }
0x31: {  	[smem:$0x3FB1] =	sst s10  }
0x32: {  	s10 =	sld [smem:$0x3FAF];
	_ =	sdelay $0x3  }
0x33: {  	p0 =	seq.s32 s10, $0x1;
	s10 =	sld [smem:$0x3FB1];
	_ =	sdelay $0x3  }
0x34: {  	[smem:$0x3FB1] =	sst s10  }
0x35: {  	s10 =	sld [smem:$0x3FB0];
	_ =	sdelay $0x3  }
0x36: {  	p1 =	seq.s32 s10, $0x1;
	s10 =	sld [smem:$0x3FB1];
	_ =	sdelay $0x3  }
0x37: {  	[smem:$0x3FB1] =	sst s10  }
0x38: {  	s10 =	sld [smem:$0x3FB2]  }
0x39: {  	_ = 	snop;
	(pc) =	sbr.ind lr, $3  }
0x3a: {  	_ = 	snop  }
0x3b: {  	_ = 	snop  }
0x3c: {  	p2 =	seq.s32 s10, $0x1;
	s10 =	sld [smem:$0x3FB1]  }
0x3d: {  	_ =	shalt  }
0x3e: {  	_ =	shalt  }
0x3f: {  	_ =	shalt  }
0x40: {  	_ =	shalt  }
0x41: {  	_ =	shalt  }
0x42: {  	_ =	shalt  }
0x43: {  	_ =	shalt  }
0x44: {  	_ =	shalt  }
0x45: {  	_ =	shalt  }
0x46: {  	_ =	shalt  }
0x47: {  	_ =	shalt  }
0x48: {  	_ =	shalt  }
0x49: {  	_ =	shalt  }
0x4a: {  	_ =	shalt  }
0x4b: {  	_ =	shalt  }
0x4c: {  	_ =	shalt  }
0x4d: {  	_ =	shalt  }
0x4e: {  	_ =	shalt  }
0x4f: {  	_ =	shalt  }
0x50: {  	_ =	shalt  }
0x51: {  	_ =	shalt  }
0x52: {  	_ =	shalt  }
0x53: {  	_ =	shalt  }
0x54: {  	_ =	shalt  }
0x55: {  	_ =	shalt  }
0x56: {  	_ =	shalt  }
0x57: {  	_ =	shalt  }
0x58: {  	_ =	shalt  }
0x59: {  	_ =	shalt  }
0x5a: {  	_ =	shalt  }
0x5b: {  	_ =	shalt  }
0x5c: {  	_ =	shalt  }
0x5d: {  	_ =	shalt  }
0x5e: {  	_ =	shalt  }
0x5f: {  	_ =	shalt  }
0x60: {  	_ =	shalt  }
0x61: {  	_ =	shalt  }
0x62: {  	_ =	shalt  }
0x63: {  	_ =	shalt  }
0x64: {  	_ =	shalt  }
0x65: {  	_ =	shalt  }
0x66: {  	_ =	shalt  }
0x67: {  	_ =	shalt  }
0x68: {  	_ =	shalt  }
0x69: {  	_ =	shalt  }
0x6a: {  	_ =	shalt  }
0x6b: {  	_ =	shalt  }
0x6c: {  	_ =	shalt  }
0x6d: {  	_ =	shalt  }
0x6e: {  	_ =	shalt  }
0x6f: {  	_ =	shalt  }
0x70: {  	_ =	shalt  }
0x71: {  	_ =	shalt  }
0x72: {  	_ =	shalt  }
0x73: {  	_ =	shalt  }
0x74: {  	_ =	shalt  }
0x75: {  	_ =	shalt  }
0x76: {  	_ =	shalt  }
0x77: {  	_ =	shalt  }
0x78: {  	_ =	shalt  }
0x79: {  	_ =	shalt  }
0x7a: {  	_ =	shalt  }
0x7b: {  	_ =	shalt  }
0x7c: {  	_ =	shalt  }
0x7d: {  	_ =	shalt  }
0x7e: {  	_ =	shalt  }
0x7f: {  	_ =	shalt  }
0x80: {  	_ =	shalt  }
0x81: {  	_ =	shalt  }
0x82: {  	_ =	shalt  }
0x83: {  	_ =	shalt  }
0x84: {  	_ =	shalt  }
0x85: {  	_ =	shalt  }
0x86: {  	_ =	shalt  }
0x87: {  	_ =	shalt  }
.Lfunc_end0:
.L_simem_size_0:
called_computation.3_lowered:
.L_overlay_start_0:
0x88: {  	s2 =	sld [smem:$0x3FD9]  }
0x89: {  	s3 =	sld [smem:$0x3FFE];
	_ =	sdelay $0x1  }
0x8a: {  	s1 =	srdreg.scid  }
0x8b: {  	s0 =	sand.u32 $0x1, s1  }
0x8c: {  	s16 =	sshll.u32 s0, $0xA;
	s2 =	sadd.s32 s3, s2  }
0x8d: {  	s2 =	sadd.s32 s2, s16  }
0x8e: {  	[smem:$0x3FBD] =	sst s2  }
0x8f: {  	_ = 	snop  }
0x90: {  	(tm) =	ssettm $0x1  }
0x91: {  	s17 =	sld [smem:$0x3FFB];
	_ =	sdelay $0x3  }
0x92: {  	_ =	strace s17  }
0x93: {  	s2 =	sld [smem:$0x3FFC];
	_ =	sdelay $0x3  }
0x94: {  	_ =	strace s2  }
0x95: {  	s2 =	sld [smem:$0x3FFD];
	_ =	sdelay $0x3  }
0x96: {  	_ =	strace s2  }
0x97: {  	_ =	strace $0x8FFFFFFF  }
0x98: {  	s18 =	sld [smem:$0x3FDB];
	_ =	sdelay $0x1  }
0x99: {  	s19 =	simm.s32 $_scs_section_size  }
0x9a: {  	s4 =	simm.s32 $_size__tile_overlayer_lowered;
	s5 =	simm.s32 $_tile_overlayer_lowered  }
0x9b: {  	s22 =	simm.s32 $0x1BFF;
	s21 =	sshll.u32 s5, $0x1;
	s2 =	sadd.s32 s19, s18  }
0x9c: {  	s6 =	simm.s32 $0x0;
	s20 =	sshll.u32 s4, $0x1;
	s4 =	sadd.s32 s21, s2  }
0x9d: {  	[timem:s6], [sflag:s22] =	dma.local [hbm:s4], s20  }
0x9e: {  	_ =	swait.ge [sflag:s22], s20  }
0x9f: {  	s3 =	ssub.s32 $0x0, s20;
	[sflag:s22] =	ssyncset.done $0x0  }
0xa0: {  	[sflag:s22] =	ssyncadd.s32 s3;
	_ =	sdelay $0x1  }
0xa1: {  	s23 =	simm.s32 $0x1B8B  }
0xa2: {  	_ =	swait.ge [sflag:s23], $0x1  }
0xa3: {  	[sflag:s23] =	ssyncset.done $0x0  }
0xa4: {  	s25 =	simm.s32 $0x1B8E;
	s24 =	sld [smem:$0x3FFE];
	[sflag:s23] =	ssyncadd.s32 $0xFFFFFFFF  }
0xa5: {  	s26 =	simm.s32 $execute0_lowered;
	[smem:$0x3FD2] =	sst s25  }
0xa6: {  	s4 =	sshll.u32 s26, $0x1;
	_ =	strace $0x8000004F;
	[dreg:$0x1] =	wrdreg $0xFFFFFFFF  }
0xa7: {  	s28 =	simm.s32 $_size_execute0_lowered;
	s2 =	sadd.s32 s2, s4;
	[dreg:$0x0] =	wrdreg $0x0  }
0xa8: {  	s4 =	sshll.u32 s28, $0x1;
	[dreg:$0x2] =	wrdreg s2  }
0xa9: {  	[dreg:$0x3] =	wrdreg s4  }
0xaa: {  	[dreg:$0x4] =	wrdreg $0xC0  }
0xab: {  	_ =	task [dreg:s6], $0x5FFFF  }
0xac: {  	[dreg:$0x1] =	wrdreg $0xFFFFFFFF  }
0xad: {  	[dreg:$0x0] =	wrdreg $0x60  }
0xae: {  	[dreg:$0x2] =	wrdreg s24  }
0xaf: {  	[dreg:$0x3] =	wrdreg $0x90000  }
0xb0: {  	[dreg:$0x4] =	wrdreg $0x9  }
0xb1: {  	_ =	task.clear_ibuf [dreg:s6], $0x5FFFF;
	_ =	strace $0x9000004F  }
0xb2: {  	s29 =	simm.s32 $0x9;
	_ =	strace $0x80000051  }
0xb3: {  	_ =	swait.ge [sflag:s29], $0x1  }
0xb4: {  	[sflag:s29] =	ssyncadd.s32 $0xFFFFFFFF  }
0xb5: {  	_ =	strace $0x90000051  }
0xb6: {  	_ =	sfence  }
0xb7: {  	s30 =	sld [smem:$0x0];
	_ =	sdelay $0x2  }
0xb8: {  	s31 =	sshll.u32 s1, $0xD;
	s1 =	sshrl.u32 s1, $0x2  }
0xb9: {  	s3 =	sand.u32 $0x4000, s31;
	s1 =	sadd.s32 s1, s30  }
0xba: {  	s0 =	sor.u32 s3, s0;
	s1 =	sshll.u32 s1, $0x11  }
0xbb: {  	s0 =	sor.u32 s1, s0  }
0xbc: {  	s0 =	sadd.s32 $0x8F2B, s0  }
0xbd: {  	[sflag:s0] =	ssyncadd.remote.s32 $0x1  }
0xbe: {  	_ =	sfence.sel $0xFFFF  }
0xbf: {  	[dreg:$0x0] =	wrdreg $0xFFFFFFFF;
	(pc) =	sbr.abs _section_cstart, $3  }
0xc0: {  	[dreg:$0x1] =	wrdreg $0xFFFFFFFF  }
0xc1: {  	_ =	task.clear_ibuf [dreg:s6], $0x2FFFF;
	_ =	strace $0x9FFFFFFF  }
0xc2: {  	(tm) =	ssettm $0x7FFFFFFF  }
0xc3: {  	_ =	shalt  }
tec
execute0_lowered:
.L_overlay_start_1:
0x0: {  	(tag) =	ssettag $0x1  }
0x1: {  	s1 =	rddreg [dreg:$0x0]  }
0x2: {  	s2 =	rddreg [dreg:$0x1];
	s30 =	simm.s32 $0x0  }
0x3: {  	s25 =	simm.s32 $0x400;
	[smem:$0x7FF] =	sst s30  }
0x4: {  	s26 =	simm.s32 $0x2A00;
	_ =	strace $0x80000050;
	[dreg:$0x7] =	wrdreg s25  }
0x5: {  	s8 =	simm.s32 $0x800;
	[dreg:$0x8] =	wrdreg s26  }
0x6: {  	s9 =	simm.s32 $0x2E00;
	[dreg:$0xb] =	wrdreg s8  }
0x7: {  	s0 =	srdreg.scid;
	s10 =	simm.s32 $0xA00;
	[dreg:$0xc] =	wrdreg s9  }
0x8: {  	s7 =	stileid.u32;
	s11 =	simm.s32 $0x3000;
	[dreg:$0xd] =	wrdreg s10  }
0x9: {  	s13 =	simm.s32 $0xC00;
	s14 =	simm.s32 $0x3200;
	[dreg:$0xe] =	wrdreg s11  }
0xa: {  	s16 =	simm.s32 $0xE00;
	s18 =	simm.s32 $0x3400;
	[dreg:$0xf] =	wrdreg s13  }
0xb: {  	s19 =	simm.s32 $0x1000;
	s20 =	simm.s32 $0x3600;
	[dreg:$0x10] =	wrdreg s14  }
0xc: {  	s21 =	simm.s32 $0x1200;
	s22 =	simm.s32 $0x3800;
	[dreg:$0x11] =	wrdreg s16  }
0xd: {  	s31 =	simm.s32 $0x2800;
	s29 =	simm.s32 $0x1800;
	[dreg:$0x12] =	wrdreg s18  }
0xe: {  	s28 =	simm.s32 $0x3E00;
	p0 =	por $0x0, $0x0;
	[dreg:$0x13] =	wrdreg s19  }
0xf: {  	s0 =	sand.u32 $0x1, s0;
	s4 =	smul.u32 $0x2780, s7;
	[dreg:$0x14] =	wrdreg s20  }
0x10: {  	s17 =	sshll.u32 s7, $0x6;
	s3 =	sshll.u32 s0, $0x4;
	[dreg:$0x15] =	wrdreg s21  }
0x11: {  	s6 =	smul.u32 $0x27800, s0;
	s0 =	ssub.s32 $0x2, s0;
	[dreg:$0x16] =	wrdreg s22  }
0x12: {  	s9 =	simm.s32 $0x5000;
	s25 =	simm.s32 $0x1600;
	s8 =	simm.s32 $0x7000  }
0x13: {  	s26 =	simm.s32 $0x3C00;
	s11 =	simm.s32 $0x1;
	s10 =	simm.s32 $0x2  }
0x14: {  	s22 =	simm.s32 $0x1E00;
	s21 =	simm.s32 $0x4400;
	s20 =	simm.s32 $0x2000  }
0x15: {  	s19 =	simm.s32 $0x4600;
	s18 =	simm.s32 $0x4800;
	s16 =	simm.s32 $0x2400  }
0x16: {  	s14 =	simm.s32 $0x2600;
	s13 =	simm.s32 $0x4C00;
	s3 =	sor.u32 s7, s3  }
0x17: {  	s5 =	sshrl.u32 s4, $0x3;
	s12 =	sshrl.u32 s0, $0x1;
	[dreg:$0x19] =	wrdreg s25  }
0x18: {  	s15 =	sadd.s32 s4, s2;
	s7 =	simm.s32 $0x200;
	[dreg:$0x1a] =	wrdreg s26  }
0x19: {  	s26 =	simm.s32 $0x1A00;
	s25 =	simm.s32 $0x4000;
	s3 =	smul.u32 $0x500, s3  }
0x1a: {  	s5 =	sadd.s32 s5, s1;
	s6 =	sadd.s32 s4, s6;
	s0 =	ssub.s32 s0, s12  }
0x1b: {  	s4 =	sor.u32 $0x1C03, s17;
	s17 =	simm.s32 $0x2200;
	s12 =	simm.s32 $0x4E00  }
0x1c: {  	s5 =	sadd.s32 $0xC200, s5;
	s6 =	sshrl.u32 s6, $0x3;
	s0 =	smax.u32 s0, $0x1  }
0x1d: {  	s3 =	sadd.s32 s3, s1;
	[dreg:$0x3] =	wrdreg s5;
	s5 =	simm.s32 $0x600  }
0x1e: {  	s6 =	sadd.s32 s6, s1;
	s23 =	sadd.s32 $0x42C00, s3;
	[dreg:$0x9] =	wrdreg s5  }
0x1f: {  	p1 =	sne.s32 s0, $0x1;
	s3 =	sadd.s32 $0x2200, s3;
	[dreg:$0x4] =	wrdreg s23  }
0x20: {  	s24 =	sadd.s32 $0x16200, s6;
	s6 =	simm.s32 $0x2C00;
	[dreg:$0x5] =	wrdreg s3  }
.Ltmp0:
0x21: {  	s5 =	sshrl.u32 s15, $0x3;
	[dreg:$0x6] =	wrdreg s24;
	(pc) =	sbr.rel @!p1 .LBB2_3-.Ltmp0, $4  }
0x22: {  	s15 =	simm.s32 $0x4A00;
	[dreg:$0xa] =	wrdreg s6;
	s3 =	sadd.s32 $0x11200, s1  }
0x23: {  	s23 =	simm.s32 $0x1400;
	s1 =	sadd.s32 $0xFFFFFFFF, s0;
	s0 =	rddreg [dreg:$0x3]  }
0x24: {  	s6 =	simm.s32 $0x3;
	s24 =	simm.s32 $0x3A00;
	[dreg:$0x17] =	wrdreg s23  }
0x25: {  	[dreg:$0x18] =	wrdreg s24;
	s24 =	simm.s32 $0x1C00;
	s23 =	simm.s32 $0x4200  }
0x26: {  	[spmem:s5], [sflag:s4] =	dma.local [hbm:s0], $0x4F0  }
0x27: {  	_ =	swait.ge [sflag:s6], $0x4F0  }
0x28: {  	[sflag:s6] =	ssyncset.done $0x0  }
0x29: {  	s0 =	rddreg [dreg:$0x4];
	[sflag:s6] =	ssyncadd.s32 $0xFFFFFB10  }
0x2a: {  	[tilespmem:s30], [sflag:$0x3] =	stream.linear.gather [hbm4b:s0+s30], $0x2800, $0x38;
	[tilespmem:$0xB780] =	vst v63  }
0x2b: {  	_ =	swait.ge [sflag:s6], $0x2800  }
0x2c: {  	[sflag:s6] =	ssyncset.done $0x0  }
0x2d: {  	s0 =	rddreg [dreg:$0x5];
	[sflag:s6] =	ssyncadd.s32 $0xFFFFD800  }
0x2e: {  	[tilespmem:s31], [sflag:$0x3] =	stream.linear.gather [hbm4b:s0+s30], $0x2800, $0x38;
	[tilespmem:$0xB780] =	vst v63  }
0x2f: {  	_ =	swait.ge [sflag:s6], $0x2800  }
0x30: {  	[sflag:s6] =	ssyncset.done $0x0  }
0x31: {  	[sflag:s6] =	ssyncadd.s32 $0xFFFFD800  }
0x32: {  	[bflag:$0x0] =	sbarrier.arrive $0xFFFF  }
0x33: {  	[tilespmem:s9], [sflag:$0x1] =	stream.indirect.gather [hbm4b:s3+s7], $0x10, s30, s7, $0xb8;
	[tilespmem:$0xB780] =	vst v63  }
0x34: {  	_ = 	snop  }
0x35: {  	[tilespmem:s8], [sflag:$0x2] =	stream.indirect.gather [hbm4b:s3+s7], $0x10, s7, s7, $0xb8;
	[tilespmem:$0xB780] =	vst v63  }
0x36: {  	_ =	swait.ge [sflag:s11], $0x2000  }
0x37: {  	[sflag:s11] =	ssyncset.done $0x0  }
0x38: {  	[sflag:s11] =	ssyncadd.s32 $0xFFFFE000  }
0x39: {  	[spmem:s2] =	stream.indirect.scatter.add.f32 [tilespmem:s9], [sflag:$0x3], $0x10, s31, s7, $0xb8;
	[tilespmem:$0xB780] =	vst v63  }
0x3a: {  	_ =	swait.ge [sflag:s6], $0x2000  }
0x3b: {  	[sflag:s6] =	ssyncset.done $0x0  }
0x3c: {  	s0 =	rddreg [dreg:$0x7];
	[sflag:s6] =	ssyncadd.s32 $0xFFFFE000  }
0x3d: {  	[tilespmem:s9], [sflag:$0x1] =	stream.indirect.gather [hbm4b:s3+s7], $0x10, s0, s7, $0xb8;
	[tilespmem:$0xB780] =	vst v63  }
0x3e: {  	_ =	swait.ge [sflag:s10], $0x2000  }
0x3f: {  	[sflag:s10] =	ssyncset.done $0x0  }
0x40: {  	s0 =	rddreg [dreg:$0x8];
	[sflag:s10] =	ssyncadd.s32 $0xFFFFE000  }
0x41: {  	[spmem:s2] =	stream.indirect.scatter.add.f32 [tilespmem:s8], [sflag:$0x3], $0x10, s0, s7, $0xb8;
	[tilespmem:$0xB780] =	vst v63  }
0x42: {  	_ =	swait.ge [sflag:s6], $0x2000  }
0x43: {  	[sflag:s6] =	ssyncset.done $0x0  }
0x44: {  	s0 =	rddreg [dreg:$0x9];
	[sflag:s6] =	ssyncadd.s32 $0xFFFFE000  }
0x45: {  	[tilespmem:s8], [sflag:$0x2] =	stream.indirect.gather [hbm4b:s3+s7], $0x10, s0, s7, $0xb8;
	[tilespmem:$0xB780] =	vst v63  }
0x46: {  	_ =	swait.ge [sflag:s11], $0x2000  }
0x47: {  	[sflag:s11] =	ssyncset.done $0x0  }
0x48: {  	s0 =	rddreg [dreg:$0xa];
	[sflag:s11] =	ssyncadd.s32 $0xFFFFE000  }
0x49: {  	[spmem:s2] =	stream.indirect.scatter.add.f32 [tilespmem:s9], [sflag:$0x3], $0x10, s0, s7, $0xb8;
	[tilespmem:$0xB780] =	vst v63  }
0x4a: {  	_ =	swait.ge [sflag:s6], $0x2000  }
0x4b: {  	[sflag:s6] =	ssyncset.done $0x0  }
0x4c: {  	s0 =	rddreg [dreg:$0xb];
	[sflag:s6] =	ssyncadd.s32 $0xFFFFE000  }
0x4d: {  	[tilespmem:s9], [sflag:$0x1] =	stream.indirect.gather [hbm4b:s3+s7], $0x10, s0, s7, $0xb8;
	[tilespmem:$0xB780] =	vst v63  }
0x4e: {  	_ =	swait.ge [sflag:s10], $0x2000  }
0x4f: {  	[sflag:s10] =	ssyncset.done $0x0  }
0x50: {  	s0 =	rddreg [dreg:$0xc];
	[sflag:s10] =	ssyncadd.s32 $0xFFFFE000  }
0x51: {  	[spmem:s2] =	stream.indirect.scatter.add.f32 [tilespmem:s8], [sflag:$0x3], $0x10, s0, s7, $0xb8;
	[tilespmem:$0xB780] =	vst v63  }
0x52: {  	_ =	swait.ge [sflag:s6], $0x2000  }
0x53: {  	[sflag:s6] =	ssyncset.done $0x0  }
0x54: {  	s0 =	rddreg [dreg:$0xd];
	[sflag:s6] =	ssyncadd.s32 $0xFFFFE000  }
0x55: {  	[tilespmem:s8], [sflag:$0x2] =	stream.indirect.gather [hbm4b:s3+s7], $0x10, s0, s7, $0xb8;
	[tilespmem:$0xB780] =	vst v63  }
0x56: {  	_ =	swait.ge [sflag:s11], $0x2000  }
0x57: {  	[sflag:s11] =	ssyncset.done $0x0  }
0x58: {  	s0 =	rddreg [dreg:$0xe];
	[sflag:s11] =	ssyncadd.s32 $0xFFFFE000  }
0x59: {  	[spmem:s2] =	stream.indirect.scatter.add.f32 [tilespmem:s9], [sflag:$0x3], $0x10, s0, s7, $0xb8;
	[tilespmem:$0xB780] =	vst v63  }
0x5a: {  	_ =	swait.ge [sflag:s6], $0x2000  }
0x5b: {  	[sflag:s6] =	ssyncset.done $0x0  }
0x5c: {  	s0 =	rddreg [dreg:$0xf];
	[sflag:s6] =	ssyncadd.s32 $0xFFFFE000  }
0x5d: {  	[tilespmem:s9], [sflag:$0x1] =	stream.indirect.gather [hbm4b:s3+s7], $0x10, s0, s7, $0xb8;
	[tilespmem:$0xB780] =	vst v63  }
0x5e: {  	_ =	swait.ge [sflag:s10], $0x2000  }
0x5f: {  	[sflag:s10] =	ssyncset.done $0x0  }
0x60: {  	s0 =	rddreg [dreg:$0x10];
	[sflag:s10] =	ssyncadd.s32 $0xFFFFE000  }
0x61: {  	[spmem:s2] =	stream.indirect.scatter.add.f32 [tilespmem:s8], [sflag:$0x3], $0x10, s0, s7, $0xb8;
	[tilespmem:$0xB780] =	vst v63  }
0x62: {  	_ =	swait.ge [sflag:s6], $0x2000  }
0x63: {  	[sflag:s6] =	ssyncset.done $0x0  }
0x64: {  	s0 =	rddreg [dreg:$0x11];
	[sflag:s6] =	ssyncadd.s32 $0xFFFFE000  }
0x65: {  	[tilespmem:s8], [sflag:$0x2] =	stream.indirect.gather [hbm4b:s3+s7], $0x10, s0, s7, $0xb8;
	[tilespmem:$0xB780] =	vst v63  }
0x66: {  	_ =	swait.ge [sflag:s11], $0x2000  }
0x67: {  	[sflag:s11] =	ssyncset.done $0x0  }
0x68: {  	s0 =	rddreg [dreg:$0x12];
	[sflag:s11] =	ssyncadd.s32 $0xFFFFE000  }
0x69: {  	[spmem:s2] =	stream.indirect.scatter.add.f32 [tilespmem:s9], [sflag:$0x3], $0x10, s0, s7, $0xb8;
	[tilespmem:$0xB780] =	vst v63  }
0x6a: {  	_ =	swait.ge [sflag:s6], $0x2000  }
0x6b: {  	[sflag:s6] =	ssyncset.done $0x0  }
0x6c: {  	s0 =	rddreg [dreg:$0x13];
	[sflag:s6] =	ssyncadd.s32 $0xFFFFE000  }
0x6d: {  	[tilespmem:s9], [sflag:$0x1] =	stream.indirect.gather [hbm4b:s3+s7], $0x10, s0, s7, $0xb8;
	[tilespmem:$0xB780] =	vst v63  }
0x6e: {  	_ =	swait.ge [sflag:s10], $0x2000  }
0x6f: {  	[sflag:s10] =	ssyncset.done $0x0  }
0x70: {  	s0 =	rddreg [dreg:$0x14];
	[sflag:s10] =	ssyncadd.s32 $0xFFFFE000  }
0x71: {  	[spmem:s2] =	stream.indirect.scatter.add.f32 [tilespmem:s8], [sflag:$0x3], $0x10, s0, s7, $0xb8;
	[tilespmem:$0xB780] =	vst v63  }
0x72: {  	_ =	swait.ge [sflag:s6], $0x2000  }
0x73: {  	[sflag:s6] =	ssyncset.done $0x0  }
0x74: {  	s0 =	rddreg [dreg:$0x15];
	[sflag:s6] =	ssyncadd.s32 $0xFFFFE000  }
0x75: {  	[tilespmem:s8], [sflag:$0x2] =	stream.indirect.gather [hbm4b:s3+s7], $0x10, s0, s7, $0xb8;
	[tilespmem:$0xB780] =	vst v63  }
0x76: {  	_ =	swait.ge [sflag:s11], $0x2000  }
0x77: {  	[sflag:s11] =	ssyncset.done $0x0  }
0x78: {  	s0 =	rddreg [dreg:$0x16];
	[sflag:s11] =	ssyncadd.s32 $0xFFFFE000  }
0x79: {  	[spmem:s2] =	stream.indirect.scatter.add.f32 [tilespmem:s9], [sflag:$0x3], $0x10, s0, s7, $0xb8;
	[tilespmem:$0xB780] =	vst v63  }
0x7a: {  	_ =	swait.ge [sflag:s6], $0x2000  }
0x7b: {  	[sflag:s6] =	ssyncset.done $0x0  }
0x7c: {  	s0 =	rddreg [dreg:$0x17];
	[sflag:s6] =	ssyncadd.s32 $0xFFFFE000  }
0x7d: {  	[tilespmem:s9], [sflag:$0x1] =	stream.indirect.gather [hbm4b:s3+s7], $0x10, s0, s7, $0xb8;
	[tilespmem:$0xB780] =	vst v63  }
0x7e: {  	_ =	swait.ge [sflag:s10], $0x2000  }
0x7f: {  	[sflag:s10] =	ssyncset.done $0x0  }
0x80: {  	s0 =	rddreg [dreg:$0x18];
	[sflag:s10] =	ssyncadd.s32 $0xFFFFE000  }
0x81: {  	[spmem:s2] =	stream.indirect.scatter.add.f32 [tilespmem:s8], [sflag:$0x3], $0x10, s0, s7, $0xb8;
	[tilespmem:$0xB780] =	vst v63  }
0x82: {  	_ =	swait.ge [sflag:s6], $0x2000  }
0x83: {  	[sflag:s6] =	ssyncset.done $0x0  }
0x84: {  	s0 =	rddreg [dreg:$0x19];
	[sflag:s6] =	ssyncadd.s32 $0xFFFFE000  }
0x85: {  	[tilespmem:s8], [sflag:$0x2] =	stream.indirect.gather [hbm4b:s3+s7], $0x10, s0, s7, $0xb8;
	[tilespmem:$0xB780] =	vst v63  }
0x86: {  	_ =	swait.ge [sflag:s11], $0x2000  }
0x87: {  	[sflag:s11] =	ssyncset.done $0x0  }
0x88: {  	s0 =	rddreg [dreg:$0x1a];
	[sflag:s11] =	ssyncadd.s32 $0xFFFFE000  }
0x89: {  	[spmem:s2] =	stream.indirect.scatter.add.f32 [tilespmem:s9], [sflag:$0x3], $0x10, s0, s7, $0xb8;
	[tilespmem:$0xB780] =	vst v63  }
0x8a: {  	_ =	swait.ge [sflag:s6], $0x2000  }
0x8b: {  	[sflag:s6] =	ssyncset.done $0x0  }
0x8c: {  	[sflag:s6] =	ssyncadd.s32 $0xFFFFE000  }
0x8d: {  	[tilespmem:s9], [sflag:$0x1] =	stream.indirect.gather [hbm4b:s3+s7], $0x10, s29, s7, $0xb8;
	[tilespmem:$0xB780] =	vst v63  }
0x8e: {  	_ =	swait.ge [sflag:s10], $0x2000  }
0x8f: {  	[sflag:s10] =	ssyncset.done $0x0  }
0x90: {  	[sflag:s10] =	ssyncadd.s32 $0xFFFFE000  }
0x91: {  	[spmem:s2] =	stream.indirect.scatter.add.f32 [tilespmem:s8], [sflag:$0x3], $0x10, s28, s7, $0xb8;
	[tilespmem:$0xB780] =	vst v63  }
0x92: {  	_ =	swait.ge [sflag:s6], $0x2000  }
0x93: {  	[sflag:s6] =	ssyncset.done $0x0  }
0x94: {  	[sflag:s6] =	ssyncadd.s32 $0xFFFFE000  }
0x95: {  	[tilespmem:s8], [sflag:$0x2] =	stream.indirect.gather [hbm4b:s3+s7], $0x10, s26, s7, $0xb8;
	[tilespmem:$0xB780] =	vst v63  }
0x96: {  	_ =	swait.ge [sflag:s11], $0x2000  }
0x97: {  	[sflag:s11] =	ssyncset.done $0x0  }
0x98: {  	[sflag:s11] =	ssyncadd.s32 $0xFFFFE000  }
0x99: {  	[spmem:s2] =	stream.indirect.scatter.add.f32 [tilespmem:s9], [sflag:$0x3], $0x10, s25, s7, $0xb8;
	[tilespmem:$0xB780] =	vst v63  }
0x9a: {  	_ =	swait.ge [sflag:s6], $0x2000  }
0x9b: {  	[sflag:s6] =	ssyncset.done $0x0  }
0x9c: {  	[sflag:s6] =	ssyncadd.s32 $0xFFFFE000  }
0x9d: {  	[tilespmem:s9], [sflag:$0x1] =	stream.indirect.gather [hbm4b:s3+s7], $0x10, s24, s7, $0xb8;
	[tilespmem:$0xB780] =	vst v63  }
0x9e: {  	_ =	swait.ge [sflag:s10], $0x2000  }
0x9f: {  	[sflag:s10] =	ssyncset.done $0x0  }
0xa0: {  	[sflag:s10] =	ssyncadd.s32 $0xFFFFE000  }
0xa1: {  	[spmem:s2] =	stream.indirect.scatter.add.f32 [tilespmem:s8], [sflag:$0x3], $0x10, s23, s7, $0xb8;
	[tilespmem:$0xB780] =	vst v63  }
0xa2: {  	_ =	swait.ge [sflag:s6], $0x2000  }
0xa3: {  	[sflag:s6] =	ssyncset.done $0x0  }
0xa4: {  	[sflag:s6] =	ssyncadd.s32 $0xFFFFE000  }
0xa5: {  	[tilespmem:s8], [sflag:$0x2] =	stream.indirect.gather [hbm4b:s3+s7], $0x10, s22, s7, $0xb8;
	[tilespmem:$0xB780] =	vst v63  }
0xa6: {  	_ =	swait.ge [sflag:s11], $0x2000  }
0xa7: {  	[sflag:s11] =	ssyncset.done $0x0  }
0xa8: {  	[sflag:s11] =	ssyncadd.s32 $0xFFFFE000  }
0xa9: {  	[spmem:s2] =	stream.indirect.scatter.add.f32 [tilespmem:s9], [sflag:$0x3], $0x10, s21, s7, $0xb8;
	[tilespmem:$0xB780] =	vst v63  }
0xaa: {  	_ =	swait.ge [sflag:s6], $0x2000  }
0xab: {  	[sflag:s6] =	ssyncset.done $0x0  }
0xac: {  	[sflag:s6] =	ssyncadd.s32 $0xFFFFE000  }
0xad: {  	[tilespmem:s9], [sflag:$0x1] =	stream.indirect.gather [hbm4b:s3+s7], $0x10, s20, s7, $0xb8;
	[tilespmem:$0xB780] =	vst v63  }
0xae: {  	_ =	swait.ge [sflag:s10], $0x2000  }
0xaf: {  	[sflag:s10] =	ssyncset.done $0x0  }
0xb0: {  	[sflag:s10] =	ssyncadd.s32 $0xFFFFE000  }
0xb1: {  	[spmem:s2] =	stream.indirect.scatter.add.f32 [tilespmem:s8], [sflag:$0x3], $0x10, s19, s7, $0xb8;
	[tilespmem:$0xB780] =	vst v63  }
0xb2: {  	_ =	swait.ge [sflag:s6], $0x2000  }
0xb3: {  	[sflag:s6] =	ssyncset.done $0x0  }
0xb4: {  	[sflag:s6] =	ssyncadd.s32 $0xFFFFE000  }
0xb5: {  	[tilespmem:s8], [sflag:$0x2] =	stream.indirect.gather [hbm4b:s3+s7], $0x10, s17, s7, $0xb8;
	[tilespmem:$0xB780] =	vst v63  }
0xb6: {  	_ =	swait.ge [sflag:s11], $0x2000  }
0xb7: {  	[sflag:s11] =	ssyncset.done $0x0  }
0xb8: {  	[sflag:s11] =	ssyncadd.s32 $0xFFFFE000  }
0xb9: {  	[spmem:s2] =	stream.indirect.scatter.add.f32 [tilespmem:s9], [sflag:$0x3], $0x10, s18, s7, $0xb8;
	[tilespmem:$0xB780] =	vst v63  }
0xba: {  	_ =	swait.ge [sflag:s6], $0x2000  }
0xbb: {  	[sflag:s6] =	ssyncset.done $0x0  }
0xbc: {  	[sflag:s6] =	ssyncadd.s32 $0xFFFFE000  }
0xbd: {  	[tilespmem:s9], [sflag:$0x1] =	stream.indirect.gather [hbm4b:s3+s7], $0x10, s16, s7, $0xb8;
	[tilespmem:$0xB780] =	vst v63  }
0xbe: {  	_ =	swait.ge [sflag:s10], $0x2000  }
0xbf: {  	[sflag:s10] =	ssyncset.done $0x0  }
0xc0: {  	[sflag:s10] =	ssyncadd.s32 $0xFFFFE000  }
0xc1: {  	[spmem:s2] =	stream.indirect.scatter.add.f32 [tilespmem:s8], [sflag:$0x3], $0x10, s15, s7, $0xb8;
	[tilespmem:$0xB780] =	vst v63  }
0xc2: {  	_ =	swait.ge [sflag:s6], $0x2000  }
0xc3: {  	[sflag:s6] =	ssyncset.done $0x0  }
0xc4: {  	[sflag:s6] =	ssyncadd.s32 $0xFFFFE000  }
0xc5: {  	[tilespmem:s8], [sflag:$0x2] =	stream.indirect.gather [hbm4b:s3+s7], $0x10, s14, s7, $0xb8;
	[tilespmem:$0xB780] =	vst v63  }
0xc6: {  	_ =	swait.ge [sflag:s11], $0x2000  }
0xc7: {  	[sflag:s11] =	ssyncset.done $0x0  }
0xc8: {  	[sflag:s11] =	ssyncadd.s32 $0xFFFFE000  }
0xc9: {  	[spmem:s2] =	stream.indirect.scatter.add.f32 [tilespmem:s9], [sflag:$0x3], $0x10, s13, s7, $0xb8;
	[tilespmem:$0xB780] =	vst v63  }
0xca: {  	_ =	swait.ge [sflag:s6], $0x2000  }
0xcb: {  	[sflag:s6] =	ssyncset.done $0x0  }
0xcc: {  	[sflag:s6] =	ssyncadd.s32 $0xFFFFE000  }
0xcd: {  	_ =	swait.ge [sflag:s10], $0x2000  }
0xce: {  	[sflag:s10] =	ssyncset.done $0x0  }
0xcf: {  	[sflag:s10] =	ssyncadd.s32 $0xFFFFE000  }
0xd0: {  	[spmem:s2] =	stream.indirect.scatter.add.f32 [tilespmem:s8], [sflag:$0x3], $0x10, s12, s7, $0xb8;
	[tilespmem:$0xB780] =	vst v63  }
0xd1: {  	_ =	swait.ge [sflag:s6], $0x2000  }
0xd2: {  	[sflag:s6] =	ssyncset.done $0x0  }
0xd3: {  	p1 =	sne.s32 s1, $0x1;
	[sflag:s6] =	ssyncadd.s32 $0xFFFFE000  }
.Ltmp1:
0xd4: {  	[bflag:$0x0] =	sbarrier.arrive $0xFFFF;
	(pc) =	sbr.rel @!p1 .LBB2_3-.Ltmp1, $4  }
0xd5: {  	s0 =	rddreg [dreg:$0x6]  }
0xd6: {  	[hbm:s0], [sflag:s4] =	dma.local [spmem:s5], $0x4F0  }
0xd7: {  	s1 =	sadd.s32 $0xFFFFFFFF, s1;
	_ =	swait.ge [sflag:s6], $0x4F0  }
0xd8: {  	p0 =	por $0x1, $0x1;
	s0 =	rddreg [dreg:$0x3];
	[sflag:s6] =	ssyncset.done $0x0  }
.LBB2_2:
0xd9: {  	[sflag:s6] =	ssyncadd.s32 $0xFFFFFB10  }
0xda: {  	[spmem:s5], [sflag:s4] =	dma.local [hbm:s0], $0x4F0  }
0xdb: {  	_ =	swait.ge [sflag:s6], $0x4F0  }
0xdc: {  	[sflag:s6] =	ssyncset.done $0x0  }
0xdd: {  	s0 =	rddreg [dreg:$0x4];
	[sflag:s6] =	ssyncadd.s32 $0xFFFFFB10  }
0xde: {  	[tilespmem:s30], [sflag:$0x3] =	stream.linear.gather [hbm4b:s0+s30], $0x2800, $0x38;
	[tilespmem:$0xB780] =	vst v63  }
0xdf: {  	_ =	swait.ge [sflag:s6], $0x2800  }
0xe0: {  	[sflag:s6] =	ssyncset.done $0x0  }
0xe1: {  	s0 =	rddreg [dreg:$0x5];
	[sflag:s6] =	ssyncadd.s32 $0xFFFFD800  }
0xe2: {  	[tilespmem:s31], [sflag:$0x3] =	stream.linear.gather [hbm4b:s0+s30], $0x2800, $0x38;
	[tilespmem:$0xB780] =	vst v63  }
0xe3: {  	_ =	swait.ge [sflag:s6], $0x2800  }
0xe4: {  	[sflag:s6] =	ssyncset.done $0x0  }
0xe5: {  	[sflag:s6] =	ssyncadd.s32 $0xFFFFD800  }
0xe6: {  	[bflag:$0x0] =	sbarrier.arrive $0xFFFF  }
0xe7: {  	[tilespmem:s9], [sflag:$0x1] =	stream.indirect.gather [hbm4b:s3+s7], $0x10, s30, s7, $0xb8;
	[tilespmem:$0xB780] =	vst v63  }
0xe8: {  	_ = 	snop  }
0xe9: {  	[tilespmem:s8], [sflag:$0x2] =	stream.indirect.gather [hbm4b:s3+s7], $0x10, s7, s7, $0xb8;
	[tilespmem:$0xB780] =	vst v63  }
0xea: {  	_ =	swait.ge [sflag:s11], $0x2000  }
0xeb: {  	[sflag:s11] =	ssyncset.done $0x0  }
0xec: {  	[sflag:s11] =	ssyncadd.s32 $0xFFFFE000  }
0xed: {  	[spmem:s2] =	stream.indirect.scatter.add.f32 [tilespmem:s9], [sflag:$0x3], $0x10, s31, s7, $0xb8;
	[tilespmem:$0xB780] =	vst v63  }
0xee: {  	_ =	swait.ge [sflag:s6], $0x2000  }
0xef: {  	[sflag:s6] =	ssyncset.done $0x0  }
0xf0: {  	s0 =	rddreg [dreg:$0x7];
	[sflag:s6] =	ssyncadd.s32 $0xFFFFE000  }
0xf1: {  	[tilespmem:s9], [sflag:$0x1] =	stream.indirect.gather [hbm4b:s3+s7], $0x10, s0, s7, $0xb8;
	[tilespmem:$0xB780] =	vst v63  }
0xf2: {  	_ =	swait.ge [sflag:s10], $0x2000  }
0xf3: {  	[sflag:s10] =	ssyncset.done $0x0  }
0xf4: {  	s0 =	rddreg [dreg:$0x8];
	[sflag:s10] =	ssyncadd.s32 $0xFFFFE000  }
0xf5: {  	[spmem:s2] =	stream.indirect.scatter.add.f32 [tilespmem:s8], [sflag:$0x3], $0x10, s0, s7, $0xb8;
	[tilespmem:$0xB780] =	vst v63  }
0xf6: {  	_ =	swait.ge [sflag:s6], $0x2000  }
0xf7: {  	[sflag:s6] =	ssyncset.done $0x0  }
0xf8: {  	s0 =	rddreg [dreg:$0x9];
	[sflag:s6] =	ssyncadd.s32 $0xFFFFE000  }
0xf9: {  	[tilespmem:s8], [sflag:$0x2] =	stream.indirect.gather [hbm4b:s3+s7], $0x10, s0, s7, $0xb8;
	[tilespmem:$0xB780] =	vst v63  }
0xfa: {  	_ =	swait.ge [sflag:s11], $0x2000  }
0xfb: {  	[sflag:s11] =	ssyncset.done $0x0  }
0xfc: {  	s0 =	rddreg [dreg:$0xa];
	[sflag:s11] =	ssyncadd.s32 $0xFFFFE000  }
0xfd: {  	[spmem:s2] =	stream.indirect.scatter.add.f32 [tilespmem:s9], [sflag:$0x3], $0x10, s0, s7, $0xb8;
	[tilespmem:$0xB780] =	vst v63  }
0xfe: {  	_ =	swait.ge [sflag:s6], $0x2000  }
0xff: {  	[sflag:s6] =	ssyncset.done $0x0  }
0x100: {  	s0 =	rddreg [dreg:$0xb];
	[sflag:s6] =	ssyncadd.s32 $0xFFFFE000  }
0x101: {  	[tilespmem:s9], [sflag:$0x1] =	stream.indirect.gather [hbm4b:s3+s7], $0x10, s0, s7, $0xb8;
	[tilespmem:$0xB780] =	vst v63  }
0x102: {  	_ =	swait.ge [sflag:s10], $0x2000  }
0x103: {  	[sflag:s10] =	ssyncset.done $0x0  }
0x104: {  	s0 =	rddreg [dreg:$0xc];
	[sflag:s10] =	ssyncadd.s32 $0xFFFFE000  }
0x105: {  	[spmem:s2] =	stream.indirect.scatter.add.f32 [tilespmem:s8], [sflag:$0x3], $0x10, s0, s7, $0xb8;
	[tilespmem:$0xB780] =	vst v63  }
0x106: {  	_ =	swait.ge [sflag:s6], $0x2000  }
0x107: {  	[sflag:s6] =	ssyncset.done $0x0  }
0x108: {  	s0 =	rddreg [dreg:$0xd];
	[sflag:s6] =	ssyncadd.s32 $0xFFFFE000  }
0x109: {  	[tilespmem:s8], [sflag:$0x2] =	stream.indirect.gather [hbm4b:s3+s7], $0x10, s0, s7, $0xb8;
	[tilespmem:$0xB780] =	vst v63  }
0x10a: {  	_ =	swait.ge [sflag:s11], $0x2000  }
0x10b: {  	[sflag:s11] =	ssyncset.done $0x0  }
0x10c: {  	s0 =	rddreg [dreg:$0xe];
	[sflag:s11] =	ssyncadd.s32 $0xFFFFE000  }
0x10d: {  	[spmem:s2] =	stream.indirect.scatter.add.f32 [tilespmem:s9], [sflag:$0x3], $0x10, s0, s7, $0xb8;
	[tilespmem:$0xB780] =	vst v63  }
0x10e: {  	_ =	swait.ge [sflag:s6], $0x2000  }
0x10f: {  	[sflag:s6] =	ssyncset.done $0x0  }
0x110: {  	s0 =	rddreg [dreg:$0xf];
	[sflag:s6] =	ssyncadd.s32 $0xFFFFE000  }
0x111: {  	[tilespmem:s9], [sflag:$0x1] =	stream.indirect.gather [hbm4b:s3+s7], $0x10, s0, s7, $0xb8;
	[tilespmem:$0xB780] =	vst v63  }
0x112: {  	_ =	swait.ge [sflag:s10], $0x2000  }
0x113: {  	[sflag:s10] =	ssyncset.done $0x0  }
0x114: {  	s0 =	rddreg [dreg:$0x10];
	[sflag:s10] =	ssyncadd.s32 $0xFFFFE000  }
0x115: {  	[spmem:s2] =	stream.indirect.scatter.add.f32 [tilespmem:s8], [sflag:$0x3], $0x10, s0, s7, $0xb8;
	[tilespmem:$0xB780] =	vst v63  }
0x116: {  	_ =	swait.ge [sflag:s6], $0x2000  }
0x117: {  	[sflag:s6] =	ssyncset.done $0x0  }
0x118: {  	s0 =	rddreg [dreg:$0x11];
	[sflag:s6] =	ssyncadd.s32 $0xFFFFE000  }
0x119: {  	[tilespmem:s8], [sflag:$0x2] =	stream.indirect.gather [hbm4b:s3+s7], $0x10, s0, s7, $0xb8;
	[tilespmem:$0xB780] =	vst v63  }
0x11a: {  	_ =	swait.ge [sflag:s11], $0x2000  }
0x11b: {  	[sflag:s11] =	ssyncset.done $0x0  }
0x11c: {  	s0 =	rddreg [dreg:$0x12];
	[sflag:s11] =	ssyncadd.s32 $0xFFFFE000  }
0x11d: {  	[spmem:s2] =	stream.indirect.scatter.add.f32 [tilespmem:s9], [sflag:$0x3], $0x10, s0, s7, $0xb8;
	[tilespmem:$0xB780] =	vst v63  }
0x11e: {  	_ =	swait.ge [sflag:s6], $0x2000  }
0x11f: {  	[sflag:s6] =	ssyncset.done $0x0  }
0x120: {  	s0 =	rddreg [dreg:$0x13];
	[sflag:s6] =	ssyncadd.s32 $0xFFFFE000  }
0x121: {  	[tilespmem:s9], [sflag:$0x1] =	stream.indirect.gather [hbm4b:s3+s7], $0x10, s0, s7, $0xb8;
	[tilespmem:$0xB780] =	vst v63  }
0x122: {  	_ =	swait.ge [sflag:s10], $0x2000  }
0x123: {  	[sflag:s10] =	ssyncset.done $0x0  }
0x124: {  	s0 =	rddreg [dreg:$0x14];
	[sflag:s10] =	ssyncadd.s32 $0xFFFFE000  }
0x125: {  	[spmem:s2] =	stream.indirect.scatter.add.f32 [tilespmem:s8], [sflag:$0x3], $0x10, s0, s7, $0xb8;
	[tilespmem:$0xB780] =	vst v63  }
0x126: {  	_ =	swait.ge [sflag:s6], $0x2000  }
0x127: {  	[sflag:s6] =	ssyncset.done $0x0  }
0x128: {  	s0 =	rddreg [dreg:$0x15];
	[sflag:s6] =	ssyncadd.s32 $0xFFFFE000  }
0x129: {  	[tilespmem:s8], [sflag:$0x2] =	stream.indirect.gather [hbm4b:s3+s7], $0x10, s0, s7, $0xb8;
	[tilespmem:$0xB780] =	vst v63  }
0x12a: {  	_ =	swait.ge [sflag:s11], $0x2000  }
0x12b: {  	[sflag:s11] =	ssyncset.done $0x0  }
0x12c: {  	s0 =	rddreg [dreg:$0x16];
	[sflag:s11] =	ssyncadd.s32 $0xFFFFE000  }
0x12d: {  	[spmem:s2] =	stream.indirect.scatter.add.f32 [tilespmem:s9], [sflag:$0x3], $0x10, s0, s7, $0xb8;
	[tilespmem:$0xB780] =	vst v63  }
0x12e: {  	_ =	swait.ge [sflag:s6], $0x2000  }
0x12f: {  	[sflag:s6] =	ssyncset.done $0x0  }
0x130: {  	s0 =	rddreg [dreg:$0x17];
	[sflag:s6] =	ssyncadd.s32 $0xFFFFE000  }
0x131: {  	[tilespmem:s9], [sflag:$0x1] =	stream.indirect.gather [hbm4b:s3+s7], $0x10, s0, s7, $0xb8;
	[tilespmem:$0xB780] =	vst v63  }
0x132: {  	_ =	swait.ge [sflag:s10], $0x2000  }
0x133: {  	[sflag:s10] =	ssyncset.done $0x0  }
0x134: {  	s0 =	rddreg [dreg:$0x18];
	[sflag:s10] =	ssyncadd.s32 $0xFFFFE000  }
0x135: {  	[spmem:s2] =	stream.indirect.scatter.add.f32 [tilespmem:s8], [sflag:$0x3], $0x10, s0, s7, $0xb8;
	[tilespmem:$0xB780] =	vst v63  }
0x136: {  	_ =	swait.ge [sflag:s6], $0x2000  }
0x137: {  	[sflag:s6] =	ssyncset.done $0x0  }
0x138: {  	s0 =	rddreg [dreg:$0x19];
	[sflag:s6] =	ssyncadd.s32 $0xFFFFE000  }
0x139: {  	[tilespmem:s8], [sflag:$0x2] =	stream.indirect.gather [hbm4b:s3+s7], $0x10, s0, s7, $0xb8;
	[tilespmem:$0xB780] =	vst v63  }
0x13a: {  	_ =	swait.ge [sflag:s11], $0x2000  }
0x13b: {  	[sflag:s11] =	ssyncset.done $0x0  }
0x13c: {  	s0 =	rddreg [dreg:$0x1a];
	[sflag:s11] =	ssyncadd.s32 $0xFFFFE000  }
0x13d: {  	[spmem:s2] =	stream.indirect.scatter.add.f32 [tilespmem:s9], [sflag:$0x3], $0x10, s0, s7, $0xb8;
	[tilespmem:$0xB780] =	vst v63  }
0x13e: {  	_ =	swait.ge [sflag:s6], $0x2000  }
0x13f: {  	[sflag:s6] =	ssyncset.done $0x0  }
0x140: {  	[sflag:s6] =	ssyncadd.s32 $0xFFFFE000  }
0x141: {  	[tilespmem:s9], [sflag:$0x1] =	stream.indirect.gather [hbm4b:s3+s7], $0x10, s29, s7, $0xb8;
	[tilespmem:$0xB780] =	vst v63  }
0x142: {  	_ =	swait.ge [sflag:s10], $0x2000  }
0x143: {  	[sflag:s10] =	ssyncset.done $0x0  }
0x144: {  	[sflag:s10] =	ssyncadd.s32 $0xFFFFE000  }
0x145: {  	[spmem:s2] =	stream.indirect.scatter.add.f32 [tilespmem:s8], [sflag:$0x3], $0x10, s28, s7, $0xb8;
	[tilespmem:$0xB780] =	vst v63  }
0x146: {  	_ =	swait.ge [sflag:s6], $0x2000  }
0x147: {  	[sflag:s6] =	ssyncset.done $0x0  }
0x148: {  	[sflag:s6] =	ssyncadd.s32 $0xFFFFE000  }
0x149: {  	[tilespmem:s8], [sflag:$0x2] =	stream.indirect.gather [hbm4b:s3+s7], $0x10, s26, s7, $0xb8;
	[tilespmem:$0xB780] =	vst v63  }
0x14a: {  	_ =	swait.ge [sflag:s11], $0x2000  }
0x14b: {  	[sflag:s11] =	ssyncset.done $0x0  }
0x14c: {  	[sflag:s11] =	ssyncadd.s32 $0xFFFFE000  }
0x14d: {  	[spmem:s2] =	stream.indirect.scatter.add.f32 [tilespmem:s9], [sflag:$0x3], $0x10, s25, s7, $0xb8;
	[tilespmem:$0xB780] =	vst v63  }
0x14e: {  	_ =	swait.ge [sflag:s6], $0x2000  }
0x14f: {  	[sflag:s6] =	ssyncset.done $0x0  }
0x150: {  	[sflag:s6] =	ssyncadd.s32 $0xFFFFE000  }
0x151: {  	[tilespmem:s9], [sflag:$0x1] =	stream.indirect.gather [hbm4b:s3+s7], $0x10, s24, s7, $0xb8;
	[tilespmem:$0xB780] =	vst v63  }
0x152: {  	_ =	swait.ge [sflag:s10], $0x2000  }
0x153: {  	[sflag:s10] =	ssyncset.done $0x0  }
0x154: {  	[sflag:s10] =	ssyncadd.s32 $0xFFFFE000  }
0x155: {  	[spmem:s2] =	stream.indirect.scatter.add.f32 [tilespmem:s8], [sflag:$0x3], $0x10, s23, s7, $0xb8;
	[tilespmem:$0xB780] =	vst v63  }
0x156: {  	_ =	swait.ge [sflag:s6], $0x2000  }
0x157: {  	[sflag:s6] =	ssyncset.done $0x0  }
0x158: {  	[sflag:s6] =	ssyncadd.s32 $0xFFFFE000  }
0x159: {  	[tilespmem:s8], [sflag:$0x2] =	stream.indirect.gather [hbm4b:s3+s7], $0x10, s22, s7, $0xb8;
	[tilespmem:$0xB780] =	vst v63  }
0x15a: {  	_ =	swait.ge [sflag:s11], $0x2000  }
0x15b: {  	[sflag:s11] =	ssyncset.done $0x0  }
0x15c: {  	[sflag:s11] =	ssyncadd.s32 $0xFFFFE000  }
0x15d: {  	[spmem:s2] =	stream.indirect.scatter.add.f32 [tilespmem:s9], [sflag:$0x3], $0x10, s21, s7, $0xb8;
	[tilespmem:$0xB780] =	vst v63  }
0x15e: {  	_ =	swait.ge [sflag:s6], $0x2000  }
0x15f: {  	[sflag:s6] =	ssyncset.done $0x0  }
0x160: {  	[sflag:s6] =	ssyncadd.s32 $0xFFFFE000  }
0x161: {  	[tilespmem:s9], [sflag:$0x1] =	stream.indirect.gather [hbm4b:s3+s7], $0x10, s20, s7, $0xb8;
	[tilespmem:$0xB780] =	vst v63  }
0x162: {  	_ =	swait.ge [sflag:s10], $0x2000  }
0x163: {  	[sflag:s10] =	ssyncset.done $0x0  }
0x164: {  	[sflag:s10] =	ssyncadd.s32 $0xFFFFE000  }
0x165: {  	[spmem:s2] =	stream.indirect.scatter.add.f32 [tilespmem:s8], [sflag:$0x3], $0x10, s19, s7, $0xb8;
	[tilespmem:$0xB780] =	vst v63  }
0x166: {  	_ =	swait.ge [sflag:s6], $0x2000  }
0x167: {  	[sflag:s6] =	ssyncset.done $0x0  }
0x168: {  	[sflag:s6] =	ssyncadd.s32 $0xFFFFE000  }
0x169: {  	[tilespmem:s8], [sflag:$0x2] =	stream.indirect.gather [hbm4b:s3+s7], $0x10, s17, s7, $0xb8;
	[tilespmem:$0xB780] =	vst v63  }
0x16a: {  	_ =	swait.ge [sflag:s11], $0x2000  }
0x16b: {  	[sflag:s11] =	ssyncset.done $0x0  }
0x16c: {  	[sflag:s11] =	ssyncadd.s32 $0xFFFFE000  }
0x16d: {  	[spmem:s2] =	stream.indirect.scatter.add.f32 [tilespmem:s9], [sflag:$0x3], $0x10, s18, s7, $0xb8;
	[tilespmem:$0xB780] =	vst v63  }
0x16e: {  	_ =	swait.ge [sflag:s6], $0x2000  }
0x16f: {  	[sflag:s6] =	ssyncset.done $0x0  }
0x170: {  	[sflag:s6] =	ssyncadd.s32 $0xFFFFE000  }
0x171: {  	[tilespmem:s9], [sflag:$0x1] =	stream.indirect.gather [hbm4b:s3+s7], $0x10, s16, s7, $0xb8;
	[tilespmem:$0xB780] =	vst v63  }
0x172: {  	_ =	swait.ge [sflag:s10], $0x2000  }
0x173: {  	[sflag:s10] =	ssyncset.done $0x0  }
0x174: {  	[sflag:s10] =	ssyncadd.s32 $0xFFFFE000  }
0x175: {  	[spmem:s2] =	stream.indirect.scatter.add.f32 [tilespmem:s8], [sflag:$0x3], $0x10, s15, s7, $0xb8;
	[tilespmem:$0xB780] =	vst v63  }
0x176: {  	_ =	swait.ge [sflag:s6], $0x2000  }
0x177: {  	[sflag:s6] =	ssyncset.done $0x0  }
0x178: {  	[sflag:s6] =	ssyncadd.s32 $0xFFFFE000  }
0x179: {  	[tilespmem:s8], [sflag:$0x2] =	stream.indirect.gather [hbm4b:s3+s7], $0x10, s14, s7, $0xb8;
	[tilespmem:$0xB780] =	vst v63  }
0x17a: {  	_ =	swait.ge [sflag:s11], $0x2000  }
0x17b: {  	[sflag:s11] =	ssyncset.done $0x0  }
0x17c: {  	[sflag:s11] =	ssyncadd.s32 $0xFFFFE000  }
0x17d: {  	[spmem:s2] =	stream.indirect.scatter.add.f32 [tilespmem:s9], [sflag:$0x3], $0x10, s13, s7, $0xb8;
	[tilespmem:$0xB780] =	vst v63  }
0x17e: {  	_ =	swait.ge [sflag:s6], $0x2000  }
0x17f: {  	[sflag:s6] =	ssyncset.done $0x0  }
0x180: {  	[sflag:s6] =	ssyncadd.s32 $0xFFFFE000  }
0x181: {  	_ =	swait.ge [sflag:s10], $0x2000  }
0x182: {  	[sflag:s10] =	ssyncset.done $0x0  }
0x183: {  	[sflag:s10] =	ssyncadd.s32 $0xFFFFE000  }
0x184: {  	[spmem:s2] =	stream.indirect.scatter.add.f32 [tilespmem:s8], [sflag:$0x3], $0x10, s12, s7, $0xb8;
	[tilespmem:$0xB780] =	vst v63  }
0x185: {  	_ =	swait.ge [sflag:s6], $0x2000  }
0x186: {  	[sflag:s6] =	ssyncset.done $0x0  }
0x187: {  	p1 =	sne.s32 s1, $0x1;
	[sflag:s6] =	ssyncadd.s32 $0xFFFFE000  }
.Ltmp2:
0x188: {  	[bflag:$0x0] =	sbarrier.arrive $0xFFFF;
	(pc) =	sbr.rel @p1 .LBB2_2-.Ltmp2, $4  }
0x189: {  	s0 =	rddreg [dreg:$0x6]  }
0x18a: {  	[hbm:s0], [sflag:s4] =	dma.local [spmem:s5], $0x4F0  }
0x18b: {  	_ =	swait.ge [sflag:s6], $0x4F0  }
0x18c: {  	s1 =	sadd.s32 $0xFFFFFFFF, s1;
	s0 =	rddreg [dreg:$0x3];
	[sflag:s6] =	ssyncset.done $0x0  }
.LBB2_3:
0x18d: {  	[sflag:s6] =	ssyncadd.s32 @p0 $0xFFFFFB10  }
0x18e: {  	[spmem:s5], [sflag:s4] =	dma.local [hbm:s0], $0x4F0  }
0x18f: {  	_ =	swait.ge [sflag:s6], $0x4F0  }
0x190: {  	[sflag:s6] =	ssyncset.done $0x0  }
0x191: {  	s1 =	rddreg [dreg:$0x4];
	[sflag:s6] =	ssyncadd.s32 $0xFFFFFB10  }
0x192: {  	[tilespmem:s30], [sflag:$0x3] =	stream.linear.gather [hbm4b:s1+s30], $0x2800, $0x38;
	[tilespmem:$0xB780] =	vst v63  }
0x193: {  	_ =	swait.ge [sflag:s6], $0x2800  }
0x194: {  	[sflag:s6] =	ssyncset.done $0x0  }
0x195: {  	s1 =	rddreg [dreg:$0x5];
	[sflag:s6] =	ssyncadd.s32 $0xFFFFD800  }
0x196: {  	[tilespmem:s31], [sflag:$0x3] =	stream.linear.gather [hbm4b:s1+s30], $0x2800, $0x38;
	[tilespmem:$0xB780] =	vst v63  }
0x197: {  	_ =	swait.ge [sflag:s6], $0x2800  }
0x198: {  	[sflag:s6] =	ssyncset.done $0x0  }
0x199: {  	[sflag:s6] =	ssyncadd.s32 $0xFFFFD800  }
0x19a: {  	[bflag:$0x0] =	sbarrier.arrive $0xFFFF  }
0x19b: {  	[tilespmem:s9], [sflag:$0x1] =	stream.indirect.gather [hbm4b:s3+s7], $0x10, s30, s7, $0xb8;
	[tilespmem:$0xB780] =	vst v63  }
0x19c: {  	_ = 	snop  }
0x19d: {  	[tilespmem:s8], [sflag:$0x2] =	stream.indirect.gather [hbm4b:s3+s7], $0x10, s7, s7, $0xb8;
	[tilespmem:$0xB780] =	vst v63  }
0x19e: {  	_ =	swait.ge [sflag:s11], $0x2000  }
0x19f: {  	[sflag:s11] =	ssyncset.done $0x0  }
0x1a0: {  	[sflag:s11] =	ssyncadd.s32 $0xFFFFE000  }
0x1a1: {  	[spmem:s2] =	stream.indirect.scatter.add.f32 [tilespmem:s9], [sflag:$0x3], $0x10, s31, s7, $0xb8;
	[tilespmem:$0xB780] =	vst v63  }
0x1a2: {  	_ =	swait.ge [sflag:s6], $0x2000  }
0x1a3: {  	[sflag:s6] =	ssyncset.done $0x0  }
0x1a4: {  	s31 =	rddreg [dreg:$0x7];
	[sflag:s6] =	ssyncadd.s32 $0xFFFFE000  }
0x1a5: {  	[tilespmem:s9], [sflag:$0x1] =	stream.indirect.gather [hbm4b:s3+s7], $0x10, s31, s7, $0xb8;
	[tilespmem:$0xB780] =	vst v63  }
0x1a6: {  	_ =	swait.ge [sflag:s10], $0x2000  }
0x1a7: {  	[sflag:s10] =	ssyncset.done $0x0  }
0x1a8: {  	s1 =	rddreg [dreg:$0x8];
	[sflag:s10] =	ssyncadd.s32 $0xFFFFE000  }
0x1a9: {  	[spmem:s2] =	stream.indirect.scatter.add.f32 [tilespmem:s8], [sflag:$0x3], $0x10, s1, s7, $0xb8;
	[tilespmem:$0xB780] =	vst v63  }
0x1aa: {  	_ =	swait.ge [sflag:s6], $0x2000  }
0x1ab: {  	[sflag:s6] =	ssyncset.done $0x0  }
0x1ac: {  	s30 =	rddreg [dreg:$0x9];
	[sflag:s6] =	ssyncadd.s32 $0xFFFFE000  }
0x1ad: {  	[tilespmem:s8], [sflag:$0x2] =	stream.indirect.gather [hbm4b:s3+s7], $0x10, s30, s7, $0xb8;
	[tilespmem:$0xB780] =	vst v63  }
0x1ae: {  	_ =	swait.ge [sflag:s11], $0x2000  }
0x1af: {  	[sflag:s11] =	ssyncset.done $0x0  }
0x1b0: {  	s31 =	rddreg [dreg:$0xa];
	[sflag:s11] =	ssyncadd.s32 $0xFFFFE000  }
0x1b1: {  	[spmem:s2] =	stream.indirect.scatter.add.f32 [tilespmem:s9], [sflag:$0x3], $0x10, s31, s7, $0xb8;
	[tilespmem:$0xB780] =	vst v63  }
0x1b2: {  	_ =	swait.ge [sflag:s6], $0x2000  }
0x1b3: {  	[sflag:s6] =	ssyncset.done $0x0  }
0x1b4: {  	s1 =	rddreg [dreg:$0xb];
	[sflag:s6] =	ssyncadd.s32 $0xFFFFE000  }
0x1b5: {  	[tilespmem:s9], [sflag:$0x1] =	stream.indirect.gather [hbm4b:s3+s7], $0x10, s1, s7, $0xb8;
	[tilespmem:$0xB780] =	vst v63  }
0x1b6: {  	_ =	swait.ge [sflag:s10], $0x2000  }
0x1b7: {  	[sflag:s10] =	ssyncset.done $0x0  }
0x1b8: {  	s30 =	rddreg [dreg:$0xc];
	[sflag:s10] =	ssyncadd.s32 $0xFFFFE000  }
0x1b9: {  	[spmem:s2] =	stream.indirect.scatter.add.f32 [tilespmem:s8], [sflag:$0x3], $0x10, s30, s7, $0xb8;
	[tilespmem:$0xB780] =	vst v63  }
0x1ba: {  	_ =	swait.ge [sflag:s6], $0x2000  }
0x1bb: {  	[sflag:s6] =	ssyncset.done $0x0  }
0x1bc: {  	s31 =	rddreg [dreg:$0xd];
	[sflag:s6] =	ssyncadd.s32 $0xFFFFE000  }
0x1bd: {  	[tilespmem:s8], [sflag:$0x2] =	stream.indirect.gather [hbm4b:s3+s7], $0x10, s31, s7, $0xb8;
	[tilespmem:$0xB780] =	vst v63  }
0x1be: {  	_ =	swait.ge [sflag:s11], $0x2000  }
0x1bf: {  	[sflag:s11] =	ssyncset.done $0x0  }
0x1c0: {  	s1 =	rddreg [dreg:$0xe];
	[sflag:s11] =	ssyncadd.s32 $0xFFFFE000  }
0x1c1: {  	[spmem:s2] =	stream.indirect.scatter.add.f32 [tilespmem:s9], [sflag:$0x3], $0x10, s1, s7, $0xb8;
	[tilespmem:$0xB780] =	vst v63  }
0x1c2: {  	_ =	swait.ge [sflag:s6], $0x2000  }
0x1c3: {  	[sflag:s6] =	ssyncset.done $0x0  }
0x1c4: {  	s30 =	rddreg [dreg:$0xf];
	[sflag:s6] =	ssyncadd.s32 $0xFFFFE000  }
0x1c5: {  	[tilespmem:s9], [sflag:$0x1] =	stream.indirect.gather [hbm4b:s3+s7], $0x10, s30, s7, $0xb8;
	[tilespmem:$0xB780] =	vst v63  }
0x1c6: {  	_ =	swait.ge [sflag:s10], $0x2000  }
0x1c7: {  	[sflag:s10] =	ssyncset.done $0x0  }
0x1c8: {  	s31 =	rddreg [dreg:$0x10];
	[sflag:s10] =	ssyncadd.s32 $0xFFFFE000  }
0x1c9: {  	[spmem:s2] =	stream.indirect.scatter.add.f32 [tilespmem:s8], [sflag:$0x3], $0x10, s31, s7, $0xb8;
	[tilespmem:$0xB780] =	vst v63  }
0x1ca: {  	_ =	swait.ge [sflag:s6], $0x2000  }
0x1cb: {  	[sflag:s6] =	ssyncset.done $0x0  }
0x1cc: {  	s1 =	rddreg [dreg:$0x11];
	[sflag:s6] =	ssyncadd.s32 $0xFFFFE000  }
0x1cd: {  	[tilespmem:s8], [sflag:$0x2] =	stream.indirect.gather [hbm4b:s3+s7], $0x10, s1, s7, $0xb8;
	[tilespmem:$0xB780] =	vst v63  }
0x1ce: {  	_ =	swait.ge [sflag:s11], $0x2000  }
0x1cf: {  	[sflag:s11] =	ssyncset.done $0x0  }
0x1d0: {  	s30 =	rddreg [dreg:$0x12];
	[sflag:s11] =	ssyncadd.s32 $0xFFFFE000  }
0x1d1: {  	[spmem:s2] =	stream.indirect.scatter.add.f32 [tilespmem:s9], [sflag:$0x3], $0x10, s30, s7, $0xb8;
	[tilespmem:$0xB780] =	vst v63  }
0x1d2: {  	_ =	swait.ge [sflag:s6], $0x2000  }
0x1d3: {  	[sflag:s6] =	ssyncset.done $0x0  }
0x1d4: {  	s31 =	rddreg [dreg:$0x13];
	[sflag:s6] =	ssyncadd.s32 $0xFFFFE000  }
0x1d5: {  	[tilespmem:s9], [sflag:$0x1] =	stream.indirect.gather [hbm4b:s3+s7], $0x10, s31, s7, $0xb8;
	[tilespmem:$0xB780] =	vst v63  }
0x1d6: {  	_ =	swait.ge [sflag:s10], $0x2000  }
0x1d7: {  	[sflag:s10] =	ssyncset.done $0x0  }
0x1d8: {  	s1 =	rddreg [dreg:$0x14];
	[sflag:s10] =	ssyncadd.s32 $0xFFFFE000  }
0x1d9: {  	[spmem:s2] =	stream.indirect.scatter.add.f32 [tilespmem:s8], [sflag:$0x3], $0x10, s1, s7, $0xb8;
	[tilespmem:$0xB780] =	vst v63  }
0x1da: {  	_ =	swait.ge [sflag:s6], $0x2000  }
0x1db: {  	[sflag:s6] =	ssyncset.done $0x0  }
0x1dc: {  	s30 =	rddreg [dreg:$0x15];
	[sflag:s6] =	ssyncadd.s32 $0xFFFFE000  }
0x1dd: {  	[tilespmem:s8], [sflag:$0x2] =	stream.indirect.gather [hbm4b:s3+s7], $0x10, s30, s7, $0xb8;
	[tilespmem:$0xB780] =	vst v63  }
0x1de: {  	_ =	swait.ge [sflag:s11], $0x2000  }
0x1df: {  	[sflag:s11] =	ssyncset.done $0x0  }
0x1e0: {  	s31 =	rddreg [dreg:$0x16];
	[sflag:s11] =	ssyncadd.s32 $0xFFFFE000  }
0x1e1: {  	[spmem:s2] =	stream.indirect.scatter.add.f32 [tilespmem:s9], [sflag:$0x3], $0x10, s31, s7, $0xb8;
	[tilespmem:$0xB780] =	vst v63  }
0x1e2: {  	_ =	swait.ge [sflag:s6], $0x2000  }
0x1e3: {  	[sflag:s6] =	ssyncset.done $0x0  }
0x1e4: {  	s1 =	rddreg [dreg:$0x17];
	[sflag:s6] =	ssyncadd.s32 $0xFFFFE000  }
0x1e5: {  	[tilespmem:s9], [sflag:$0x1] =	stream.indirect.gather [hbm4b:s3+s7], $0x10, s1, s7, $0xb8;
	[tilespmem:$0xB780] =	vst v63  }
0x1e6: {  	_ =	swait.ge [sflag:s10], $0x2000  }
0x1e7: {  	[sflag:s10] =	ssyncset.done $0x0  }
0x1e8: {  	s30 =	rddreg [dreg:$0x18];
	[sflag:s10] =	ssyncadd.s32 $0xFFFFE000  }
0x1e9: {  	[spmem:s2] =	stream.indirect.scatter.add.f32 [tilespmem:s8], [sflag:$0x3], $0x10, s30, s7, $0xb8;
	[tilespmem:$0xB780] =	vst v63  }
0x1ea: {  	_ =	swait.ge [sflag:s6], $0x2000  }
0x1eb: {  	[sflag:s6] =	ssyncset.done $0x0  }
0x1ec: {  	s31 =	rddreg [dreg:$0x19];
	[sflag:s6] =	ssyncadd.s32 $0xFFFFE000  }
0x1ed: {  	[tilespmem:s8], [sflag:$0x2] =	stream.indirect.gather [hbm4b:s3+s7], $0x10, s31, s7, $0xb8;
	[tilespmem:$0xB780] =	vst v63  }
0x1ee: {  	_ =	swait.ge [sflag:s11], $0x2000  }
0x1ef: {  	[sflag:s11] =	ssyncset.done $0x0  }
0x1f0: {  	s1 =	rddreg [dreg:$0x1a];
	[sflag:s11] =	ssyncadd.s32 $0xFFFFE000  }
0x1f1: {  	[spmem:s2] =	stream.indirect.scatter.add.f32 [tilespmem:s9], [sflag:$0x3], $0x10, s1, s7, $0xb8;
	[tilespmem:$0xB780] =	vst v63  }
0x1f2: {  	_ =	swait.ge [sflag:s6], $0x2000  }
0x1f3: {  	[sflag:s6] =	ssyncset.done $0x0  }
0x1f4: {  	[sflag:s6] =	ssyncadd.s32 $0xFFFFE000  }
0x1f5: {  	[tilespmem:s9], [sflag:$0x1] =	stream.indirect.gather [hbm4b:s3+s7], $0x10, s29, s7, $0xb8;
	[tilespmem:$0xB780] =	vst v63  }
0x1f6: {  	_ =	swait.ge [sflag:s10], $0x2000  }
0x1f7: {  	[sflag:s10] =	ssyncset.done $0x0  }
0x1f8: {  	[sflag:s10] =	ssyncadd.s32 $0xFFFFE000  }
0x1f9: {  	[spmem:s2] =	stream.indirect.scatter.add.f32 [tilespmem:s8], [sflag:$0x3], $0x10, s28, s7, $0xb8;
	[tilespmem:$0xB780] =	vst v63  }
0x1fa: {  	_ =	swait.ge [sflag:s6], $0x2000  }
0x1fb: {  	[sflag:s6] =	ssyncset.done $0x0  }
0x1fc: {  	[sflag:s6] =	ssyncadd.s32 $0xFFFFE000  }
0x1fd: {  	[tilespmem:s8], [sflag:$0x2] =	stream.indirect.gather [hbm4b:s3+s7], $0x10, s26, s7, $0xb8;
	[tilespmem:$0xB780] =	vst v63  }
0x1fe: {  	_ =	swait.ge [sflag:s11], $0x2000  }
0x1ff: {  	[sflag:s11] =	ssyncset.done $0x0  }
0x200: {  	[sflag:s11] =	ssyncadd.s32 $0xFFFFE000  }
0x201: {  	[spmem:s2] =	stream.indirect.scatter.add.f32 [tilespmem:s9], [sflag:$0x3], $0x10, s25, s7, $0xb8;
	[tilespmem:$0xB780] =	vst v63  }
0x202: {  	_ =	swait.ge [sflag:s6], $0x2000  }
0x203: {  	[sflag:s6] =	ssyncset.done $0x0  }
0x204: {  	[sflag:s6] =	ssyncadd.s32 $0xFFFFE000  }
0x205: {  	[tilespmem:s9], [sflag:$0x1] =	stream.indirect.gather [hbm4b:s3+s7], $0x10, s24, s7, $0xb8;
	[tilespmem:$0xB780] =	vst v63  }
0x206: {  	_ =	swait.ge [sflag:s10], $0x2000  }
0x207: {  	[sflag:s10] =	ssyncset.done $0x0  }
0x208: {  	[sflag:s10] =	ssyncadd.s32 $0xFFFFE000  }
0x209: {  	[spmem:s2] =	stream.indirect.scatter.add.f32 [tilespmem:s8], [sflag:$0x3], $0x10, s23, s7, $0xb8;
	[tilespmem:$0xB780] =	vst v63  }
0x20a: {  	_ =	swait.ge [sflag:s6], $0x2000  }
0x20b: {  	[sflag:s6] =	ssyncset.done $0x0  }
0x20c: {  	[sflag:s6] =	ssyncadd.s32 $0xFFFFE000  }
0x20d: {  	[tilespmem:s8], [sflag:$0x2] =	stream.indirect.gather [hbm4b:s3+s7], $0x10, s22, s7, $0xb8;
	[tilespmem:$0xB780] =	vst v63  }
0x20e: {  	_ =	swait.ge [sflag:s11], $0x2000  }
0x20f: {  	[sflag:s11] =	ssyncset.done $0x0  }
0x210: {  	[sflag:s11] =	ssyncadd.s32 $0xFFFFE000  }
0x211: {  	[spmem:s2] =	stream.indirect.scatter.add.f32 [tilespmem:s9], [sflag:$0x3], $0x10, s21, s7, $0xb8;
	[tilespmem:$0xB780] =	vst v63  }
0x212: {  	_ =	swait.ge [sflag:s6], $0x2000  }
0x213: {  	[sflag:s6] =	ssyncset.done $0x0  }
0x214: {  	[sflag:s6] =	ssyncadd.s32 $0xFFFFE000  }
0x215: {  	[tilespmem:s9], [sflag:$0x1] =	stream.indirect.gather [hbm4b:s3+s7], $0x10, s20, s7, $0xb8;
	[tilespmem:$0xB780] =	vst v63  }
0x216: {  	_ =	swait.ge [sflag:s10], $0x2000  }
0x217: {  	[sflag:s10] =	ssyncset.done $0x0  }
0x218: {  	[sflag:s10] =	ssyncadd.s32 $0xFFFFE000  }
0x219: {  	[spmem:s2] =	stream.indirect.scatter.add.f32 [tilespmem:s8], [sflag:$0x3], $0x10, s19, s7, $0xb8;
	[tilespmem:$0xB780] =	vst v63  }
0x21a: {  	_ =	swait.ge [sflag:s6], $0x2000  }
0x21b: {  	[sflag:s6] =	ssyncset.done $0x0  }
0x21c: {  	[sflag:s6] =	ssyncadd.s32 $0xFFFFE000  }
0x21d: {  	[tilespmem:s8], [sflag:$0x2] =	stream.indirect.gather [hbm4b:s3+s7], $0x10, s17, s7, $0xb8;
	[tilespmem:$0xB780] =	vst v63  }
0x21e: {  	_ =	swait.ge [sflag:s11], $0x2000  }
0x21f: {  	[sflag:s11] =	ssyncset.done $0x0  }
0x220: {  	[sflag:s11] =	ssyncadd.s32 $0xFFFFE000  }
0x221: {  	[spmem:s2] =	stream.indirect.scatter.add.f32 [tilespmem:s9], [sflag:$0x3], $0x10, s18, s7, $0xb8;
	[tilespmem:$0xB780] =	vst v63  }
0x222: {  	_ =	swait.ge [sflag:s6], $0x2000  }
0x223: {  	[sflag:s6] =	ssyncset.done $0x0  }
0x224: {  	[sflag:s6] =	ssyncadd.s32 $0xFFFFE000  }
0x225: {  	[tilespmem:s9], [sflag:$0x1] =	stream.indirect.gather [hbm4b:s3+s7], $0x10, s16, s7, $0xb8;
	[tilespmem:$0xB780] =	vst v63  }
0x226: {  	_ =	swait.ge [sflag:s10], $0x2000  }
0x227: {  	[sflag:s10] =	ssyncset.done $0x0  }
0x228: {  	[sflag:s10] =	ssyncadd.s32 $0xFFFFE000  }
0x229: {  	[spmem:s2] =	stream.indirect.scatter.add.f32 [tilespmem:s8], [sflag:$0x3], $0x10, s15, s7, $0xb8;
	[tilespmem:$0xB780] =	vst v63  }
0x22a: {  	_ =	swait.ge [sflag:s6], $0x2000  }
0x22b: {  	[sflag:s6] =	ssyncset.done $0x0  }
0x22c: {  	[sflag:s6] =	ssyncadd.s32 $0xFFFFE000  }
0x22d: {  	[tilespmem:s8], [sflag:$0x2] =	stream.indirect.gather [hbm4b:s3+s7], $0x10, s14, s7, $0xb8;
	[tilespmem:$0xB780] =	vst v63  }
0x22e: {  	_ =	swait.ge [sflag:s11], $0x2000  }
0x22f: {  	[sflag:s11] =	ssyncset.done $0x0  }
0x230: {  	[sflag:s11] =	ssyncadd.s32 $0xFFFFE000  }
0x231: {  	[spmem:s2] =	stream.indirect.scatter.add.f32 [tilespmem:s9], [sflag:$0x3], $0x10, s13, s7, $0xb8;
	[tilespmem:$0xB780] =	vst v63  }
0x232: {  	_ =	swait.ge [sflag:s6], $0x2000  }
0x233: {  	[sflag:s6] =	ssyncset.done $0x0  }
0x234: {  	[sflag:s6] =	ssyncadd.s32 $0xFFFFE000  }
0x235: {  	_ =	swait.ge [sflag:s10], $0x2000  }
0x236: {  	[sflag:s10] =	ssyncset.done $0x0  }
0x237: {  	[sflag:s10] =	ssyncadd.s32 $0xFFFFE000  }
0x238: {  	[spmem:s2] =	stream.indirect.scatter.add.f32 [tilespmem:s8], [sflag:$0x3], $0x10, s12, s7, $0xb8;
	[tilespmem:$0xB780] =	vst v63  }
0x239: {  	_ =	swait.ge [sflag:s6], $0x2000  }
0x23a: {  	[sflag:s6] =	ssyncset.done $0x0  }
0x23b: {  	[sflag:s6] =	ssyncadd.s32 $0xFFFFE000  }
0x23c: {  	[bflag:$0x0] =	sbarrier.arrive $0xFFFF  }
0x23d: {  	s30 =	rddreg [dreg:$0x6]  }
0x23e: {  	[hbm:s30], [sflag:s4] =	dma.local [spmem:s5], $0x4F0  }
0x23f: {  	_ =	swait.ge [sflag:s6], $0x4F0  }
0x240: {  	[sflag:s6] =	ssyncset.done $0x0  }
0x241: {  	[sflag:s6] =	ssyncadd.s32 $0xFFFFFB10  }
0x242: {  	_ =	sfence.sel $0x180000  }
0x243: {  	[bflag:$0x0] =	sbarrier.arrive $0xFFFF  }
0x244: {  	_ =	strace $0x90000050  }
0x245: {  	s31 =	stileid.u32;
	[bflag:$0x2] =	sbarrier.arrive $0xFFFF  }
0x246: {  	p0 =	sne.s32 s31, $0x0;
	s0 =	rddreg [dreg:$0x2]  }
0x247: {  	s0 =	sadd.s32 @!p0 $0x100000, s0  }
0x248: {  	[sflag:s0] =	ssyncadd.tile.s32 @!p0 $0x1;
	_ =	shalt  }
.Lfunc_end2:
_tile_overlayer_lowered:
.L_overlay_start_2:
0x249: {  	(tag) =	ssettag $0x2  }
0x24a: {  	s0 =	rddreg [dreg:$0x0];
	s2 =	stileid.u32  }
0x24b: {  	s1 =	rddreg [dreg:$0x1];
	p0 =	sne.s32 s2, $0x0  }
0x24c: {  	s3 =	rddreg [dreg:$0x2];
	[bflag:$0x3] =	sbarrier.arrive $0xFFFF;
	s2 =	simm.s32 @!p0 $0x1C03  }
0x24d: {  	[timem:s3], [sflag:s2] =	dma.local @!p0 [hbm:s0], s1  }
0x24e: {  	s0 =	simm.s32 @!p0 $0x3  }
0x24f: {  	_ =	swait.ge @!p0 [sflag:s0], s1  }
0x250: {  	s1 =	ssub.s32 @!p0 $0x0, s1;
	[sflag:s0] =	ssyncset.done @!p0 $0x0  }
0x251: {  	[sflag:s0] =	ssyncadd.s32 @!p0 s1  }
0x252: {  	[bflag:$0x3] =	sbarrier.arrive $0xFFFF  }
0x253: {  	_ =	shalt  }

</sc_bundles>
